<compile_context>
chip_gen: v7x
topology: tpu7x:2x2x1
jax: 0.10.2.dev20260603
libtpu: 0.0.44.dev20260713+nightly
codegen_flags: <defaults>
</compile_context>

<pallas_src>
import jax
import jax.numpy as jnp
from jax import lax
from jax.experimental import pallas as pl
from jax.experimental.pallas import tpu as pltpu
from jax.experimental.pallas import tpu_sc as plsc

NE = 8
RK = 16
SCALE = 2.0
BF = jnp.bfloat16
F32 = jnp.float32
L = 16



def _logits_body(gw_ref, x_ref, o_ref):
    cw = o_ref.shape[2]
    for j in range(o_ref.shape[0]):
        xs = x_ref[pl.ds(j * cw, cw), :]
        o_ref[j] = lax.dot_general(gw_ref[...], xs, (((1,), (1,)), ((), ())),
                                   preferred_element_type=F32)



def _router_body(l_hbm, o_hbm, l_v, o_v):
    info = plsc.get_sparse_core_info()
    nc = info.num_cores
    wid = lax.axis_index("s") * nc + lax.axis_index("c")
    pltpu.sync_copy(l_hbm.at[wid], l_v)
    nvec = l_v.shape[1] // L
    for i in range(nvec):
        sl = pl.ds(i * L, L)
        le = [l_v[e, sl] for e in range(NE)]
        m1 = le[0]
        for e in range(1, NE):
            m1 = jnp.maximum(m1, le[e])
        e0 = jnp.full((L,), float(NE), F32)
        for e in range(NE - 1, -1, -1):
            e0 = jnp.where(le[e] >= m1, float(e), e0)
        m2 = jnp.full((L,), -1e30, F32)
        for e in range(NE):
            l2e = jnp.where(e0 == float(e), -1e30, le[e])
            m2 = jnp.maximum(m2, l2e)
        e1 = jnp.full((L,), float(NE), F32)
        for e in range(NE - 1, -1, -1):
            l2e = jnp.where(e0 == float(e), -1e30, le[e])
            e1 = jnp.where(l2e >= m2, float(e), e1)
        w0 = 1.0 / (1.0 + jnp.exp(m2 - m1))
        o_v[0, sl] = e0
        o_v[1, sl] = e1
        o_v[2, sl] = w0
        o_v[3, sl] = 1.0 - w0
    pltpu.sync_copy(o_v, o_hbm.at[wid])



_DNT = (((1,), (1,)), ((), ()))


def _moe_body(x_ref, ew_ref, wg_ref, wu_ref, wd_ref, ag_ref, au_ref,
              bg_ref, bu_ref, ad_ref, bd_ref, o_ref):
    x32 = x_ref[...]
    xb = x32.astype(BF)
    TT = xb.shape[0]

    nw = ew_ref.shape[0]
    ew = jnp.concatenate([ew_ref[c] for c in range(nw)], axis=-1)
    ewt = ew.T
    e0 = ewt[:, 0:1].astype(jnp.int32)
    e1 = ewt[:, 1:2].astype(jnp.int32)
    w0 = ewt[:, 2:3]
    w1 = ewt[:, 3:4]

    ce = lax.broadcasted_iota(jnp.int32, (TT, NE * RK), 1) // RK
    mk0 = (ce == e0).astype(BF)
    mk1 = (ce == e1).astype(BF)

    cg = lax.dot_general(xb, wg_ref[...], _DNT,
                         preferred_element_type=F32)
    cu = lax.dot_general(xb, wu_ref[...], _DNT,
                         preferred_element_type=F32)
    ug = lax.dot_general(xb, ag_ref[...], _DNT,
                         preferred_element_type=F32).astype(BF)
    uu = lax.dot_general(xb, au_ref[...], _DNT,
                         preferred_element_type=F32).astype(BF)

    ugm = jnp.concatenate([ug * mk0, ug * mk1], axis=0)
    uum = jnp.concatenate([uu * mk0, uu * mk1], axis=0)
    dg = jnp.dot(ugm, bg_ref[...], preferred_element_type=F32)
    du = jnp.dot(uum, bu_ref[...], preferred_element_type=F32)

    def slot(k, mk, w):
        g = (cg + SCALE * dg[k * TT:(k + 1) * TT]).astype(BF)
        u = (cu + SCALE * du[k * TT:(k + 1) * TT]).astype(BF)
        z = (g * jax.nn.sigmoid(g)) * u * w.astype(BF)
        v = lax.dot_general(z, ad_ref[...], _DNT,
                            preferred_element_type=F32)
        return z, (v * mk.astype(F32)).astype(BF)

    z0, v0 = slot(0, mk0, w0)
    z1, v1 = slot(1, mk1, w1)
    out = lax.dot_general(z0 + z1, wd_ref[...], _DNT,
                          preferred_element_type=F32)
    out = out + SCALE * jnp.dot(v0 + v1, bd_ref[...],
                                preferred_element_type=F32)
    o_ref[...] = out


@jax.jit
def _run(x, gate_w, Wg, Wu, Wd, Ag2f, Au2f, BgTf, BuTf, Ad2f, BdTf):
    T, D = x.shape
    FF = Wg.shape[0]
    TT = 256
    NW = 32
    CW = T // NW

    TB = 2048
    logitsT = pl.pallas_call(
        _logits_body,
        grid=(T // TB,),
        in_specs=[
            pl.BlockSpec((NE, D), lambda i: (0, 0)),
            pl.BlockSpec((TB, D), lambda i: (i, 0)),
        ],
        out_specs=pl.BlockSpec((TB // CW, NE, CW), lambda i: (i, 0, 0)),
        out_shape=jax.ShapeDtypeStruct((NW, NE, CW), F32),
    )(gate_w, x)

    mesh = plsc.VectorSubcoreMesh(core_axis_name="c", subcore_axis_name="s")
    ew = pl.kernel(
        _router_body,
        mesh=mesh,
        out_type=jax.ShapeDtypeStruct((NW, 4, CW), F32),
        scratch_types=[
            pltpu.VMEM((NE, CW), F32),
            pltpu.VMEM((4, CW), F32),
        ],
    )(logitsT)

    tie = 0.0 * logitsT[0, 0, 0]
    cast = lambda a: (a + tie).astype(BF)
    Wg16, Wu16, Wd16 = cast(Wg), cast(Wu), cast(Wd)
    Ag2, Au2, Ad2 = cast(Ag2f), cast(Au2f), cast(Ad2f)
    BgT, BuT, BdT = cast(BgTf), cast(BuTf), cast(BdTf)

    const = lambda shape: pl.BlockSpec(shape, lambda i: (0, 0))
    return pl.pallas_call(
        _moe_body,
        grid=(T // TT,),
        in_specs=[
            pl.BlockSpec((TT, D), lambda i: (i, 0)),
            pl.BlockSpec((TT // CW, 4, CW), lambda i: (i, 0, 0)),
            const((FF, D)), const((FF, D)), const((D, FF)),
            const((NE * RK, D)), const((NE * RK, D)),
            const((NE * RK, FF)), const((NE * RK, FF)),
            const((NE * RK, FF)), const((NE * RK, D)),
        ],
        out_specs=pl.BlockSpec((TT, D), lambda i: (i, 0)),
        out_shape=jax.ShapeDtypeStruct((T, D), F32),
    )(x, ew, Wg16, Wu16, Wd16, Ag2, Au2, BgT, BuT, Ad2, BdT)


def kernel(hidden_states, gate_w, Wg, Wu, Wd, Ag, Bg, Au, Bu, Ad, Bd):
    B, S, D = hidden_states.shape
    x = hidden_states.reshape(B * S, D)
    Ag2f = Ag.reshape(NE * RK, -1)
    Au2f = Au.reshape(NE * RK, -1)
    Ad2f = Ad.reshape(NE * RK, -1)
    BgTf = Bg.transpose(0, 2, 1).reshape(NE * RK, -1)
    BuTf = Bu.transpose(0, 2, 1).reshape(NE * RK, -1)
    BdTf = Bd.transpose(0, 2, 1).reshape(NE * RK, -1)
    out = _run(x, gate_w, Wg, Wu, Wd, Ag2f, Au2f, BgTf, BuTf, Ad2f, BdTf)
    return out.reshape(B, S, D)

# --- scband reference (transcript-rebuilt; emitter-appended) ---
"""Pipeline reference for scband-mix-lora-sparse-moe-33913061769875 (READ-ONLY COPY).

The authoritative reference and input builder live on the scoring server;
editing this copy changes nothing except your own understanding.
"""

import jax, jax.numpy as jnp
import numpy as np

NUM_EXPERTS = 8
TOP_K = 2
D_MODEL = 1024
D_FF = 2816
RANK = 16
SCALING = 2.0
BATCH = 2
SEQ = 2048


def setup_inputs(seed: int = 0) -> dict:
    key = jax.random.key(seed)
    ks = jax.random.split(key, 12)
    hidden_states = jax.random.normal(ks[0], (BATCH, SEQ, D_MODEL), dtype=jnp.float32)
    # router gate weight (F.linear convention: [out, in])
    gate_w = jax.random.normal(ks[1], (NUM_EXPERTS, D_MODEL), dtype=jnp.float32) * 0.02
    # shared base-layer llama MLP weights
    Wg = jax.random.normal(ks[2], (D_FF, D_MODEL), dtype=jnp.float32) * 0.02
    Wu = jax.random.normal(ks[3], (D_FF, D_MODEL), dtype=jnp.float32) * 0.02
    Wd = jax.random.normal(ks[4], (D_MODEL, D_FF), dtype=jnp.float32) * 0.02
    # per-expert LoRA adapters: A [E, r, in], B [E, out, r]
    Ag = jax.random.normal(ks[5], (NUM_EXPERTS, RANK, D_MODEL), dtype=jnp.float32) * 0.02
    Bg = jnp.zeros((NUM_EXPERTS, D_FF, RANK), dtype=jnp.float32) + jax.random.normal(ks[6], (NUM_EXPERTS, D_FF, RANK), dtype=jnp.float32) * 0.02
    Au = jax.random.normal(ks[7], (NUM_EXPERTS, RANK, D_MODEL), dtype=jnp.float32) * 0.02
    Bu = jax.random.normal(ks[8], (NUM_EXPERTS, D_FF, RANK), dtype=jnp.float32) * 0.02
    Ad = jax.random.normal(ks[9], (NUM_EXPERTS, RANK, D_FF), dtype=jnp.float32) * 0.02
    Bd = jax.random.normal(ks[10], (NUM_EXPERTS, D_MODEL, RANK), dtype=jnp.float32) * 0.02
    return {"hidden_states": hidden_states, "gate_w": gate_w, "Wg": Wg, "Wu": Wu, "Wd": Wd,
            "Ag": Ag, "Bg": Bg, "Au": Au, "Bu": Bu, "Ad": Ad, "Bd": Bd}


def reference(hidden_states, gate_w, Wg, Wu, Wd, Ag, Bg, Au, Bu, Ad, Bd):
    B, S, D = hidden_states.shape
    T = B * S
    x = hidden_states.reshape(T, D)
    # router: logits -> softmax -> top-k -> renormalize (jitter_noise == 0)
    router_logits = x @ gate_w.T
    routing_weights = jax.nn.softmax(router_logits, axis=-1)
    top_w, sel = jax.lax.top_k(routing_weights, TOP_K)
    top_w = top_w / jnp.sum(top_w, axis=-1, keepdims=True)
    # shared base projections computed once for all tokens (as in _llama_forward)
    common_gate = x @ Wg.T
    common_up = x @ Wu.T
    final = jnp.zeros((T, D), dtype=jnp.float32)
    for e in range(NUM_EXPERTS):
        # routing weight for this expert per token (0 for tokens not routed here)
        w_e = jnp.sum(top_w * (sel == e).astype(top_w.dtype), axis=-1)
        # LoRA-adapted gate/up: base + scaling * (x A^T) B^T
        gate_states = common_gate + ((x @ Ag[e].T) @ Bg[e].T) * SCALING
        up_states = common_up + ((x @ Au[e].T) @ Bu[e].T) * SCALING
        act_result = jax.nn.silu(gate_states) * up_states
        down = act_result @ Wd.T + ((act_result @ Ad[e].T) @ Bd[e].T) * SCALING
        # index_add_ weighted accumulation == dense weighted sum (weight 0 for unrouted)
        final = final + down * w_e[:, None]
    return final.reshape(B, S, D)

if __name__ == "__main__":
    import jax
    _d = setup_inputs()
    print(jax.jit(kernel)(*tuple(_d.values())))

</pallas_src>

<mosaic_0001>
#map = affine_map<(d0, d1) -> (0, 0, 0)>
module attributes {stable_mosaic.version = 14 : i64} {
  func.func @_router_body(%arg0: i32, %arg1: i32, %arg2: memref<32x8x128xf32, #tpu.memory_space<hbm>>, %arg3: memref<32x4x128xf32, #tpu.memory_space<hbm>>, %arg4: memref<8x128xf32, #tpu.memory_space<vmem>>, %arg5: memref<4x128xf32, #tpu.memory_space<vmem>>) attributes {dimension_semantics = [#tpu.dimension_semantics<core_parallel>, #tpu.dimension_semantics<subcore_parallel>], iteration_bounds = array<i64: 2, 16>, scalar_prefetch = 0 : i64, scratch_operands = 2 : i64, tpu.core_type = #tpu.core_type<sc_vector_subcore>, window_params = [{transform_indices = #map}, {transform_indices = #map}]} {
    %mul3A = arith.constant 2 : i32
    %mul3A_0 = arith.muli %arg1, %mul3A : i32
    %add3A = arith.addi %mul3A_0, %arg0 : i32
    "tpu.region"() ({
      %run_scoped3A = tpu.sem_alloc : memref<!tpu.dma_semaphore, #tpu.memory_space<semaphore_mem>>
      %dma_start3A = arith.constant 0 : i32
      %dma_start3A_2038 = arith.constant 0 : i32
      %dma_start3A_2039 = tpu.memref_slice %arg2[%add3A, %dma_start3A, %dma_start3A_2038] : memref<32x8x128xf32, #tpu.memory_space<hbm>> -> memref<1x8x128xf32, #tpu.memory_space<hbm>>
      %dma_start3A_2040 = tpu.memref_squeeze %dma_start3A_2039 : memref<1x8x128xf32, #tpu.memory_space<hbm>> -> memref<8x128xf32, #tpu.memory_space<hbm>>
      %dma_start3A_2041 = arith.constant 0 : i32
      %dma_start3A_2042 = arith.constant 0 : i32
      %dma_start3A_2043 = tpu.memref_slice %arg2[%add3A, %dma_start3A_2041, %dma_start3A_2042] : memref<32x8x128xf32, #tpu.memory_space<hbm>> -> memref<1x8x128xf32, #tpu.memory_space<hbm>>
      %dma_start3A_2044 = tpu.memref_squeeze %dma_start3A_2043 : memref<1x8x128xf32, #tpu.memory_space<hbm>> -> memref<8x128xf32, #tpu.memory_space<hbm>>
      tpu.enqueue_dma source(%dma_start3A_2044 : memref<8x128xf32, #tpu.memory_space<hbm>>) target(%arg4 : memref<8x128xf32, #tpu.memory_space<vmem>>) target_semaphore(%run_scoped3A : memref<!tpu.dma_semaphore, #tpu.memory_space<semaphore_mem>>)
      %dma_wait3A = arith.constant 0 : i32
      %dma_wait3A_2045 = arith.constant 0 : i32
      %dma_wait3A_2046 = tpu.memref_slice %arg2[%add3A, %dma_wait3A, %dma_wait3A_2045] : memref<32x8x128xf32, #tpu.memory_space<hbm>> -> memref<1x8x128xf32, #tpu.memory_space<hbm>>
      %dma_wait3A_2047 = tpu.memref_squeeze %dma_wait3A_2046 : memref<1x8x128xf32, #tpu.memory_space<hbm>> -> memref<8x128xf32, #tpu.memory_space<hbm>>
      %dma_wait3A_2048 = arith.constant 0 : i32
      %dma_wait3A_2049 = arith.constant 0 : i32
      %dma_wait3A_2050 = tpu.memref_slice %arg2[%add3A, %dma_wait3A_2048, %dma_wait3A_2049] : memref<32x8x128xf32, #tpu.memory_space<hbm>> -> memref<1x8x128xf32, #tpu.memory_space<hbm>>
      %dma_wait3A_2051 = tpu.memref_squeeze %dma_wait3A_2050 : memref<1x8x128xf32, #tpu.memory_space<hbm>> -> memref<8x128xf32, #tpu.memory_space<hbm>>
      tpu.wait_dma2 semaphore(%run_scoped3A : memref<!tpu.dma_semaphore, #tpu.memory_space<semaphore_mem>>) src(%dma_wait3A_2051 : memref<8x128xf32, #tpu.memory_space<hbm>>) dst(%arg4 : memref<8x128xf32, #tpu.memory_space<vmem>>)
      tpu.yield
    }) : () -> ()
    %get3A = arith.constant 0 : i32
    %get3A_1 = arith.index_cast %get3A : i32 to index
    %get3A_2 = arith.constant 0 : index
    %get3A_3 = tpu.vector_load %arg4[%get3A_1, %get3A_2] {strides = array<i32>} : memref<8x128xf32, #tpu.memory_space<vmem>>, vector<1x16xf32>,
    %get3A_4 = vector.shape_cast %get3A_3 : vector<1x16xf32> to vector<16xf32>
    %get3A_5 = arith.constant 1 : i32
    %get3A_6 = arith.index_cast %get3A_5 : i32 to index
    %get3A_7 = arith.constant 0 : index
    %get3A_8 = tpu.vector_load %arg4[%get3A_6, %get3A_7] {strides = array<i32>} : memref<8x128xf32, #tpu.memory_space<vmem>>, vector<1x16xf32>,
    %get3A_9 = vector.shape_cast %get3A_8 : vector<1x16xf32> to vector<16xf32>
    %get3A_10 = arith.constant 2 : i32
    %get3A_11 = arith.index_cast %get3A_10 : i32 to index
    %get3A_12 = arith.constant 0 : index
    %get3A_13 = tpu.vector_load %arg4[%get3A_11, %get3A_12] {strides = array<i32>} : memref<8x128xf32, #tpu.memory_space<vmem>>, vector<1x16xf32>,
    %get3A_14 = vector.shape_cast %get3A_13 : vector<1x16xf32> to vector<16xf32>
    %get3A_15 = arith.constant 3 : i32
    %get3A_16 = arith.index_cast %get3A_15 : i32 to index
    %get3A_17 = arith.constant 0 : index
    %get3A_18 = tpu.vector_load %arg4[%get3A_16, %get3A_17] {strides = array<i32>} : memref<8x128xf32, #tpu.memory_space<vmem>>, vector<1x16xf32>,
    %get3A_19 = vector.shape_cast %get3A_18 : vector<1x16xf32> to vector<16xf32>
    %get3A_20 = arith.constant 4 : i32
    %get3A_21 = arith.index_cast %get3A_20 : i32 to index
    %get3A_22 = arith.constant 0 : index
    %get3A_23 = tpu.vector_load %arg4[%get3A_21, %get3A_22] {strides = array<i32>} : memref<8x128xf32, #tpu.memory_space<vmem>>, vector<1x16xf32>,
    %get3A_24 = vector.shape_cast %get3A_23 : vector<1x16xf32> to vector<16xf32>
    %get3A_25 = arith.constant 5 : i32
    %get3A_26 = arith.index_cast %get3A_25 : i32 to index
    %get3A_27 = arith.constant 0 : index
    %get3A_28 = tpu.vector_load %arg4[%get3A_26, %get3A_27] {strides = array<i32>} : memref<8x128xf32, #tpu.memory_space<vmem>>, vector<1x16xf32>,
    %get3A_29 = vector.shape_cast %get3A_28 : vector<1x16xf32> to vector<16xf32>
    %get3A_30 = arith.constant 6 : i32
    %get3A_31 = arith.index_cast %get3A_30 : i32 to index
    %get3A_32 = arith.constant 0 : index
    %get3A_33 = tpu.vector_load %arg4[%get3A_31, %get3A_32] {strides = array<i32>} : memref<8x128xf32, #tpu.memory_space<vmem>>, vector<1x16xf32>,
    %get3A_34 = vector.shape_cast %get3A_33 : vector<1x16xf32> to vector<16xf32>
    %get3A_35 = arith.constant 7 : i32
    %get3A_36 = arith.index_cast %get3A_35 : i32 to index
    %get3A_37 = arith.constant 0 : index
    %get3A_38 = tpu.vector_load %arg4[%get3A_36, %get3A_37] {strides = array<i32>} : memref<8x128xf32, #tpu.memory_space<vmem>>, vector<1x16xf32>,
    %get3A_39 = vector.shape_cast %get3A_38 : vector<1x16xf32> to vector<16xf32>
    %max3A = arith.maximumf %get3A_4, %get3A_9 : vector<16xf32>
    %max3A_40 = arith.maximumf %max3A, %get3A_14 : vector<16xf32>
    %max3A_41 = arith.maximumf %max3A_40, %get3A_19 : vector<16xf32>
    %max3A_42 = arith.maximumf %max3A_41, %get3A_24 : vector<16xf32>
    %max3A_43 = arith.maximumf %max3A_42, %get3A_29 : vector<16xf32>
    %max3A_44 = arith.maximumf %max3A_43, %get3A_34 : vector<16xf32>
    %max3A_45 = arith.maximumf %max3A_44, %get3A_39 : vector<16xf32>
    %broadcast_in_dim3A = arith.constant 8.000000e+00 : f32
    %broadcast_in_dim3A_46 = vector.broadcast %broadcast_in_dim3A : f32 to vector<16xf32>
    %ge3A = arith.cmpf oge, %get3A_39, %max3A_45 : vector<16xf32>
    %jit3A = arith.constant 7.000000e+00 : f32
    %broadcast_in_dim3A_47 = vector.broadcast %jit3A : f32 to vector<16xf32>
    %select_n3A = arith.select %ge3A, %broadcast_in_dim3A_47, %broadcast_in_dim3A_46 : vector<16xi1>, vector<16xf32>
    %ge3A_48 = arith.cmpf oge, %get3A_34, %max3A_45 : vector<16xf32>
    %jit3A_49 = arith.constant 6.000000e+00 : f32
    %broadcast_in_dim3A_50 = vector.broadcast %jit3A_49 : f32 to vector<16xf32>
    %select_n3A_51 = arith.select %ge3A_48, %broadcast_in_dim3A_50, %select_n3A : vector<16xi1>, vector<16xf32>
    %ge3A_52 = arith.cmpf oge, %get3A_29, %max3A_45 : vector<16xf32>
    %jit3A_53 = arith.constant 5.000000e+00 : f32
    %broadcast_in_dim3A_54 = vector.broadcast %jit3A_53 : f32 to vector<16xf32>
    %select_n3A_55 = arith.select %ge3A_52, %broadcast_in_dim3A_54, %select_n3A_51 : vector<16xi1>, vector<16xf32>
    %ge3A_56 = arith.cmpf oge, %get3A_24, %max3A_45 : vector<16xf32>
    %jit3A_57 = arith.constant 4.000000e+00 : f32
    %broadcast_in_dim3A_58 = vector.broadcast %jit3A_57 : f32 to vector<16xf32>
    %select_n3A_59 = arith.select %ge3A_56, %broadcast_in_dim3A_58, %select_n3A_55 : vector<16xi1>, vector<16xf32>
    %ge3A_60 = arith.cmpf oge, %get3A_19, %max3A_45 : vector<16xf32>
    %jit3A_61 = arith.constant 3.000000e+00 : f32
    %broadcast_in_dim3A_62 = vector.broadcast %jit3A_61 : f32 to vector<16xf32>
    %select_n3A_63 = arith.select %ge3A_60, %broadcast_in_dim3A_62, %select_n3A_59 : vector<16xi1>, vector<16xf32>
    %ge3A_64 = arith.cmpf oge, %get3A_14, %max3A_45 : vector<16xf32>
    %jit3A_65 = arith.constant 2.000000e+00 : f32
    %broadcast_in_dim3A_66 = vector.broadcast %jit3A_65 : f32 to vector<16xf32>
    %select_n3A_67 = arith.select %ge3A_64, %broadcast_in_dim3A_66, %select_n3A_63 : vector<16xi1>, vector<16xf32>
    %ge3A_68 = arith.cmpf oge, %get3A_9, %max3A_45 : vector<16xf32>
    %jit3A_69 = arith.constant 1.000000e+00 : f32
    %broadcast_in_dim3A_70 = vector.broadcast %jit3A_69 : f32 to vector<16xf32>
    %select_n3A_71 = arith.select %ge3A_68, %broadcast_in_dim3A_70, %select_n3A_67 : vector<16xi1>, vector<16xf32>
    %ge3A_72 = arith.cmpf oge, %get3A_4, %max3A_45 : vector<16xf32>
    %jit3A_73 = arith.constant 0.000000e+00 : f32
    %broadcast_in_dim3A_74 = vector.broadcast %jit3A_73 : f32 to vector<16xf32>
    %select_n3A_75 = arith.select %ge3A_72, %broadcast_in_dim3A_74, %select_n3A_71 : vector<16xi1>, vector<16xf32>
    %broadcast_in_dim3A_76 = arith.constant -1.000000e+30 : f32
    %broadcast_in_dim3A_77 = vector.broadcast %broadcast_in_dim3A_76 : f32 to vector<16xf32>
    %eq3A = arith.constant 0.000000e+00 : f32
    %eq3A_78 = vector.broadcast %eq3A : f32 to vector<16xf32>
    %eq3A_79 = arith.cmpf oeq, %select_n3A_75, %eq3A_78 : vector<16xf32>
    %jit3A_80 = arith.constant -1.000000e+30 : f32
    %broadcast_in_dim3A_81 = vector.broadcast %jit3A_80 : f32 to vector<16xf32>
    %select_n3A_82 = arith.select %eq3A_79, %broadcast_in_dim3A_81, %get3A_4 : vector<16xi1>, vector<16xf32>
    %max3A_83 = arith.maximumf %broadcast_in_dim3A_77, %select_n3A_82 : vector<16xf32>
    %eq3A_84 = arith.constant 1.000000e+00 : f32
    %eq3A_85 = vector.broadcast %eq3A_84 : f32 to vector<16xf32>
    %eq3A_86 = arith.cmpf oeq, %select_n3A_75, %eq3A_85 : vector<16xf32>
    %jit3A_87 = arith.constant -1.000000e+30 : f32
    %broadcast_in_dim3A_88 = vector.broadcast %jit3A_87 : f32 to vector<16xf32>
    %select_n3A_89 = arith.select %eq3A_86, %broadcast_in_dim3A_88, %get3A_9 : vector<16xi1>, vector<16xf32>
    %max3A_90 = arith.maximumf %max3A_83, %select_n3A_89 : vector<16xf32>
    %eq3A_91 = arith.constant 2.000000e+00 : f32
    %eq3A_92 = vector.broadcast %eq3A_91 : f32 to vector<16xf32>
    %eq3A_93 = arith.cmpf oeq, %select_n3A_75, %eq3A_92 : vector<16xf32>
    %jit3A_94 = arith.constant -1.000000e+30 : f32
    %broadcast_in_dim3A_95 = vector.broadcast %jit3A_94 : f32 to vector<16xf32>
    %select_n3A_96 = arith.select %eq3A_93, %broadcast_in_dim3A_95, %get3A_14 : vector<16xi1>, vector<16xf32>
    %max3A_97 = arith.maximumf %max3A_90, %select_n3A_96 : vector<16xf32>
    %eq3A_98 = arith.constant 3.000000e+00 : f32
    %eq3A_99 = vector.broadcast %eq3A_98 : f32 to vector<16xf32>
    %eq3A_100 = arith.cmpf oeq, %select_n3A_75, %eq3A_99 : vector<16xf32>
    %jit3A_101 = arith.constant -1.000000e+30 : f32
    %broadcast_in_dim3A_102 = vector.broadcast %jit3A_101 : f32 to vector<16xf32>
    %select_n3A_103 = arith.select %eq3A_100, %broadcast_in_dim3A_102, %get3A_19 : vector<16xi1>, vector<16xf32>
    %max3A_104 = arith.maximumf %max3A_97, %select_n3A_103 : vector<16xf32>
    %eq3A_105 = arith.constant 4.000000e+00 : f32
    %eq3A_106 = vector.broadcast %eq3A_105 : f32 to vector<16xf32>
    %eq3A_107 = arith.cmpf oeq, %select_n3A_75, %eq3A_106 : vector<16xf32>
    %jit3A_108 = arith.constant -1.000000e+30 : f32
    %broadcast_in_dim3A_109 = vector.broadcast %jit3A_108 : f32 to vector<16xf32>
    %select_n3A_110 = arith.select %eq3A_107, %broadcast_in_dim3A_109, %get3A_24 : vector<16xi1>, vector<16xf32>
    %max3A_111 = arith.maximumf %max3A_104, %select_n3A_110 : vector<16xf32>
    %eq3A_112 = arith.constant 5.000000e+00 : f32
    %eq3A_113 = vector.broadcast %eq3A_112 : f32 to vector<16xf32>
    %eq3A_114 = arith.cmpf oeq, %select_n3A_75, %eq3A_113 : vector<16xf32>
    %jit3A_115 = arith.constant -1.000000e+30 : f32
    %broadcast_in_dim3A_116 = vector.broadcast %jit3A_115 : f32 to vector<16xf32>
    %select_n3A_117 = arith.select %eq3A_114, %broadcast_in_dim3A_116, %get3A_29 : vector<16xi1>, vector<16xf32>
    %max3A_118 = arith.maximumf %max3A_111, %select_n3A_117 : vector<16xf32>
    %eq3A_119 = arith.constant 6.000000e+00 : f32
    %eq3A_120 = vector.broadcast %eq3A_119 : f32 to vector<16xf32>
    %eq3A_121 = arith.cmpf oeq, %select_n3A_75, %eq3A_120 : vector<16xf32>
    %jit3A_122 = arith.constant -1.000000e+30 : f32
    %broadcast_in_dim3A_123 = vector.broadcast %jit3A_122 : f32 to vector<16xf32>
    %select_n3A_124 = arith.select %eq3A_121, %broadcast_in_dim3A_123, %get3A_34 : vector<16xi1>, vector<16xf32>
    %max3A_125 = arith.maximumf %max3A_118, %select_n3A_124 : vector<16xf32>
    %eq3A_126 = arith.constant 7.000000e+00 : f32
    %eq3A_127 = vector.broadcast %eq3A_126 : f32 to vector<16xf32>
    %eq3A_128 = arith.cmpf oeq, %select_n3A_75, %eq3A_127 : vector<16xf32>
    %jit3A_129 = arith.constant -1.000000e+30 : f32
    %broadcast_in_dim3A_130 = vector.broadcast %jit3A_129 : f32 to vector<16xf32>
    %select_n3A_131 = arith.select %eq3A_128, %broadcast_in_dim3A_130, %get3A_39 : vector<16xi1>, vector<16xf32>
    %max3A_132 = arith.maximumf %max3A_125, %select_n3A_131 : vector<16xf32>
    %broadcast_in_dim3A_133 = arith.constant 8.000000e+00 : f32
    %broadcast_in_dim3A_134 = vector.broadcast %broadcast_in_dim3A_133 : f32 to vector<16xf32>
    %eq3A_135 = arith.constant 7.000000e+00 : f32
    %eq3A_136 = vector.broadcast %eq3A_135 : f32 to vector<16xf32>
    %eq3A_137 = arith.cmpf oeq, %select_n3A_75, %eq3A_136 : vector<16xf32>
    %jit3A_138 = arith.constant -1.000000e+30 : f32
    %broadcast_in_dim3A_139 = vector.broadcast %jit3A_138 : f32 to vector<16xf32>
    %select_n3A_140 = arith.select %eq3A_137, %broadcast_in_dim3A_139, %get3A_39 : vector<16xi1>, vector<16xf32>
    %ge3A_141 = arith.cmpf oge, %select_n3A_140, %max3A_132 : vector<16xf32>
    %jit3A_142 = arith.constant 7.000000e+00 : f32
    %broadcast_in_dim3A_143 = vector.broadcast %jit3A_142 : f32 to vector<16xf32>
    %select_n3A_144 = arith.select %ge3A_141, %broadcast_in_dim3A_143, %broadcast_in_dim3A_134 : vector<16xi1>, vector<16xf32>
    %eq3A_145 = arith.constant 6.000000e+00 : f32
    %eq3A_146 = vector.broadcast %eq3A_145 : f32 to vector<16xf32>
    %eq3A_147 = arith.cmpf oeq, %select_n3A_75, %eq3A_146 : vector<16xf32>
    %jit3A_148 = arith.constant -1.000000e+30 : f32
    %broadcast_in_dim3A_149 = vector.broadcast %jit3A_148 : f32 to vector<16xf32>
    %select_n3A_150 = arith.select %eq3A_147, %broadcast_in_dim3A_149, %get3A_34 : vector<16xi1>, vector<16xf32>
    %ge3A_151 = arith.cmpf oge, %select_n3A_150, %max3A_132 : vector<16xf32>
    %jit3A_152 = arith.constant 6.000000e+00 : f32
    %broadcast_in_dim3A_153 = vector.broadcast %jit3A_152 : f32 to vector<16xf32>
    %select_n3A_154 = arith.select %ge3A_151, %broadcast_in_dim3A_153, %select_n3A_144 : vector<16xi1>, vector<16xf32>
    %eq3A_155 = arith.constant 5.000000e+00 : f32
    %eq3A_156 = vector.broadcast %eq3A_155 : f32 to vector<16xf32>
    %eq3A_157 = arith.cmpf oeq, %select_n3A_75, %eq3A_156 : vector<16xf32>
    %jit3A_158 = arith.constant -1.000000e+30 : f32
    %broadcast_in_dim3A_159 = vector.broadcast %jit3A_158 : f32 to vector<16xf32>
    %select_n3A_160 = arith.select %eq3A_157, %broadcast_in_dim3A_159, %get3A_29 : vector<16xi1>, vector<16xf32>
    %ge3A_161 = arith.cmpf oge, %select_n3A_160, %max3A_132 : vector<16xf32>
    %jit3A_162 = arith.constant 5.000000e+00 : f32
    %broadcast_in_dim3A_163 = vector.broadcast %jit3A_162 : f32 to vector<16xf32>
    %select_n3A_164 = arith.select %ge3A_161, %broadcast_in_dim3A_163, %select_n3A_154 : vector<16xi1>, vector<16xf32>
    %eq3A_165 = arith.constant 4.000000e+00 : f32
    %eq3A_166 = vector.broadcast %eq3A_165 : f32 to vector<16xf32>
    %eq3A_167 = arith.cmpf oeq, %select_n3A_75, %eq3A_166 : vector<16xf32>
    %jit3A_168 = arith.constant -1.000000e+30 : f32
    %broadcast_in_dim3A_169 = vector.broadcast %jit3A_168 : f32 to vector<16xf32>
    %select_n3A_170 = arith.select %eq3A_167, %broadcast_in_dim3A_169, %get3A_24 : vector<16xi1>, vector<16xf32>
    %ge3A_171 = arith.cmpf oge, %select_n3A_170, %max3A_132 : vector<16xf32>
    %jit3A_172 = arith.constant 4.000000e+00 : f32
    %broadcast_in_dim3A_173 = vector.broadcast %jit3A_172 : f32 to vector<16xf32>
    %select_n3A_174 = arith.select %ge3A_171, %broadcast_in_dim3A_173, %select_n3A_164 : vector<16xi1>, vector<16xf32>
    %eq3A_175 = arith.constant 3.000000e+00 : f32
    %eq3A_176 = vector.broadcast %eq3A_175 : f32 to vector<16xf32>
    %eq3A_177 = arith.cmpf oeq, %select_n3A_75, %eq3A_176 : vector<16xf32>
    %jit3A_178 = arith.constant -1.000000e+30 : f32
    %broadcast_in_dim3A_179 = vector.broadcast %jit3A_178 : f32 to vector<16xf32>
    %select_n3A_180 = arith.select %eq3A_177, %broadcast_in_dim3A_179, %get3A_19 : vector<16xi1>, vector<16xf32>
    %ge3A_181 = arith.cmpf oge, %select_n3A_180, %max3A_132 : vector<16xf32>
    %jit3A_182 = arith.constant 3.000000e+00 : f32
    %broadcast_in_dim3A_183 = vector.broadcast %jit3A_182 : f32 to vector<16xf32>
    %select_n3A_184 = arith.select %ge3A_181, %broadcast_in_dim3A_183, %select_n3A_174 : vector<16xi1>, vector<16xf32>
    %eq3A_185 = arith.constant 2.000000e+00 : f32
    %eq3A_186 = vector.broadcast %eq3A_185 : f32 to vector<16xf32>
    %eq3A_187 = arith.cmpf oeq, %select_n3A_75, %eq3A_186 : vector<16xf32>
    %jit3A_188 = arith.constant -1.000000e+30 : f32
    %broadcast_in_dim3A_189 = vector.broadcast %jit3A_188 : f32 to vector<16xf32>
    %select_n3A_190 = arith.select %eq3A_187, %broadcast_in_dim3A_189, %get3A_14 : vector<16xi1>, vector<16xf32>
    %ge3A_191 = arith.cmpf oge, %select_n3A_190, %max3A_132 : vector<16xf32>
    %jit3A_192 = arith.constant 2.000000e+00 : f32
    %broadcast_in_dim3A_193 = vector.broadcast %jit3A_192 : f32 to vector<16xf32>
    %select_n3A_194 = arith.select %ge3A_191, %broadcast_in_dim3A_193, %select_n3A_184 : vector<16xi1>, vector<16xf32>
    %eq3A_195 = arith.constant 1.000000e+00 : f32
    %eq3A_196 = vector.broadcast %eq3A_195 : f32 to vector<16xf32>
    %eq3A_197 = arith.cmpf oeq, %select_n3A_75, %eq3A_196 : vector<16xf32>
    %jit3A_198 = arith.constant -1.000000e+30 : f32
    %broadcast_in_dim3A_199 = vector.broadcast %jit3A_198 : f32 to vector<16xf32>
    %select_n3A_200 = arith.select %eq3A_197, %broadcast_in_dim3A_199, %get3A_9 : vector<16xi1>, vector<16xf32>
    %ge3A_201 = arith.cmpf oge, %select_n3A_200, %max3A_132 : vector<16xf32>
    %jit3A_202 = arith.constant 1.000000e+00 : f32
    %broadcast_in_dim3A_203 = vector.broadcast %jit3A_202 : f32 to vector<16xf32>
    %select_n3A_204 = arith.select %ge3A_201, %broadcast_in_dim3A_203, %select_n3A_194 : vector<16xi1>, vector<16xf32>
    %eq3A_205 = arith.constant 0.000000e+00 : f32
    %eq3A_206 = vector.broadcast %eq3A_205 : f32 to vector<16xf32>
    %eq3A_207 = arith.cmpf oeq, %select_n3A_75, %eq3A_206 : vector<16xf32>
    %jit3A_208 = arith.constant -1.000000e+30 : f32
    %broadcast_in_dim3A_209 = vector.broadcast %jit3A_208 : f32 to vector<16xf32>
    %select_n3A_210 = arith.select %eq3A_207, %broadcast_in_dim3A_209, %get3A_4 : vector<16xi1>, vector<16xf32>
    %ge3A_211 = arith.cmpf oge, %select_n3A_210, %max3A_132 : vector<16xf32>
    %jit3A_212 = arith.constant 0.000000e+00 : f32
    %broadcast_in_dim3A_213 = vector.broadcast %jit3A_212 : f32 to vector<16xf32>
    %select_n3A_214 = arith.select %ge3A_211, %broadcast_in_dim3A_213, %select_n3A_204 : vector<16xi1>, vector<16xf32>
    %sub3A = arith.subf %max3A_132, %max3A_45 : vector<16xf32>
    %exp3A = math.exp %sub3A : vector<16xf32>
    %add3A_215 = arith.constant 1.000000e+00 : f32
    %add3A_216 = vector.broadcast %add3A_215 : f32 to vector<16xf32>
    %add3A_217 = arith.addf %add3A_216, %exp3A : vector<16xf32>
    %div3A = arith.constant 1.000000e+00 : f32
    %div3A_218 = vector.broadcast %div3A : f32 to vector<16xf32>
    %div3A_219 = arith.divf %div3A_218, %add3A_217 : vector<16xf32>
    %swap3A = arith.constant 0 : i32
    %swap3A_220 = arith.index_cast %swap3A : i32 to index
    %swap3A_221 = arith.constant 0 : index
    %swap3A_222 = tpu.vector_load %arg5[%swap3A_220, %swap3A_221] {strides = array<i32>} : memref<4x128xf32, #tpu.memory_space<vmem>>, vector<1x16xf32>,
    %swap3A_223 = vector.shape_cast %swap3A_222 : vector<1x16xf32> to vector<16xf32>
    %swap3A_224 = vector.shape_cast %select_n3A_75 : vector<16xf32> to vector<1x16xf32>
    tpu.vector_store %arg5[%swap3A_220, %swap3A_221], %swap3A_224 {strides = array<i32>} : memref<4x128xf32, #tpu.memory_space<vmem>>, vector<1x16xf32>,
    %swap3A_225 = arith.constant 1 : i32
    %swap3A_226 = arith.index_cast %swap3A_225 : i32 to index
    %swap3A_227 = arith.constant 0 : index
    %swap3A_228 = tpu.vector_load %arg5[%swap3A_226, %swap3A_227] {strides = array<i32>} : memref<4x128xf32, #tpu.memory_space<vmem>>, vector<1x16xf32>,
    %swap3A_229 = vector.shape_cast %swap3A_228 : vector<1x16xf32> to vector<16xf32>
    %swap3A_230 = vector.shape_cast %select_n3A_214 : vector<16xf32> to vector<1x16xf32>
    tpu.vector_store %arg5[%swap3A_226, %swap3A_227], %swap3A_230 {strides = array<i32>} : memref<4x128xf32, #tpu.memory_space<vmem>>, vector<1x16xf32>,
    %swap3A_231 = arith.constant 2 : i32
    %swap3A_232 = arith.index_cast %swap3A_231 : i32 to index
    %swap3A_233 = arith.constant 0 : index
    %swap3A_234 = tpu.vector_load %arg5[%swap3A_232, %swap3A_233] {strides = array<i32>} : memref<4x128xf32, #tpu.memory_space<vmem>>, vector<1x16xf32>,
    %swap3A_235 = vector.shape_cast %swap3A_234 : vector<1x16xf32> to vector<16xf32>
    %swap3A_236 = vector.shape_cast %div3A_219 : vector<16xf32> to vector<1x16xf32>
    tpu.vector_store %arg5[%swap3A_232, %swap3A_233], %swap3A_236 {strides = array<i32>} : memref<4x128xf32, #tpu.memory_space<vmem>>, vector<1x16xf32>,
    %sub3A_237 = arith.constant 1.000000e+00 : f32
    %sub3A_238 = vector.broadcast %sub3A_237 : f32 to vector<16xf32>
    %sub3A_239 = arith.subf %sub3A_238, %div3A_219 : vector<16xf32>
    %swap3A_240 = arith.constant 3 : i32
    %swap3A_241 = arith.index_cast %swap3A_240 : i32 to index
    %swap3A_242 = arith.constant 0 : index
    %swap3A_243 = tpu.vector_load %arg5[%swap3A_241, %swap3A_242] {strides = array<i32>} : memref<4x128xf32, #tpu.memory_space<vmem>>, vector<1x16xf32>,
    %swap3A_244 = vector.shape_cast %swap3A_243 : vector<1x16xf32> to vector<16xf32>
    %swap3A_245 = vector.shape_cast %sub3A_239 : vector<16xf32> to vector<1x16xf32>
    tpu.vector_store %arg5[%swap3A_241, %swap3A_242], %swap3A_245 {strides = array<i32>} : memref<4x128xf32, #tpu.memory_space<vmem>>, vector<1x16xf32>,
    %get3A_246 = arith.constant 0 : i32
    %get3A_247 = arith.index_cast %get3A_246 : i32 to index
    %get3A_248 = arith.constant 16 : index
    %get3A_249 = tpu.vector_load %arg4[%get3A_247, %get3A_248] {strides = array<i32>} : memref<8x128xf32, #tpu.memory_space<vmem>>, vector<1x16xf32>,
    %get3A_250 = vector.shape_cast %get3A_249 : vector<1x16xf32> to vector<16xf32>
    %get3A_251 = arith.constant 1 : i32
    %get3A_252 = arith.index_cast %get3A_251 : i32 to index
    %get3A_253 = arith.constant 16 : index
    %get3A_254 = tpu.vector_load %arg4[%get3A_252, %get3A_253] {strides = array<i32>} : memref<8x128xf32, #tpu.memory_space<vmem>>, vector<1x16xf32>,
    %get3A_255 = vector.shape_cast %get3A_254 : vector<1x16xf32> to vector<16xf32>
    %get3A_256 = arith.constant 2 : i32
    %get3A_257 = arith.index_cast %get3A_256 : i32 to index
    %get3A_258 = arith.constant 16 : index
    %get3A_259 = tpu.vector_load %arg4[%get3A_257, %get3A_258] {strides = array<i32>} : memref<8x128xf32, #tpu.memory_space<vmem>>, vector<1x16xf32>,
    %get3A_260 = vector.shape_cast %get3A_259 : vector<1x16xf32> to vector<16xf32>
    %get3A_261 = arith.constant 3 : i32
    %get3A_262 = arith.index_cast %get3A_261 : i32 to index
    %get3A_263 = arith.constant 16 : index
    %get3A_264 = tpu.vector_load %arg4[%get3A_262, %get3A_263] {strides = array<i32>} : memref<8x128xf32, #tpu.memory_space<vmem>>, vector<1x16xf32>,
    %get3A_265 = vector.shape_cast %get3A_264 : vector<1x16xf32> to vector<16xf32>
    %get3A_266 = arith.constant 4 : i32
    %get3A_267 = arith.index_cast %get3A_266 : i32 to index
    %get3A_268 = arith.constant 16 : index
    %get3A_269 = tpu.vector_load %arg4[%get3A_267, %get3A_268] {strides = array<i32>} : memref<8x128xf32, #tpu.memory_space<vmem>>, vector<1x16xf32>,
    %get3A_270 = vector.shape_cast %get3A_269 : vector<1x16xf32> to vector<16xf32>
    %get3A_271 = arith.constant 5 : i32
    %get3A_272 = arith.index_cast %get3A_271 : i32 to index
    %get3A_273 = arith.constant 16 : index
    %get3A_274 = tpu.vector_load %arg4[%get3A_272, %get3A_273] {strides = array<i32>} : memref<8x128xf32, #tpu.memory_space<vmem>>, vector<1x16xf32>,
    %get3A_275 = vector.shape_cast %get3A_274 : vector<1x16xf32> to vector<16xf32>
    %get3A_276 = arith.constant 6 : i32
    %get3A_277 = arith.index_cast %get3A_276 : i32 to index
    %get3A_278 = arith.constant 16 : index
    %get3A_279 = tpu.vector_load %arg4[%get3A_277, %get3A_278] {strides = array<i32>} : memref<8x128xf32, #tpu.memory_space<vmem>>, vector<1x16xf32>,
    %get3A_280 = vector.shape_cast %get3A_279 : vector<1x16xf32> to vector<16xf32>
    %get3A_281 = arith.constant 7 : i32
    %get3A_282 = arith.index_cast %get3A_281 : i32 to index
    %get3A_283 = arith.constant 16 : index
    %get3A_284 = tpu.vector_load %arg4[%get3A_282, %get3A_283] {strides = array<i32>} : memref<8x128xf32, #tpu.memory_space<vmem>>, vector<1x16xf32>,
    %get3A_285 = vector.shape_cast %get3A_284 : vector<1x16xf32> to vector<16xf32>
    %max3A_286 = arith.maximumf %get3A_250, %get3A_255 : vector<16xf32>
    %max3A_287 = arith.maximumf %max3A_286, %get3A_260 : vector<16xf32>
    %max3A_288 = arith.maximumf %max3A_287, %get3A_265 : vector<16xf32>
    %max3A_289 = arith.maximumf %max3A_288, %get3A_270 : vector<16xf32>
    %max3A_290 = arith.maximumf %max3A_289, %get3A_275 : vector<16xf32>
    %max3A_291 = arith.maximumf %max3A_290, %get3A_280 : vector<16xf32>
    %max3A_292 = arith.maximumf %max3A_291, %get3A_285 : vector<16xf32>
    %broadcast_in_dim3A_293 = arith.constant 8.000000e+00 : f32
    %broadcast_in_dim3A_294 = vector.broadcast %broadcast_in_dim3A_293 : f32 to vector<16xf32>
    %ge3A_295 = arith.cmpf oge, %get3A_285, %max3A_292 : vector<16xf32>
    %jit3A_296 = arith.constant 7.000000e+00 : f32
    %broadcast_in_dim3A_297 = vector.broadcast %jit3A_296 : f32 to vector<16xf32>
    %select_n3A_298 = arith.select %ge3A_295, %broadcast_in_dim3A_297, %broadcast_in_dim3A_294 : vector<16xi1>, vector<16xf32>
    %ge3A_299 = arith.cmpf oge, %get3A_280, %max3A_292 : vector<16xf32>
    %jit3A_300 = arith.constant 6.000000e+00 : f32
    %broadcast_in_dim3A_301 = vector.broadcast %jit3A_300 : f32 to vector<16xf32>
    %select_n3A_302 = arith.select %ge3A_299, %broadcast_in_dim3A_301, %select_n3A_298 : vector<16xi1>, vector<16xf32>
    %ge3A_303 = arith.cmpf oge, %get3A_275, %max3A_292 : vector<16xf32>
    %jit3A_304 = arith.constant 5.000000e+00 : f32
    %broadcast_in_dim3A_305 = vector.broadcast %jit3A_304 : f32 to vector<16xf32>
    %select_n3A_306 = arith.select %ge3A_303, %broadcast_in_dim3A_305, %select_n3A_302 : vector<16xi1>, vector<16xf32>
    %ge3A_307 = arith.cmpf oge, %get3A_270, %max3A_292 : vector<16xf32>
    %jit3A_308 = arith.constant 4.000000e+00 : f32
    %broadcast_in_dim3A_309 = vector.broadcast %jit3A_308 : f32 to vector<16xf32>
    %select_n3A_310 = arith.select %ge3A_307, %broadcast_in_dim3A_309, %select_n3A_306 : vector<16xi1>, vector<16xf32>
    %ge3A_311 = arith.cmpf oge, %get3A_265, %max3A_292 : vector<16xf32>
    %jit3A_312 = arith.constant 3.000000e+00 : f32
    %broadcast_in_dim3A_313 = vector.broadcast %jit3A_312 : f32 to vector<16xf32>
    %select_n3A_314 = arith.select %ge3A_311, %broadcast_in_dim3A_313, %select_n3A_310 : vector<16xi1>, vector<16xf32>
    %ge3A_315 = arith.cmpf oge, %get3A_260, %max3A_292 : vector<16xf32>
    %jit3A_316 = arith.constant 2.000000e+00 : f32
    %broadcast_in_dim3A_317 = vector.broadcast %jit3A_316 : f32 to vector<16xf32>
    %select_n3A_318 = arith.select %ge3A_315, %broadcast_in_dim3A_317, %select_n3A_314 : vector<16xi1>, vector<16xf32>
    %ge3A_319 = arith.cmpf oge, %get3A_255, %max3A_292 : vector<16xf32>
    %jit3A_320 = arith.constant 1.000000e+00 : f32
    %broadcast_in_dim3A_321 = vector.broadcast %jit3A_320 : f32 to vector<16xf32>
    %select_n3A_322 = arith.select %ge3A_319, %broadcast_in_dim3A_321, %select_n3A_318 : vector<16xi1>, vector<16xf32>
    %ge3A_323 = arith.cmpf oge, %get3A_250, %max3A_292 : vector<16xf32>
    %jit3A_324 = arith.constant 0.000000e+00 : f32
    %broadcast_in_dim3A_325 = vector.broadcast %jit3A_324 : f32 to vector<16xf32>
    %select_n3A_326 = arith.select %ge3A_323, %broadcast_in_dim3A_325, %select_n3A_322 : vector<16xi1>, vector<16xf32>
    %broadcast_in_dim3A_327 = arith.constant -1.000000e+30 : f32
    %broadcast_in_dim3A_328 = vector.broadcast %broadcast_in_dim3A_327 : f32 to vector<16xf32>
    %eq3A_329 = arith.constant 0.000000e+00 : f32
    %eq3A_330 = vector.broadcast %eq3A_329 : f32 to vector<16xf32>
    %eq3A_331 = arith.cmpf oeq, %select_n3A_326, %eq3A_330 : vector<16xf32>
    %jit3A_332 = arith.constant -1.000000e+30 : f32
    %broadcast_in_dim3A_333 = vector.broadcast %jit3A_332 : f32 to vector<16xf32>
    %select_n3A_334 = arith.select %eq3A_331, %broadcast_in_dim3A_333, %get3A_250 : vector<16xi1>, vector<16xf32>
    %max3A_335 = arith.maximumf %broadcast_in_dim3A_328, %select_n3A_334 : vector<16xf32>
    %eq3A_336 = arith.constant 1.000000e+00 : f32
    %eq3A_337 = vector.broadcast %eq3A_336 : f32 to vector<16xf32>
    %eq3A_338 = arith.cmpf oeq, %select_n3A_326, %eq3A_337 : vector<16xf32>
    %jit3A_339 = arith.constant -1.000000e+30 : f32
    %broadcast_in_dim3A_340 = vector.broadcast %jit3A_339 : f32 to vector<16xf32>
    %select_n3A_341 = arith.select %eq3A_338, %broadcast_in_dim3A_340, %get3A_255 : vector<16xi1>, vector<16xf32>
    %max3A_342 = arith.maximumf %max3A_335, %select_n3A_341 : vector<16xf32>
    %eq3A_343 = arith.constant 2.000000e+00 : f32
    %eq3A_344 = vector.broadcast %eq3A_343 : f32 to vector<16xf32>
    %eq3A_345 = arith.cmpf oeq, %select_n3A_326, %eq3A_344 : vector<16xf32>
    %jit3A_346 = arith.constant -1.000000e+30 : f32
    %broadcast_in_dim3A_347 = vector.broadcast %jit3A_346 : f32 to vector<16xf32>
    %select_n3A_348 = arith.select %eq3A_345, %broadcast_in_dim3A_347, %get3A_260 : vector<16xi1>, vector<16xf32>
    %max3A_349 = arith.maximumf %max3A_342, %select_n3A_348 : vector<16xf32>
    %eq3A_350 = arith.constant 3.000000e+00 : f32
    %eq3A_351 = vector.broadcast %eq3A_350 : f32 to vector<16xf32>
    %eq3A_352 = arith.cmpf oeq, %select_n3A_326, %eq3A_351 : vector<16xf32>
    %jit3A_353 = arith.constant -1.000000e+30 : f32
    %broadcast_in_dim3A_354 = vector.broadcast %jit3A_353 : f32 to vector<16xf32>
    %select_n3A_355 = arith.select %eq3A_352, %broadcast_in_dim3A_354, %get3A_265 : vector<16xi1>, vector<16xf32>
    %max3A_356 = arith.maximumf %max3A_349, %select_n3A_355 : vector<16xf32>
    %eq3A_357 = arith.constant 4.000000e+00 : f32
    %eq3A_358 = vector.broadcast %eq3A_357 : f32 to vector<16xf32>
    %eq3A_359 = arith.cmpf oeq, %select_n3A_326, %eq3A_358 : vector<16xf32>
    %jit3A_360 = arith.constant -1.000000e+30 : f32
    %broadcast_in_dim3A_361 = vector.broadcast %jit3A_360 : f32 to vector<16xf32>
    %select_n3A_362 = arith.select %eq3A_359, %broadcast_in_dim3A_361, %get3A_270 : vector<16xi1>, vector<16xf32>
    %max3A_363 = arith.maximumf %max3A_356, %select_n3A_362 : vector<16xf32>
    %eq3A_364 = arith.constant 5.000000e+00 : f32
    %eq3A_365 = vector.broadcast %eq3A_364 : f32 to vector<16xf32>
    %eq3A_366 = arith.cmpf oeq, %select_n3A_326, %eq3A_365 : vector<16xf32>
    %jit3A_367 = arith.constant -1.000000e+30 : f32
    %broadcast_in_dim3A_368 = vector.broadcast %jit3A_367 : f32 to vector<16xf32>
    %select_n3A_369 = arith.select %eq3A_366, %broadcast_in_dim3A_368, %get3A_275 : vector<16xi1>, vector<16xf32>
    %max3A_370 = arith.maximumf %max3A_363, %select_n3A_369 : vector<16xf32>
    %eq3A_371 = arith.constant 6.000000e+00 : f32
    %eq3A_372 = vector.broadcast %eq3A_371 : f32 to vector<16xf32>
    %eq3A_373 = arith.cmpf oeq, %select_n3A_326, %eq3A_372 : vector<16xf32>
    %jit3A_374 = arith.constant -1.000000e+30 : f32
    %broadcast_in_dim3A_375 = vector.broadcast %jit3A_374 : f32 to vector<16xf32>
    %select_n3A_376 = arith.select %eq3A_373, %broadcast_in_dim3A_375, %get3A_280 : vector<16xi1>, vector<16xf32>
    %max3A_377 = arith.maximumf %max3A_370, %select_n3A_376 : vector<16xf32>
    %eq3A_378 = arith.constant 7.000000e+00 : f32
    %eq3A_379 = vector.broadcast %eq3A_378 : f32 to vector<16xf32>
    %eq3A_380 = arith.cmpf oeq, %select_n3A_326, %eq3A_379 : vector<16xf32>
    %jit3A_381 = arith.constant -1.000000e+30 : f32
    %broadcast_in_dim3A_382 = vector.broadcast %jit3A_381 : f32 to vector<16xf32>
    %select_n3A_383 = arith.select %eq3A_380, %broadcast_in_dim3A_382, %get3A_285 : vector<16xi1>, vector<16xf32>
    %max3A_384 = arith.maximumf %max3A_377, %select_n3A_383 : vector<16xf32>
    %broadcast_in_dim3A_385 = arith.constant 8.000000e+00 : f32
    %broadcast_in_dim3A_386 = vector.broadcast %broadcast_in_dim3A_385 : f32 to vector<16xf32>
    %eq3A_387 = arith.constant 7.000000e+00 : f32
    %eq3A_388 = vector.broadcast %eq3A_387 : f32 to vector<16xf32>
    %eq3A_389 = arith.cmpf oeq, %select_n3A_326, %eq3A_388 : vector<16xf32>
    %jit3A_390 = arith.constant -1.000000e+30 : f32
    %broadcast_in_dim3A_391 = vector.broadcast %jit3A_390 : f32 to vector<16xf32>
    %select_n3A_392 = arith.select %eq3A_389, %broadcast_in_dim3A_391, %get3A_285 : vector<16xi1>, vector<16xf32>
    %ge3A_393 = arith.cmpf oge, %select_n3A_392, %max3A_384 : vector<16xf32>
    %jit3A_394 = arith.constant 7.000000e+00 : f32
    %broadcast_in_dim3A_395 = vector.broadcast %jit3A_394 : f32 to vector<16xf32>
    %select_n3A_396 = arith.select %ge3A_393, %broadcast_in_dim3A_395, %broadcast_in_dim3A_386 : vector<16xi1>, vector<16xf32>
    %eq3A_397 = arith.constant 6.000000e+00 : f32
    %eq3A_398 = vector.broadcast %eq3A_397 : f32 to vector<16xf32>
    %eq3A_399 = arith.cmpf oeq, %select_n3A_326, %eq3A_398 : vector<16xf32>
    %jit3A_400 = arith.constant -1.000000e+30 : f32
    %broadcast_in_dim3A_401 = vector.broadcast %jit3A_400 : f32 to vector<16xf32>
    %select_n3A_402 = arith.select %eq3A_399, %broadcast_in_dim3A_401, %get3A_280 : vector<16xi1>, vector<16xf32>
    %ge3A_403 = arith.cmpf oge, %select_n3A_402, %max3A_384 : vector<16xf32>
    %jit3A_404 = arith.constant 6.000000e+00 : f32
    %broadcast_in_dim3A_405 = vector.broadcast %jit3A_404 : f32 to vector<16xf32>
    %select_n3A_406 = arith.select %ge3A_403, %broadcast_in_dim3A_405, %select_n3A_396 : vector<16xi1>, vector<16xf32>
    %eq3A_407 = arith.constant 5.000000e+00 : f32
    %eq3A_408 = vector.broadcast %eq3A_407 : f32 to vector<16xf32>
    %eq3A_409 = arith.cmpf oeq, %select_n3A_326, %eq3A_408 : vector<16xf32>
    %jit3A_410 = arith.constant -1.000000e+30 : f32
    %broadcast_in_dim3A_411 = vector.broadcast %jit3A_410 : f32 to vector<16xf32>
    %select_n3A_412 = arith.select %eq3A_409, %broadcast_in_dim3A_411, %get3A_275 : vector<16xi1>, vector<16xf32>
    %ge3A_413 = arith.cmpf oge, %select_n3A_412, %max3A_384 : vector<16xf32>
    %jit3A_414 = arith.constant 5.000000e+00 : f32
    %broadcast_in_dim3A_415 = vector.broadcast %jit3A_414 : f32 to vector<16xf32>
    %select_n3A_416 = arith.select %ge3A_413, %broadcast_in_dim3A_415, %select_n3A_406 : vector<16xi1>, vector<16xf32>
    %eq3A_417 = arith.constant 4.000000e+00 : f32
    %eq3A_418 = vector.broadcast %eq3A_417 : f32 to vector<16xf32>
    %eq3A_419 = arith.cmpf oeq, %select_n3A_326, %eq3A_418 : vector<16xf32>
    %jit3A_420 = arith.constant -1.000000e+30 : f32
    %broadcast_in_dim3A_421 = vector.broadcast %jit3A_420 : f32 to vector<16xf32>
    %select_n3A_422 = arith.select %eq3A_419, %broadcast_in_dim3A_421, %get3A_270 : vector<16xi1>, vector<16xf32>
    %ge3A_423 = arith.cmpf oge, %select_n3A_422, %max3A_384 : vector<16xf32>
    %jit3A_424 = arith.constant 4.000000e+00 : f32
    %broadcast_in_dim3A_425 = vector.broadcast %jit3A_424 : f32 to vector<16xf32>
    %select_n3A_426 = arith.select %ge3A_423, %broadcast_in_dim3A_425, %select_n3A_416 : vector<16xi1>, vector<16xf32>
    %eq3A_427 = arith.constant 3.000000e+00 : f32
    %eq3A_428 = vector.broadcast %eq3A_427 : f32 to vector<16xf32>
    %eq3A_429 = arith.cmpf oeq, %select_n3A_326, %eq3A_428 : vector<16xf32>
    %jit3A_430 = arith.constant -1.000000e+30 : f32
    %broadcast_in_dim3A_431 = vector.broadcast %jit3A_430 : f32 to vector<16xf32>
    %select_n3A_432 = arith.select %eq3A_429, %broadcast_in_dim3A_431, %get3A_265 : vector<16xi1>, vector<16xf32>
    %ge3A_433 = arith.cmpf oge, %select_n3A_432, %max3A_384 : vector<16xf32>
    %jit3A_434 = arith.constant 3.000000e+00 : f32
    %broadcast_in_dim3A_435 = vector.broadcast %jit3A_434 : f32 to vector<16xf32>
    %select_n3A_436 = arith.select %ge3A_433, %broadcast_in_dim3A_435, %select_n3A_426 : vector<16xi1>, vector<16xf32>
    %eq3A_437 = arith.constant 2.000000e+00 : f32
    %eq3A_438 = vector.broadcast %eq3A_437 : f32 to vector<16xf32>
    %eq3A_439 = arith.cmpf oeq, %select_n3A_326, %eq3A_438 : vector<16xf32>
    %jit3A_440 = arith.constant -1.000000e+30 : f32
    %broadcast_in_dim3A_441 = vector.broadcast %jit3A_440 : f32 to vector<16xf32>
    %select_n3A_442 = arith.select %eq3A_439, %broadcast_in_dim3A_441, %get3A_260 : vector<16xi1>, vector<16xf32>
    %ge3A_443 = arith.cmpf oge, %select_n3A_442, %max3A_384 : vector<16xf32>
    %jit3A_444 = arith.constant 2.000000e+00 : f32
    %broadcast_in_dim3A_445 = vector.broadcast %jit3A_444 : f32 to vector<16xf32>
    %select_n3A_446 = arith.select %ge3A_443, %broadcast_in_dim3A_445, %select_n3A_436 : vector<16xi1>, vector<16xf32>
    %eq3A_447 = arith.constant 1.000000e+00 : f32
    %eq3A_448 = vector.broadcast %eq3A_447 : f32 to vector<16xf32>
    %eq3A_449 = arith.cmpf oeq, %select_n3A_326, %eq3A_448 : vector<16xf32>
    %jit3A_450 = arith.constant -1.000000e+30 : f32
    %broadcast_in_dim3A_451 = vector.broadcast %jit3A_450 : f32 to vector<16xf32>
    %select_n3A_452 = arith.select %eq3A_449, %broadcast_in_dim3A_451, %get3A_255 : vector<16xi1>, vector<16xf32>
    %ge3A_453 = arith.cmpf oge, %select_n3A_452, %max3A_384 : vector<16xf32>
    %jit3A_454 = arith.constant 1.000000e+00 : f32
    %broadcast_in_dim3A_455 = vector.broadcast %jit3A_454 : f32 to vector<16xf32>
    %select_n3A_456 = arith.select %ge3A_453, %broadcast_in_dim3A_455, %select_n3A_446 : vector<16xi1>, vector<16xf32>
    %eq3A_457 = arith.constant 0.000000e+00 : f32
    %eq3A_458 = vector.broadcast %eq3A_457 : f32 to vector<16xf32>
    %eq3A_459 = arith.cmpf oeq, %select_n3A_326, %eq3A_458 : vector<16xf32>
    %jit3A_460 = arith.constant -1.000000e+30 : f32
    %broadcast_in_dim3A_461 = vector.broadcast %jit3A_460 : f32 to vector<16xf32>
    %select_n3A_462 = arith.select %eq3A_459, %broadcast_in_dim3A_461, %get3A_250 : vector<16xi1>, vector<16xf32>
    %ge3A_463 = arith.cmpf oge, %select_n3A_462, %max3A_384 : vector<16xf32>
    %jit3A_464 = arith.constant 0.000000e+00 : f32
    %broadcast_in_dim3A_465 = vector.broadcast %jit3A_464 : f32 to vector<16xf32>
    %select_n3A_466 = arith.select %ge3A_463, %broadcast_in_dim3A_465, %select_n3A_456 : vector<16xi1>, vector<16xf32>
    %sub3A_467 = arith.subf %max3A_384, %max3A_292 : vector<16xf32>
    %exp3A_468 = math.exp %sub3A_467 : vector<16xf32>
    %add3A_469 = arith.constant 1.000000e+00 : f32
    %add3A_470 = vector.broadcast %add3A_469 : f32 to vector<16xf32>
    %add3A_471 = arith.addf %add3A_470, %exp3A_468 : vector<16xf32>
    %div3A_472 = arith.constant 1.000000e+00 : f32
    %div3A_473 = vector.broadcast %div3A_472 : f32 to vector<16xf32>
    %div3A_474 = arith.divf %div3A_473, %add3A_471 : vector<16xf32>
    %swap3A_475 = arith.constant 0 : i32
    %swap3A_476 = arith.index_cast %swap3A_475 : i32 to index
    %swap3A_477 = arith.constant 16 : index
    %swap3A_478 = tpu.vector_load %arg5[%swap3A_476, %swap3A_477] {strides = array<i32>} : memref<4x128xf32, #tpu.memory_space<vmem>>, vector<1x16xf32>,
    %swap3A_479 = vector.shape_cast %swap3A_478 : vector<1x16xf32> to vector<16xf32>
    %swap3A_480 = vector.shape_cast %select_n3A_326 : vector<16xf32> to vector<1x16xf32>
    tpu.vector_store %arg5[%swap3A_476, %swap3A_477], %swap3A_480 {strides = array<i32>} : memref<4x128xf32, #tpu.memory_space<vmem>>, vector<1x16xf32>,
    %swap3A_481 = arith.constant 1 : i32
    %swap3A_482 = arith.index_cast %swap3A_481 : i32 to index
    %swap3A_483 = arith.constant 16 : index
    %swap3A_484 = tpu.vector_load %arg5[%swap3A_482, %swap3A_483] {strides = array<i32>} : memref<4x128xf32, #tpu.memory_space<vmem>>, vector<1x16xf32>,
    %swap3A_485 = vector.shape_cast %swap3A_484 : vector<1x16xf32> to vector<16xf32>
    %swap3A_486 = vector.shape_cast %select_n3A_466 : vector<16xf32> to vector<1x16xf32>
    tpu.vector_store %arg5[%swap3A_482, %swap3A_483], %swap3A_486 {strides = array<i32>} : memref<4x128xf32, #tpu.memory_space<vmem>>, vector<1x16xf32>,
    %swap3A_487 = arith.constant 2 : i32
    %swap3A_488 = arith.index_cast %swap3A_487 : i32 to index
    %swap3A_489 = arith.constant 16 : index
    %swap3A_490 = tpu.vector_load %arg5[%swap3A_488, %swap3A_489] {strides = array<i32>} : memref<4x128xf32, #tpu.memory_space<vmem>>, vector<1x16xf32>,
    %swap3A_491 = vector.shape_cast %swap3A_490 : vector<1x16xf32> to vector<16xf32>
    %swap3A_492 = vector.shape_cast %div3A_474 : vector<16xf32> to vector<1x16xf32>
    tpu.vector_store %arg5[%swap3A_488, %swap3A_489], %swap3A_492 {strides = array<i32>} : memref<4x128xf32, #tpu.memory_space<vmem>>, vector<1x16xf32>,
    %sub3A_493 = arith.constant 1.000000e+00 : f32
    %sub3A_494 = vector.broadcast %sub3A_493 : f32 to vector<16xf32>
    %sub3A_495 = arith.subf %sub3A_494, %div3A_474 : vector<16xf32>
    %swap3A_496 = arith.constant 3 : i32
    %swap3A_497 = arith.index_cast %swap3A_496 : i32 to index
    %swap3A_498 = arith.constant 16 : index
    %swap3A_499 = tpu.vector_load %arg5[%swap3A_497, %swap3A_498] {strides = array<i32>} : memref<4x128xf32, #tpu.memory_space<vmem>>, vector<1x16xf32>,
    %swap3A_500 = vector.shape_cast %swap3A_499 : vector<1x16xf32> to vector<16xf32>
    %swap3A_501 = vector.shape_cast %sub3A_495 : vector<16xf32> to vector<1x16xf32>
    tpu.vector_store %arg5[%swap3A_497, %swap3A_498], %swap3A_501 {strides = array<i32>} : memref<4x128xf32, #tpu.memory_space<vmem>>, vector<1x16xf32>,
    %get3A_502 = arith.constant 0 : i32
    %get3A_503 = arith.index_cast %get3A_502 : i32 to index
    %get3A_504 = arith.constant 32 : index
    %get3A_505 = tpu.vector_load %arg4[%get3A_503, %get3A_504] {strides = array<i32>} : memref<8x128xf32, #tpu.memory_space<vmem>>, vector<1x16xf32>,
    %get3A_506 = vector.shape_cast %get3A_505 : vector<1x16xf32> to vector<16xf32>
    %get3A_507 = arith.constant 1 : i32
    %get3A_508 = arith.index_cast %get3A_507 : i32 to index
    %get3A_509 = arith.constant 32 : index
    %get3A_510 = tpu.vector_load %arg4[%get3A_508, %get3A_509] {strides = array<i32>} : memref<8x128xf32, #tpu.memory_space<vmem>>, vector<1x16xf32>,
    %get3A_511 = vector.shape_cast %get3A_510 : vector<1x16xf32> to vector<16xf32>
    %get3A_512 = arith.constant 2 : i32
    %get3A_513 = arith.index_cast %get3A_512 : i32 to index
    %get3A_514 = arith.constant 32 : index
    %get3A_515 = tpu.vector_load %arg4[%get3A_513, %get3A_514] {strides = array<i32>} : memref<8x128xf32, #tpu.memory_space<vmem>>, vector<1x16xf32>,
    %get3A_516 = vector.shape_cast %get3A_515 : vector<1x16xf32> to vector<16xf32>
    %get3A_517 = arith.constant 3 : i32
    %get3A_518 = arith.index_cast %get3A_517 : i32 to index
    %get3A_519 = arith.constant 32 : index
    %get3A_520 = tpu.vector_load %arg4[%get3A_518, %get3A_519] {strides = array<i32>} : memref<8x128xf32, #tpu.memory_space<vmem>>, vector<1x16xf32>,
    %get3A_521 = vector.shape_cast %get3A_520 : vector<1x16xf32> to vector<16xf32>
    %get3A_522 = arith.constant 4 : i32
    %get3A_523 = arith.index_cast %get3A_522 : i32 to index
    %get3A_524 = arith.constant 32 : index
    %get3A_525 = tpu.vector_load %arg4[%get3A_523, %get3A_524] {strides = array<i32>} : memref<8x128xf32, #tpu.memory_space<vmem>>, vector<1x16xf32>,
    %get3A_526 = vector.shape_cast %get3A_525 : vector<1x16xf32> to vector<16xf32>
    %get3A_527 = arith.constant 5 : i32
    %get3A_528 = arith.index_cast %get3A_527 : i32 to index
    %get3A_529 = arith.constant 32 : index
    %get3A_530 = tpu.vector_load %arg4[%get3A_528, %get3A_529] {strides = array<i32>} : memref<8x128xf32, #tpu.memory_space<vmem>>, vector<1x16xf32>,
    %get3A_531 = vector.shape_cast %get3A_530 : vector<1x16xf32> to vector<16xf32>
    %get3A_532 = arith.constant 6 : i32
    %get3A_533 = arith.index_cast %get3A_532 : i32 to index
    %get3A_534 = arith.constant 32 : index
    %get3A_535 = tpu.vector_load %arg4[%get3A_533, %get3A_534] {strides = array<i32>} : memref<8x128xf32, #tpu.memory_space<vmem>>, vector<1x16xf32>,
    %get3A_536 = vector.shape_cast %get3A_535 : vector<1x16xf32> to vector<16xf32>
    %get3A_537 = arith.constant 7 : i32
    %get3A_538 = arith.index_cast %get3A_537 : i32 to index
    %get3A_539 = arith.constant 32 : index
    %get3A_540 = tpu.vector_load %arg4[%get3A_538, %get3A_539] {strides = array<i32>} : memref<8x128xf32, #tpu.memory_space<vmem>>, vector<1x16xf32>,
    %get3A_541 = vector.shape_cast %get3A_540 : vector<1x16xf32> to vector<16xf32>
    %max3A_542 = arith.maximumf %get3A_506, %get3A_511 : vector<16xf32>
    %max3A_543 = arith.maximumf %max3A_542, %get3A_516 : vector<16xf32>
    %max3A_544 = arith.maximumf %max3A_543, %get3A_521 : vector<16xf32>
    %max3A_545 = arith.maximumf %max3A_544, %get3A_526 : vector<16xf32>
    %max3A_546 = arith.maximumf %max3A_545, %get3A_531 : vector<16xf32>
    %max3A_547 = arith.maximumf %max3A_546, %get3A_536 : vector<16xf32>
    %max3A_548 = arith.maximumf %max3A_547, %get3A_541 : vector<16xf32>
    %broadcast_in_dim3A_549 = arith.constant 8.000000e+00 : f32
    %broadcast_in_dim3A_550 = vector.broadcast %broadcast_in_dim3A_549 : f32 to vector<16xf32>
    %ge3A_551 = arith.cmpf oge, %get3A_541, %max3A_548 : vector<16xf32>
    %jit3A_552 = arith.constant 7.000000e+00 : f32
    %broadcast_in_dim3A_553 = vector.broadcast %jit3A_552 : f32 to vector<16xf32>
    %select_n3A_554 = arith.select %ge3A_551, %broadcast_in_dim3A_553, %broadcast_in_dim3A_550 : vector<16xi1>, vector<16xf32>
    %ge3A_555 = arith.cmpf oge, %get3A_536, %max3A_548 : vector<16xf32>
    %jit3A_556 = arith.constant 6.000000e+00 : f32
    %broadcast_in_dim3A_557 = vector.broadcast %jit3A_556 : f32 to vector<16xf32>
    %select_n3A_558 = arith.select %ge3A_555, %broadcast_in_dim3A_557, %select_n3A_554 : vector<16xi1>, vector<16xf32>
    %ge3A_559 = arith.cmpf oge, %get3A_531, %max3A_548 : vector<16xf32>
    %jit3A_560 = arith.constant 5.000000e+00 : f32
    %broadcast_in_dim3A_561 = vector.broadcast %jit3A_560 : f32 to vector<16xf32>
    %select_n3A_562 = arith.select %ge3A_559, %broadcast_in_dim3A_561, %select_n3A_558 : vector<16xi1>, vector<16xf32>
    %ge3A_563 = arith.cmpf oge, %get3A_526, %max3A_548 : vector<16xf32>
    %jit3A_564 = arith.constant 4.000000e+00 : f32
    %broadcast_in_dim3A_565 = vector.broadcast %jit3A_564 : f32 to vector<16xf32>
    %select_n3A_566 = arith.select %ge3A_563, %broadcast_in_dim3A_565, %select_n3A_562 : vector<16xi1>, vector<16xf32>
    %ge3A_567 = arith.cmpf oge, %get3A_521, %max3A_548 : vector<16xf32>
    %jit3A_568 = arith.constant 3.000000e+00 : f32
    %broadcast_in_dim3A_569 = vector.broadcast %jit3A_568 : f32 to vector<16xf32>
    %select_n3A_570 = arith.select %ge3A_567, %broadcast_in_dim3A_569, %select_n3A_566 : vector<16xi1>, vector<16xf32>
    %ge3A_571 = arith.cmpf oge, %get3A_516, %max3A_548 : vector<16xf32>
    %jit3A_572 = arith.constant 2.000000e+00 : f32
    %broadcast_in_dim3A_573 = vector.broadcast %jit3A_572 : f32 to vector<16xf32>
    %select_n3A_574 = arith.select %ge3A_571, %broadcast_in_dim3A_573, %select_n3A_570 : vector<16xi1>, vector<16xf32>
    %ge3A_575 = arith.cmpf oge, %get3A_511, %max3A_548 : vector<16xf32>
    %jit3A_576 = arith.constant 1.000000e+00 : f32
    %broadcast_in_dim3A_577 = vector.broadcast %jit3A_576 : f32 to vector<16xf32>
    %select_n3A_578 = arith.select %ge3A_575, %broadcast_in_dim3A_577, %select_n3A_574 : vector<16xi1>, vector<16xf32>
    %ge3A_579 = arith.cmpf oge, %get3A_506, %max3A_548 : vector<16xf32>
    %jit3A_580 = arith.constant 0.000000e+00 : f32
    %broadcast_in_dim3A_581 = vector.broadcast %jit3A_580 : f32 to vector<16xf32>
    %select_n3A_582 = arith.select %ge3A_579, %broadcast_in_dim3A_581, %select_n3A_578 : vector<16xi1>, vector<16xf32>
    %broadcast_in_dim3A_583 = arith.constant -1.000000e+30 : f32
    %broadcast_in_dim3A_584 = vector.broadcast %broadcast_in_dim3A_583 : f32 to vector<16xf32>
    %eq3A_585 = arith.constant 0.000000e+00 : f32
    %eq3A_586 = vector.broadcast %eq3A_585 : f32 to vector<16xf32>
    %eq3A_587 = arith.cmpf oeq, %select_n3A_582, %eq3A_586 : vector<16xf32>
    %jit3A_588 = arith.constant -1.000000e+30 : f32
    %broadcast_in_dim3A_589 = vector.broadcast %jit3A_588 : f32 to vector<16xf32>
    %select_n3A_590 = arith.select %eq3A_587, %broadcast_in_dim3A_589, %get3A_506 : vector<16xi1>, vector<16xf32>
    %max3A_591 = arith.maximumf %broadcast_in_dim3A_584, %select_n3A_590 : vector<16xf32>
    %eq3A_592 = arith.constant 1.000000e+00 : f32
    %eq3A_593 = vector.broadcast %eq3A_592 : f32 to vector<16xf32>
    %eq3A_594 = arith.cmpf oeq, %select_n3A_582, %eq3A_593 : vector<16xf32>
    %jit3A_595 = arith.constant -1.000000e+30 : f32
    %broadcast_in_dim3A_596 = vector.broadcast %jit3A_595 : f32 to vector<16xf32>
    %select_n3A_597 = arith.select %eq3A_594, %broadcast_in_dim3A_596, %get3A_511 : vector<16xi1>, vector<16xf32>
    %max3A_598 = arith.maximumf %max3A_591, %select_n3A_597 : vector<16xf32>
    %eq3A_599 = arith.constant 2.000000e+00 : f32
    %eq3A_600 = vector.broadcast %eq3A_599 : f32 to vector<16xf32>
    %eq3A_601 = arith.cmpf oeq, %select_n3A_582, %eq3A_600 : vector<16xf32>
    %jit3A_602 = arith.constant -1.000000e+30 : f32
    %broadcast_in_dim3A_603 = vector.broadcast %jit3A_602 : f32 to vector<16xf32>
    %select_n3A_604 = arith.select %eq3A_601, %broadcast_in_dim3A_603, %get3A_516 : vector<16xi1>, vector<16xf32>
    %max3A_605 = arith.maximumf %max3A_598, %select_n3A_604 : vector<16xf32>
    %eq3A_606 = arith.constant 3.000000e+00 : f32
    %eq3A_607 = vector.broadcast %eq3A_606 : f32 to vector<16xf32>
    %eq3A_608 = arith.cmpf oeq, %select_n3A_582, %eq3A_607 : vector<16xf32>
    %jit3A_609 = arith.constant -1.000000e+30 : f32
    %broadcast_in_dim3A_610 = vector.broadcast %jit3A_609 : f32 to vector<16xf32>
    %select_n3A_611 = arith.select %eq3A_608, %broadcast_in_dim3A_610, %get3A_521 : vector<16xi1>, vector<16xf32>
    %max3A_612 = arith.maximumf %max3A_605, %select_n3A_611 : vector<16xf32>
    %eq3A_613 = arith.constant 4.000000e+00 : f32
    %eq3A_614 = vector.broadcast %eq3A_613 : f32 to vector<16xf32>
    %eq3A_615 = arith.cmpf oeq, %select_n3A_582, %eq3A_614 : vector<16xf32>
    %jit3A_616 = arith.constant -1.000000e+30 : f32
    %broadcast_in_dim3A_617 = vector.broadcast %jit3A_616 : f32 to vector<16xf32>
    %select_n3A_618 = arith.select %eq3A_615, %broadcast_in_dim3A_617, %get3A_526 : vector<16xi1>, vector<16xf32>
    %max3A_619 = arith.maximumf %max3A_612, %select_n3A_618 : vector<16xf32>
    %eq3A_620 = arith.constant 5.000000e+00 : f32
    %eq3A_621 = vector.broadcast %eq3A_620 : f32 to vector<16xf32>
    %eq3A_622 = arith.cmpf oeq, %select_n3A_582, %eq3A_621 : vector<16xf32>
    %jit3A_623 = arith.constant -1.000000e+30 : f32
    %broadcast_in_dim3A_624 = vector.broadcast %jit3A_623 : f32 to vector<16xf32>
    %select_n3A_625 = arith.select %eq3A_622, %broadcast_in_dim3A_624, %get3A_531 : vector<16xi1>, vector<16xf32>
    %max3A_626 = arith.maximumf %max3A_619, %select_n3A_625 : vector<16xf32>
    %eq3A_627 = arith.constant 6.000000e+00 : f32
    %eq3A_628 = vector.broadcast %eq3A_627 : f32 to vector<16xf32>
    %eq3A_629 = arith.cmpf oeq, %select_n3A_582, %eq3A_628 : vector<16xf32>
    %jit3A_630 = arith.constant -1.000000e+30 : f32
    %broadcast_in_dim3A_631 = vector.broadcast %jit3A_630 : f32 to vector<16xf32>
    %select_n3A_632 = arith.select %eq3A_629, %broadcast_in_dim3A_631, %get3A_536 : vector<16xi1>, vector<16xf32>
    %max3A_633 = arith.maximumf %max3A_626, %select_n3A_632 : vector<16xf32>
    %eq3A_634 = arith.constant 7.000000e+00 : f32
    %eq3A_635 = vector.broadcast %eq3A_634 : f32 to vector<16xf32>
    %eq3A_636 = arith.cmpf oeq, %select_n3A_582, %eq3A_635 : vector<16xf32>
    %jit3A_637 = arith.constant -1.000000e+30 : f32
    %broadcast_in_dim3A_638 = vector.broadcast %jit3A_637 : f32 to vector<16xf32>
    %select_n3A_639 = arith.select %eq3A_636, %broadcast_in_dim3A_638, %get3A_541 : vector<16xi1>, vector<16xf32>
    %max3A_640 = arith.maximumf %max3A_633, %select_n3A_639 : vector<16xf32>
    %broadcast_in_dim3A_641 = arith.constant 8.000000e+00 : f32
    %broadcast_in_dim3A_642 = vector.broadcast %broadcast_in_dim3A_641 : f32 to vector<16xf32>
    %eq3A_643 = arith.constant 7.000000e+00 : f32
    %eq3A_644 = vector.broadcast %eq3A_643 : f32 to vector<16xf32>
    %eq3A_645 = arith.cmpf oeq, %select_n3A_582, %eq3A_644 : vector<16xf32>
    %jit3A_646 = arith.constant -1.000000e+30 : f32
    %broadcast_in_dim3A_647 = vector.broadcast %jit3A_646 : f32 to vector<16xf32>
    %select_n3A_648 = arith.select %eq3A_645, %broadcast_in_dim3A_647, %get3A_541 : vector<16xi1>, vector<16xf32>
    %ge3A_649 = arith.cmpf oge, %select_n3A_648, %max3A_640 : vector<16xf32>
    %jit3A_650 = arith.constant 7.000000e+00 : f32
    %broadcast_in_dim3A_651 = vector.broadcast %jit3A_650 : f32 to vector<16xf32>
    %select_n3A_652 = arith.select %ge3A_649, %broadcast_in_dim3A_651, %broadcast_in_dim3A_642 : vector<16xi1>, vector<16xf32>
    %eq3A_653 = arith.constant 6.000000e+00 : f32
    %eq3A_654 = vector.broadcast %eq3A_653 : f32 to vector<16xf32>
    %eq3A_655 = arith.cmpf oeq, %select_n3A_582, %eq3A_654 : vector<16xf32>
    %jit3A_656 = arith.constant -1.000000e+30 : f32
    %broadcast_in_dim3A_657 = vector.broadcast %jit3A_656 : f32 to vector<16xf32>
    %select_n3A_658 = arith.select %eq3A_655, %broadcast_in_dim3A_657, %get3A_536 : vector<16xi1>, vector<16xf32>
    %ge3A_659 = arith.cmpf oge, %select_n3A_658, %max3A_640 : vector<16xf32>
    %jit3A_660 = arith.constant 6.000000e+00 : f32
    %broadcast_in_dim3A_661 = vector.broadcast %jit3A_660 : f32 to vector<16xf32>
    %select_n3A_662 = arith.select %ge3A_659, %broadcast_in_dim3A_661, %select_n3A_652 : vector<16xi1>, vector<16xf32>
    %eq3A_663 = arith.constant 5.000000e+00 : f32
    %eq3A_664 = vector.broadcast %eq3A_663 : f32 to vector<16xf32>
    %eq3A_665 = arith.cmpf oeq, %select_n3A_582, %eq3A_664 : vector<16xf32>
    %jit3A_666 = arith.constant -1.000000e+30 : f32
    %broadcast_in_dim3A_667 = vector.broadcast %jit3A_666 : f32 to vector<16xf32>
    %select_n3A_668 = arith.select %eq3A_665, %broadcast_in_dim3A_667, %get3A_531 : vector<16xi1>, vector<16xf32>
    %ge3A_669 = arith.cmpf oge, %select_n3A_668, %max3A_640 : vector<16xf32>
    %jit3A_670 = arith.constant 5.000000e+00 : f32
    %broadcast_in_dim3A_671 = vector.broadcast %jit3A_670 : f32 to vector<16xf32>
    %select_n3A_672 = arith.select %ge3A_669, %broadcast_in_dim3A_671, %select_n3A_662 : vector<16xi1>, vector<16xf32>
    %eq3A_673 = arith.constant 4.000000e+00 : f32
    %eq3A_674 = vector.broadcast %eq3A_673 : f32 to vector<16xf32>
    %eq3A_675 = arith.cmpf oeq, %select_n3A_582, %eq3A_674 : vector<16xf32>
    %jit3A_676 = arith.constant -1.000000e+30 : f32
    %broadcast_in_dim3A_677 = vector.broadcast %jit3A_676 : f32 to vector<16xf32>
    %select_n3A_678 = arith.select %eq3A_675, %broadcast_in_dim3A_677, %get3A_526 : vector<16xi1>, vector<16xf32>
    %ge3A_679 = arith.cmpf oge, %select_n3A_678, %max3A_640 : vector<16xf32>
    %jit3A_680 = arith.constant 4.000000e+00 : f32
    %broadcast_in_dim3A_681 = vector.broadcast %jit3A_680 : f32 to vector<16xf32>
    %select_n3A_682 = arith.select %ge3A_679, %broadcast_in_dim3A_681, %select_n3A_672 : vector<16xi1>, vector<16xf32>
    %eq3A_683 = arith.constant 3.000000e+00 : f32
    %eq3A_684 = vector.broadcast %eq3A_683 : f32 to vector<16xf32>
    %eq3A_685 = arith.cmpf oeq, %select_n3A_582, %eq3A_684 : vector<16xf32>
    %jit3A_686 = arith.constant -1.000000e+30 : f32
    %broadcast_in_dim3A_687 = vector.broadcast %jit3A_686 : f32 to vector<16xf32>
    %select_n3A_688 = arith.select %eq3A_685, %broadcast_in_dim3A_687, %get3A_521 : vector<16xi1>, vector<16xf32>
    %ge3A_689 = arith.cmpf oge, %select_n3A_688, %max3A_640 : vector<16xf32>
    %jit3A_690 = arith.constant 3.000000e+00 : f32
    %broadcast_in_dim3A_691 = vector.broadcast %jit3A_690 : f32 to vector<16xf32>
    %select_n3A_692 = arith.select %ge3A_689, %broadcast_in_dim3A_691, %select_n3A_682 : vector<16xi1>, vector<16xf32>
    %eq3A_693 = arith.constant 2.000000e+00 : f32
    %eq3A_694 = vector.broadcast %eq3A_693 : f32 to vector<16xf32>
    %eq3A_695 = arith.cmpf oeq, %select_n3A_582, %eq3A_694 : vector<16xf32>
    %jit3A_696 = arith.constant -1.000000e+30 : f32
    %broadcast_in_dim3A_697 = vector.broadcast %jit3A_696 : f32 to vector<16xf32>
    %select_n3A_698 = arith.select %eq3A_695, %broadcast_in_dim3A_697, %get3A_516 : vector<16xi1>, vector<16xf32>
    %ge3A_699 = arith.cmpf oge, %select_n3A_698, %max3A_640 : vector<16xf32>
    %jit3A_700 = arith.constant 2.000000e+00 : f32
    %broadcast_in_dim3A_701 = vector.broadcast %jit3A_700 : f32 to vector<16xf32>
    %select_n3A_702 = arith.select %ge3A_699, %broadcast_in_dim3A_701, %select_n3A_692 : vector<16xi1>, vector<16xf32>
    %eq3A_703 = arith.constant 1.000000e+00 : f32
    %eq3A_704 = vector.broadcast %eq3A_703 : f32 to vector<16xf32>
    %eq3A_705 = arith.cmpf oeq, %select_n3A_582, %eq3A_704 : vector<16xf32>
    %jit3A_706 = arith.constant -1.000000e+30 : f32
    %broadcast_in_dim3A_707 = vector.broadcast %jit3A_706 : f32 to vector<16xf32>
    %select_n3A_708 = arith.select %eq3A_705, %broadcast_in_dim3A_707, %get3A_511 : vector<16xi1>, vector<16xf32>
    %ge3A_709 = arith.cmpf oge, %select_n3A_708, %max3A_640 : vector<16xf32>
    %jit3A_710 = arith.constant 1.000000e+00 : f32
    %broadcast_in_dim3A_711 = vector.broadcast %jit3A_710 : f32 to vector<16xf32>
    %select_n3A_712 = arith.select %ge3A_709, %broadcast_in_dim3A_711, %select_n3A_702 : vector<16xi1>, vector<16xf32>
    %eq3A_713 = arith.constant 0.000000e+00 : f32
    %eq3A_714 = vector.broadcast %eq3A_713 : f32 to vector<16xf32>
    %eq3A_715 = arith.cmpf oeq, %select_n3A_582, %eq3A_714 : vector<16xf32>
    %jit3A_716 = arith.constant -1.000000e+30 : f32
    %broadcast_in_dim3A_717 = vector.broadcast %jit3A_716 : f32 to vector<16xf32>
    %select_n3A_718 = arith.select %eq3A_715, %broadcast_in_dim3A_717, %get3A_506 : vector<16xi1>, vector<16xf32>
    %ge3A_719 = arith.cmpf oge, %select_n3A_718, %max3A_640 : vector<16xf32>
    %jit3A_720 = arith.constant 0.000000e+00 : f32
    %broadcast_in_dim3A_721 = vector.broadcast %jit3A_720 : f32 to vector<16xf32>
    %select_n3A_722 = arith.select %ge3A_719, %broadcast_in_dim3A_721, %select_n3A_712 : vector<16xi1>, vector<16xf32>
    %sub3A_723 = arith.subf %max3A_640, %max3A_548 : vector<16xf32>
    %exp3A_724 = math.exp %sub3A_723 : vector<16xf32>
    %add3A_725 = arith.constant 1.000000e+00 : f32
    %add3A_726 = vector.broadcast %add3A_725 : f32 to vector<16xf32>
    %add3A_727 = arith.addf %add3A_726, %exp3A_724 : vector<16xf32>
    %div3A_728 = arith.constant 1.000000e+00 : f32
    %div3A_729 = vector.broadcast %div3A_728 : f32 to vector<16xf32>
    %div3A_730 = arith.divf %div3A_729, %add3A_727 : vector<16xf32>
    %swap3A_731 = arith.constant 0 : i32
    %swap3A_732 = arith.index_cast %swap3A_731 : i32 to index
    %swap3A_733 = arith.constant 32 : index
    %swap3A_734 = tpu.vector_load %arg5[%swap3A_732, %swap3A_733] {strides = array<i32>} : memref<4x128xf32, #tpu.memory_space<vmem>>, vector<1x16xf32>,
    %swap3A_735 = vector.shape_cast %swap3A_734 : vector<1x16xf32> to vector<16xf32>
    %swap3A_736 = vector.shape_cast %select_n3A_582 : vector<16xf32> to vector<1x16xf32>
    tpu.vector_store %arg5[%swap3A_732, %swap3A_733], %swap3A_736 {strides = array<i32>} : memref<4x128xf32, #tpu.memory_space<vmem>>, vector<1x16xf32>,
    %swap3A_737 = arith.constant 1 : i32
    %swap3A_738 = arith.index_cast %swap3A_737 : i32 to index
    %swap3A_739 = arith.constant 32 : index
    %swap3A_740 = tpu.vector_load %arg5[%swap3A_738, %swap3A_739] {strides = array<i32>} : memref<4x128xf32, #tpu.memory_space<vmem>>, vector<1x16xf32>,
    %swap3A_741 = vector.shape_cast %swap3A_740 : vector<1x16xf32> to vector<16xf32>
    %swap3A_742 = vector.shape_cast %select_n3A_722 : vector<16xf32> to vector<1x16xf32>
    tpu.vector_store %arg5[%swap3A_738, %swap3A_739], %swap3A_742 {strides = array<i32>} : memref<4x128xf32, #tpu.memory_space<vmem>>, vector<1x16xf32>,
    %swap3A_743 = arith.constant 2 : i32
    %swap3A_744 = arith.index_cast %swap3A_743 : i32 to index
    %swap3A_745 = arith.constant 32 : index
    %swap3A_746 = tpu.vector_load %arg5[%swap3A_744, %swap3A_745] {strides = array<i32>} : memref<4x128xf32, #tpu.memory_space<vmem>>, vector<1x16xf32>,
    %swap3A_747 = vector.shape_cast %swap3A_746 : vector<1x16xf32> to vector<16xf32>
    %swap3A_748 = vector.shape_cast %div3A_730 : vector<16xf32> to vector<1x16xf32>
    tpu.vector_store %arg5[%swap3A_744, %swap3A_745], %swap3A_748 {strides = array<i32>} : memref<4x128xf32, #tpu.memory_space<vmem>>, vector<1x16xf32>,
    %sub3A_749 = arith.constant 1.000000e+00 : f32
    %sub3A_750 = vector.broadcast %sub3A_749 : f32 to vector<16xf32>
    %sub3A_751 = arith.subf %sub3A_750, %div3A_730 : vector<16xf32>
    %swap3A_752 = arith.constant 3 : i32
    %swap3A_753 = arith.index_cast %swap3A_752 : i32 to index
    %swap3A_754 = arith.constant 32 : index
    %swap3A_755 = tpu.vector_load %arg5[%swap3A_753, %swap3A_754] {strides = array<i32>} : memref<4x128xf32, #tpu.memory_space<vmem>>, vector<1x16xf32>,
    %swap3A_756 = vector.shape_cast %swap3A_755 : vector<1x16xf32> to vector<16xf32>
    %swap3A_757 = vector.shape_cast %sub3A_751 : vector<16xf32> to vector<1x16xf32>
    tpu.vector_store %arg5[%swap3A_753, %swap3A_754], %swap3A_757 {strides = array<i32>} : memref<4x128xf32, #tpu.memory_space<vmem>>, vector<1x16xf32>,
    %get3A_758 = arith.constant 0 : i32
    %get3A_759 = arith.index_cast %get3A_758 : i32 to index
    %get3A_760 = arith.constant 48 : index
    %get3A_761 = tpu.vector_load %arg4[%get3A_759, %get3A_760] {strides = array<i32>} : memref<8x128xf32, #tpu.memory_space<vmem>>, vector<1x16xf32>,
    %get3A_762 = vector.shape_cast %get3A_761 : vector<1x16xf32> to vector<16xf32>
    %get3A_763 = arith.constant 1 : i32
    %get3A_764 = arith.index_cast %get3A_763 : i32 to index
    %get3A_765 = arith.constant 48 : index
    %get3A_766 = tpu.vector_load %arg4[%get3A_764, %get3A_765] {strides = array<i32>} : memref<8x128xf32, #tpu.memory_space<vmem>>, vector<1x16xf32>,
    %get3A_767 = vector.shape_cast %get3A_766 : vector<1x16xf32> to vector<16xf32>
    %get3A_768 = arith.constant 2 : i32
    %get3A_769 = arith.index_cast %get3A_768 : i32 to index
    %get3A_770 = arith.constant 48 : index
    %get3A_771 = tpu.vector_load %arg4[%get3A_769, %get3A_770] {strides = array<i32>} : memref<8x128xf32, #tpu.memory_space<vmem>>, vector<1x16xf32>,
    %get3A_772 = vector.shape_cast %get3A_771 : vector<1x16xf32> to vector<16xf32>
    %get3A_773 = arith.constant 3 : i32
    %get3A_774 = arith.index_cast %get3A_773 : i32 to index
    %get3A_775 = arith.constant 48 : index
    %get3A_776 = tpu.vector_load %arg4[%get3A_774, %get3A_775] {strides = array<i32>} : memref<8x128xf32, #tpu.memory_space<vmem>>, vector<1x16xf32>,
    %get3A_777 = vector.shape_cast %get3A_776 : vector<1x16xf32> to vector<16xf32>
    %get3A_778 = arith.constant 4 : i32
    %get3A_779 = arith.index_cast %get3A_778 : i32 to index
    %get3A_780 = arith.constant 48 : index
    %get3A_781 = tpu.vector_load %arg4[%get3A_779, %get3A_780] {strides = array<i32>} : memref<8x128xf32, #tpu.memory_space<vmem>>, vector<1x16xf32>,
    %get3A_782 = vector.shape_cast %get3A_781 : vector<1x16xf32> to vector<16xf32>
    %get3A_783 = arith.constant 5 : i32
    %get3A_784 = arith.index_cast %get3A_783 : i32 to index
    %get3A_785 = arith.constant 48 : index
    %get3A_786 = tpu.vector_load %arg4[%get3A_784, %get3A_785] {strides = array<i32>} : memref<8x128xf32, #tpu.memory_space<vmem>>, vector<1x16xf32>,
    %get3A_787 = vector.shape_cast %get3A_786 : vector<1x16xf32> to vector<16xf32>
    %get3A_788 = arith.constant 6 : i32
    %get3A_789 = arith.index_cast %get3A_788 : i32 to index
    %get3A_790 = arith.constant 48 : index
    %get3A_791 = tpu.vector_load %arg4[%get3A_789, %get3A_790] {strides = array<i32>} : memref<8x128xf32, #tpu.memory_space<vmem>>, vector<1x16xf32>,
    %get3A_792 = vector.shape_cast %get3A_791 : vector<1x16xf32> to vector<16xf32>
    %get3A_793 = arith.constant 7 : i32
    %get3A_794 = arith.index_cast %get3A_793 : i32 to index
    %get3A_795 = arith.constant 48 : index
    %get3A_796 = tpu.vector_load %arg4[%get3A_794, %get3A_795] {strides = array<i32>} : memref<8x128xf32, #tpu.memory_space<vmem>>, vector<1x16xf32>,
    %get3A_797 = vector.shape_cast %get3A_796 : vector<1x16xf32> to vector<16xf32>
    %max3A_798 = arith.maximumf %get3A_762, %get3A_767 : vector<16xf32>
    %max3A_799 = arith.maximumf %max3A_798, %get3A_772 : vector<16xf32>
    %max3A_800 = arith.maximumf %max3A_799, %get3A_777 : vector<16xf32>
    %max3A_801 = arith.maximumf %max3A_800, %get3A_782 : vector<16xf32>
    %max3A_802 = arith.maximumf %max3A_801, %get3A_787 : vector<16xf32>
    %max3A_803 = arith.maximumf %max3A_802, %get3A_792 : vector<16xf32>
    %max3A_804 = arith.maximumf %max3A_803, %get3A_797 : vector<16xf32>
    %broadcast_in_dim3A_805 = arith.constant 8.000000e+00 : f32
    %broadcast_in_dim3A_806 = vector.broadcast %broadcast_in_dim3A_805 : f32 to vector<16xf32>
    %ge3A_807 = arith.cmpf oge, %get3A_797, %max3A_804 : vector<16xf32>
    %jit3A_808 = arith.constant 7.000000e+00 : f32
    %broadcast_in_dim3A_809 = vector.broadcast %jit3A_808 : f32 to vector<16xf32>
    %select_n3A_810 = arith.select %ge3A_807, %broadcast_in_dim3A_809, %broadcast_in_dim3A_806 : vector<16xi1>, vector<16xf32>
    %ge3A_811 = arith.cmpf oge, %get3A_792, %max3A_804 : vector<16xf32>
    %jit3A_812 = arith.constant 6.000000e+00 : f32
    %broadcast_in_dim3A_813 = vector.broadcast %jit3A_812 : f32 to vector<16xf32>
    %select_n3A_814 = arith.select %ge3A_811, %broadcast_in_dim3A_813, %select_n3A_810 : vector<16xi1>, vector<16xf32>
    %ge3A_815 = arith.cmpf oge, %get3A_787, %max3A_804 : vector<16xf32>
    %jit3A_816 = arith.constant 5.000000e+00 : f32
    %broadcast_in_dim3A_817 = vector.broadcast %jit3A_816 : f32 to vector<16xf32>
    %select_n3A_818 = arith.select %ge3A_815, %broadcast_in_dim3A_817, %select_n3A_814 : vector<16xi1>, vector<16xf32>
    %ge3A_819 = arith.cmpf oge, %get3A_782, %max3A_804 : vector<16xf32>
    %jit3A_820 = arith.constant 4.000000e+00 : f32
    %broadcast_in_dim3A_821 = vector.broadcast %jit3A_820 : f32 to vector<16xf32>
    %select_n3A_822 = arith.select %ge3A_819, %broadcast_in_dim3A_821, %select_n3A_818 : vector<16xi1>, vector<16xf32>
    %ge3A_823 = arith.cmpf oge, %get3A_777, %max3A_804 : vector<16xf32>
    %jit3A_824 = arith.constant 3.000000e+00 : f32
    %broadcast_in_dim3A_825 = vector.broadcast %jit3A_824 : f32 to vector<16xf32>
    %select_n3A_826 = arith.select %ge3A_823, %broadcast_in_dim3A_825, %select_n3A_822 : vector<16xi1>, vector<16xf32>
    %ge3A_827 = arith.cmpf oge, %get3A_772, %max3A_804 : vector<16xf32>
    %jit3A_828 = arith.constant 2.000000e+00 : f32
    %broadcast_in_dim3A_829 = vector.broadcast %jit3A_828 : f32 to vector<16xf32>
    %select_n3A_830 = arith.select %ge3A_827, %broadcast_in_dim3A_829, %select_n3A_826 : vector<16xi1>, vector<16xf32>
    %ge3A_831 = arith.cmpf oge, %get3A_767, %max3A_804 : vector<16xf32>
    %jit3A_832 = arith.constant 1.000000e+00 : f32
    %broadcast_in_dim3A_833 = vector.broadcast %jit3A_832 : f32 to vector<16xf32>
    %select_n3A_834 = arith.select %ge3A_831, %broadcast_in_dim3A_833, %select_n3A_830 : vector<16xi1>, vector<16xf32>
    %ge3A_835 = arith.cmpf oge, %get3A_762, %max3A_804 : vector<16xf32>
    %jit3A_836 = arith.constant 0.000000e+00 : f32
    %broadcast_in_dim3A_837 = vector.broadcast %jit3A_836 : f32 to vector<16xf32>
    %select_n3A_838 = arith.select %ge3A_835, %broadcast_in_dim3A_837, %select_n3A_834 : vector<16xi1>, vector<16xf32>
    %broadcast_in_dim3A_839 = arith.constant -1.000000e+30 : f32
    %broadcast_in_dim3A_840 = vector.broadcast %broadcast_in_dim3A_839 : f32 to vector<16xf32>
    %eq3A_841 = arith.constant 0.000000e+00 : f32
    %eq3A_842 = vector.broadcast %eq3A_841 : f32 to vector<16xf32>
    %eq3A_843 = arith.cmpf oeq, %select_n3A_838, %eq3A_842 : vector<16xf32>
    %jit3A_844 = arith.constant -1.000000e+30 : f32
    %broadcast_in_dim3A_845 = vector.broadcast %jit3A_844 : f32 to vector<16xf32>
    %select_n3A_846 = arith.select %eq3A_843, %broadcast_in_dim3A_845, %get3A_762 : vector<16xi1>, vector<16xf32>
    %max3A_847 = arith.maximumf %broadcast_in_dim3A_840, %select_n3A_846 : vector<16xf32>
    %eq3A_848 = arith.constant 1.000000e+00 : f32
    %eq3A_849 = vector.broadcast %eq3A_848 : f32 to vector<16xf32>
    %eq3A_850 = arith.cmpf oeq, %select_n3A_838, %eq3A_849 : vector<16xf32>
    %jit3A_851 = arith.constant -1.000000e+30 : f32
    %broadcast_in_dim3A_852 = vector.broadcast %jit3A_851 : f32 to vector<16xf32>
    %select_n3A_853 = arith.select %eq3A_850, %broadcast_in_dim3A_852, %get3A_767 : vector<16xi1>, vector<16xf32>
    %max3A_854 = arith.maximumf %max3A_847, %select_n3A_853 : vector<16xf32>
    %eq3A_855 = arith.constant 2.000000e+00 : f32
    %eq3A_856 = vector.broadcast %eq3A_855 : f32 to vector<16xf32>
    %eq3A_857 = arith.cmpf oeq, %select_n3A_838, %eq3A_856 : vector<16xf32>
    %jit3A_858 = arith.constant -1.000000e+30 : f32
    %broadcast_in_dim3A_859 = vector.broadcast %jit3A_858 : f32 to vector<16xf32>
    %select_n3A_860 = arith.select %eq3A_857, %broadcast_in_dim3A_859, %get3A_772 : vector<16xi1>, vector<16xf32>
    %max3A_861 = arith.maximumf %max3A_854, %select_n3A_860 : vector<16xf32>
    %eq3A_862 = arith.constant 3.000000e+00 : f32
    %eq3A_863 = vector.broadcast %eq3A_862 : f32 to vector<16xf32>
    %eq3A_864 = arith.cmpf oeq, %select_n3A_838, %eq3A_863 : vector<16xf32>
    %jit3A_865 = arith.constant -1.000000e+30 : f32
    %broadcast_in_dim3A_866 = vector.broadcast %jit3A_865 : f32 to vector<16xf32>
    %select_n3A_867 = arith.select %eq3A_864, %broadcast_in_dim3A_866, %get3A_777 : vector<16xi1>, vector<16xf32>
    %max3A_868 = arith.maximumf %max3A_861, %select_n3A_867 : vector<16xf32>
    %eq3A_869 = arith.constant 4.000000e+00 : f32
    %eq3A_870 = vector.broadcast %eq3A_869 : f32 to vector<16xf32>
    %eq3A_871 = arith.cmpf oeq, %select_n3A_838, %eq3A_870 : vector<16xf32>
    %jit3A_872 = arith.constant -1.000000e+30 : f32
    %broadcast_in_dim3A_873 = vector.broadcast %jit3A_872 : f32 to vector<16xf32>
    %select_n3A_874 = arith.select %eq3A_871, %broadcast_in_dim3A_873, %get3A_782 : vector<16xi1>, vector<16xf32>
    %max3A_875 = arith.maximumf %max3A_868, %select_n3A_874 : vector<16xf32>
    %eq3A_876 = arith.constant 5.000000e+00 : f32
    %eq3A_877 = vector.broadcast %eq3A_876 : f32 to vector<16xf32>
    %eq3A_878 = arith.cmpf oeq, %select_n3A_838, %eq3A_877 : vector<16xf32>
    %jit3A_879 = arith.constant -1.000000e+30 : f32
    %broadcast_in_dim3A_880 = vector.broadcast %jit3A_879 : f32 to vector<16xf32>
    %select_n3A_881 = arith.select %eq3A_878, %broadcast_in_dim3A_880, %get3A_787 : vector<16xi1>, vector<16xf32>
    %max3A_882 = arith.maximumf %max3A_875, %select_n3A_881 : vector<16xf32>
    %eq3A_883 = arith.constant 6.000000e+00 : f32
    %eq3A_884 = vector.broadcast %eq3A_883 : f32 to vector<16xf32>
    %eq3A_885 = arith.cmpf oeq, %select_n3A_838, %eq3A_884 : vector<16xf32>
    %jit3A_886 = arith.constant -1.000000e+30 : f32
    %broadcast_in_dim3A_887 = vector.broadcast %jit3A_886 : f32 to vector<16xf32>
    %select_n3A_888 = arith.select %eq3A_885, %broadcast_in_dim3A_887, %get3A_792 : vector<16xi1>, vector<16xf32>
    %max3A_889 = arith.maximumf %max3A_882, %select_n3A_888 : vector<16xf32>
    %eq3A_890 = arith.constant 7.000000e+00 : f32
    %eq3A_891 = vector.broadcast %eq3A_890 : f32 to vector<16xf32>
    %eq3A_892 = arith.cmpf oeq, %select_n3A_838, %eq3A_891 : vector<16xf32>
    %jit3A_893 = arith.constant -1.000000e+30 : f32
    %broadcast_in_dim3A_894 = vector.broadcast %jit3A_893 : f32 to vector<16xf32>
    %select_n3A_895 = arith.select %eq3A_892, %broadcast_in_dim3A_894, %get3A_797 : vector<16xi1>, vector<16xf32>
    %max3A_896 = arith.maximumf %max3A_889, %select_n3A_895 : vector<16xf32>
    %broadcast_in_dim3A_897 = arith.constant 8.000000e+00 : f32
    %broadcast_in_dim3A_898 = vector.broadcast %broadcast_in_dim3A_897 : f32 to vector<16xf32>
    %eq3A_899 = arith.constant 7.000000e+00 : f32
    %eq3A_900 = vector.broadcast %eq3A_899 : f32 to vector<16xf32>
    %eq3A_901 = arith.cmpf oeq, %select_n3A_838, %eq3A_900 : vector<16xf32>
    %jit3A_902 = arith.constant -1.000000e+30 : f32
    %broadcast_in_dim3A_903 = vector.broadcast %jit3A_902 : f32 to vector<16xf32>
    %select_n3A_904 = arith.select %eq3A_901, %broadcast_in_dim3A_903, %get3A_797 : vector<16xi1>, vector<16xf32>
    %ge3A_905 = arith.cmpf oge, %select_n3A_904, %max3A_896 : vector<16xf32>
    %jit3A_906 = arith.constant 7.000000e+00 : f32
    %broadcast_in_dim3A_907 = vector.broadcast %jit3A_906 : f32 to vector<16xf32>
    %select_n3A_908 = arith.select %ge3A_905, %broadcast_in_dim3A_907, %broadcast_in_dim3A_898 : vector<16xi1>, vector<16xf32>
    %eq3A_909 = arith.constant 6.000000e+00 : f32
    %eq3A_910 = vector.broadcast %eq3A_909 : f32 to vector<16xf32>
    %eq3A_911 = arith.cmpf oeq, %select_n3A_838, %eq3A_910 : vector<16xf32>
    %jit3A_912 = arith.constant -1.000000e+30 : f32
    %broadcast_in_dim3A_913 = vector.broadcast %jit3A_912 : f32 to vector<16xf32>
    %select_n3A_914 = arith.select %eq3A_911, %broadcast_in_dim3A_913, %get3A_792 : vector<16xi1>, vector<16xf32>
    %ge3A_915 = arith.cmpf oge, %select_n3A_914, %max3A_896 : vector<16xf32>
    %jit3A_916 = arith.constant 6.000000e+00 : f32
    %broadcast_in_dim3A_917 = vector.broadcast %jit3A_916 : f32 to vector<16xf32>
    %select_n3A_918 = arith.select %ge3A_915, %broadcast_in_dim3A_917, %select_n3A_908 : vector<16xi1>, vector<16xf32>
    %eq3A_919 = arith.constant 5.000000e+00 : f32
    %eq3A_920 = vector.broadcast %eq3A_919 : f32 to vector<16xf32>
    %eq3A_921 = arith.cmpf oeq, %select_n3A_838, %eq3A_920 : vector<16xf32>
    %jit3A_922 = arith.constant -1.000000e+30 : f32
    %broadcast_in_dim3A_923 = vector.broadcast %jit3A_922 : f32 to vector<16xf32>
    %select_n3A_924 = arith.select %eq3A_921, %broadcast_in_dim3A_923, %get3A_787 : vector<16xi1>, vector<16xf32>
    %ge3A_925 = arith.cmpf oge, %select_n3A_924, %max3A_896 : vector<16xf32>
    %jit3A_926 = arith.constant 5.000000e+00 : f32
    %broadcast_in_dim3A_927 = vector.broadcast %jit3A_926 : f32 to vector<16xf32>
    %select_n3A_928 = arith.select %ge3A_925, %broadcast_in_dim3A_927, %select_n3A_918 : vector<16xi1>, vector<16xf32>
    %eq3A_929 = arith.constant 4.000000e+00 : f32
    %eq3A_930 = vector.broadcast %eq3A_929 : f32 to vector<16xf32>
    %eq3A_931 = arith.cmpf oeq, %select_n3A_838, %eq3A_930 : vector<16xf32>
    %jit3A_932 = arith.constant -1.000000e+30 : f32
    %broadcast_in_dim3A_933 = vector.broadcast %jit3A_932 : f32 to vector<16xf32>
    %select_n3A_934 = arith.select %eq3A_931, %broadcast_in_dim3A_933, %get3A_782 : vector<16xi1>, vector<16xf32>
    %ge3A_935 = arith.cmpf oge, %select_n3A_934, %max3A_896 : vector<16xf32>
    %jit3A_936 = arith.constant 4.000000e+00 : f32
    %broadcast_in_dim3A_937 = vector.broadcast %jit3A_936 : f32 to vector<16xf32>
    %select_n3A_938 = arith.select %ge3A_935, %broadcast_in_dim3A_937, %select_n3A_928 : vector<16xi1>, vector<16xf32>
    %eq3A_939 = arith.constant 3.000000e+00 : f32
    %eq3A_940 = vector.broadcast %eq3A_939 : f32 to vector<16xf32>
    %eq3A_941 = arith.cmpf oeq, %select_n3A_838, %eq3A_940 : vector<16xf32>
    %jit3A_942 = arith.constant -1.000000e+30 : f32
    %broadcast_in_dim3A_943 = vector.broadcast %jit3A_942 : f32 to vector<16xf32>
    %select_n3A_944 = arith.select %eq3A_941, %broadcast_in_dim3A_943, %get3A_777 : vector<16xi1>, vector<16xf32>
    %ge3A_945 = arith.cmpf oge, %select_n3A_944, %max3A_896 : vector<16xf32>
    %jit3A_946 = arith.constant 3.000000e+00 : f32
    %broadcast_in_dim3A_947 = vector.broadcast %jit3A_946 : f32 to vector<16xf32>
    %select_n3A_948 = arith.select %ge3A_945, %broadcast_in_dim3A_947, %select_n3A_938 : vector<16xi1>, vector<16xf32>
    %eq3A_949 = arith.constant 2.000000e+00 : f32
    %eq3A_950 = vector.broadcast %eq3A_949 : f32 to vector<16xf32>
    %eq3A_951 = arith.cmpf oeq, %select_n3A_838, %eq3A_950 : vector<16xf32>
    %jit3A_952 = arith.constant -1.000000e+30 : f32
    %broadcast_in_dim3A_953 = vector.broadcast %jit3A_952 : f32 to vector<16xf32>
    %select_n3A_954 = arith.select %eq3A_951, %broadcast_in_dim3A_953, %get3A_772 : vector<16xi1>, vector<16xf32>
    %ge3A_955 = arith.cmpf oge, %select_n3A_954, %max3A_896 : vector<16xf32>
    %jit3A_956 = arith.constant 2.000000e+00 : f32
    %broadcast_in_dim3A_957 = vector.broadcast %jit3A_956 : f32 to vector<16xf32>
    %select_n3A_958 = arith.select %ge3A_955, %broadcast_in_dim3A_957, %select_n3A_948 : vector<16xi1>, vector<16xf32>
    %eq3A_959 = arith.constant 1.000000e+00 : f32
    %eq3A_960 = vector.broadcast %eq3A_959 : f32 to vector<16xf32>
    %eq3A_961 = arith.cmpf oeq, %select_n3A_838, %eq3A_960 : vector<16xf32>
    %jit3A_962 = arith.constant -1.000000e+30 : f32
    %broadcast_in_dim3A_963 = vector.broadcast %jit3A_962 : f32 to vector<16xf32>
    %select_n3A_964 = arith.select %eq3A_961, %broadcast_in_dim3A_963, %get3A_767 : vector<16xi1>, vector<16xf32>
    %ge3A_965 = arith.cmpf oge, %select_n3A_964, %max3A_896 : vector<16xf32>
    %jit3A_966 = arith.constant 1.000000e+00 : f32
    %broadcast_in_dim3A_967 = vector.broadcast %jit3A_966 : f32 to vector<16xf32>
    %select_n3A_968 = arith.select %ge3A_965, %broadcast_in_dim3A_967, %select_n3A_958 : vector<16xi1>, vector<16xf32>
    %eq3A_969 = arith.constant 0.000000e+00 : f32
    %eq3A_970 = vector.broadcast %eq3A_969 : f32 to vector<16xf32>
    %eq3A_971 = arith.cmpf oeq, %select_n3A_838, %eq3A_970 : vector<16xf32>
    %jit3A_972 = arith.constant -1.000000e+30 : f32
    %broadcast_in_dim3A_973 = vector.broadcast %jit3A_972 : f32 to vector<16xf32>
    %select_n3A_974 = arith.select %eq3A_971, %broadcast_in_dim3A_973, %get3A_762 : vector<16xi1>, vector<16xf32>
    %ge3A_975 = arith.cmpf oge, %select_n3A_974, %max3A_896 : vector<16xf32>
    %jit3A_976 = arith.constant 0.000000e+00 : f32
    %broadcast_in_dim3A_977 = vector.broadcast %jit3A_976 : f32 to vector<16xf32>
    %select_n3A_978 = arith.select %ge3A_975, %broadcast_in_dim3A_977, %select_n3A_968 : vector<16xi1>, vector<16xf32>
    %sub3A_979 = arith.subf %max3A_896, %max3A_804 : vector<16xf32>
    %exp3A_980 = math.exp %sub3A_979 : vector<16xf32>
    %add3A_981 = arith.constant 1.000000e+00 : f32
    %add3A_982 = vector.broadcast %add3A_981 : f32 to vector<16xf32>
    %add3A_983 = arith.addf %add3A_982, %exp3A_980 : vector<16xf32>
    %div3A_984 = arith.constant 1.000000e+00 : f32
    %div3A_985 = vector.broadcast %div3A_984 : f32 to vector<16xf32>
    %div3A_986 = arith.divf %div3A_985, %add3A_983 : vector<16xf32>
    %swap3A_987 = arith.constant 0 : i32
    %swap3A_988 = arith.index_cast %swap3A_987 : i32 to index
    %swap3A_989 = arith.constant 48 : index
    %swap3A_990 = tpu.vector_load %arg5[%swap3A_988, %swap3A_989] {strides = array<i32>} : memref<4x128xf32, #tpu.memory_space<vmem>>, vector<1x16xf32>,
    %swap3A_991 = vector.shape_cast %swap3A_990 : vector<1x16xf32> to vector<16xf32>
    %swap3A_992 = vector.shape_cast %select_n3A_838 : vector<16xf32> to vector<1x16xf32>
    tpu.vector_store %arg5[%swap3A_988, %swap3A_989], %swap3A_992 {strides = array<i32>} : memref<4x128xf32, #tpu.memory_space<vmem>>, vector<1x16xf32>,
    %swap3A_993 = arith.constant 1 : i32
    %swap3A_994 = arith.index_cast %swap3A_993 : i32 to index
    %swap3A_995 = arith.constant 48 : index
    %swap3A_996 = tpu.vector_load %arg5[%swap3A_994, %swap3A_995] {strides = array<i32>} : memref<4x128xf32, #tpu.memory_space<vmem>>, vector<1x16xf32>,
    %swap3A_997 = vector.shape_cast %swap3A_996 : vector<1x16xf32> to vector<16xf32>
    %swap3A_998 = vector.shape_cast %select_n3A_978 : vector<16xf32> to vector<1x16xf32>
    tpu.vector_store %arg5[%swap3A_994, %swap3A_995], %swap3A_998 {strides = array<i32>} : memref<4x128xf32, #tpu.memory_space<vmem>>, vector<1x16xf32>,
    %swap3A_999 = arith.constant 2 : i32
    %swap3A_1000 = arith.index_cast %swap3A_999 : i32 to index
    %swap3A_1001 = arith.constant 48 : index
    %swap3A_1002 = tpu.vector_load %arg5[%swap3A_1000, %swap3A_1001] {strides = array<i32>} : memref<4x128xf32, #tpu.memory_space<vmem>>, vector<1x16xf32>,
    %swap3A_1003 = vector.shape_cast %swap3A_1002 : vector<1x16xf32> to vector<16xf32>
    %swap3A_1004 = vector.shape_cast %div3A_986 : vector<16xf32> to vector<1x16xf32>
    tpu.vector_store %arg5[%swap3A_1000, %swap3A_1001], %swap3A_1004 {strides = array<i32>} : memref<4x128xf32, #tpu.memory_space<vmem>>, vector<1x16xf32>,
    %sub3A_1005 = arith.constant 1.000000e+00 : f32
    %sub3A_1006 = vector.broadcast %sub3A_1005 : f32 to vector<16xf32>
    %sub3A_1007 = arith.subf %sub3A_1006, %div3A_986 : vector<16xf32>
    %swap3A_1008 = arith.constant 3 : i32
    %swap3A_1009 = arith.index_cast %swap3A_1008 : i32 to index
    %swap3A_1010 = arith.constant 48 : index
    %swap3A_1011 = tpu.vector_load %arg5[%swap3A_1009, %swap3A_1010] {strides = array<i32>} : memref<4x128xf32, #tpu.memory_space<vmem>>, vector<1x16xf32>,
    %swap3A_1012 = vector.shape_cast %swap3A_1011 : vector<1x16xf32> to vector<16xf32>
    %swap3A_1013 = vector.shape_cast %sub3A_1007 : vector<16xf32> to vector<1x16xf32>
    tpu.vector_store %arg5[%swap3A_1009, %swap3A_1010], %swap3A_1013 {strides = array<i32>} : memref<4x128xf32, #tpu.memory_space<vmem>>, vector<1x16xf32>,
    %get3A_1014 = arith.constant 0 : i32
    %get3A_1015 = arith.index_cast %get3A_1014 : i32 to index
    %get3A_1016 = arith.constant 64 : index
    %get3A_1017 = tpu.vector_load %arg4[%get3A_1015, %get3A_1016] {strides = array<i32>} : memref<8x128xf32, #tpu.memory_space<vmem>>, vector<1x16xf32>,
    %get3A_1018 = vector.shape_cast %get3A_1017 : vector<1x16xf32> to vector<16xf32>
    %get3A_1019 = arith.constant 1 : i32
    %get3A_1020 = arith.index_cast %get3A_1019 : i32 to index
    %get3A_1021 = arith.constant 64 : index
    %get3A_1022 = tpu.vector_load %arg4[%get3A_1020, %get3A_1021] {strides = array<i32>} : memref<8x128xf32, #tpu.memory_space<vmem>>, vector<1x16xf32>,
    %get3A_1023 = vector.shape_cast %get3A_1022 : vector<1x16xf32> to vector<16xf32>
    %get3A_1024 = arith.constant 2 : i32
    %get3A_1025 = arith.index_cast %get3A_1024 : i32 to index
    %get3A_1026 = arith.constant 64 : index
    %get3A_1027 = tpu.vector_load %arg4[%get3A_1025, %get3A_1026] {strides = array<i32>} : memref<8x128xf32, #tpu.memory_space<vmem>>, vector<1x16xf32>,
    %get3A_1028 = vector.shape_cast %get3A_1027 : vector<1x16xf32> to vector<16xf32>
    %get3A_1029 = arith.constant 3 : i32
    %get3A_1030 = arith.index_cast %get3A_1029 : i32 to index
    %get3A_1031 = arith.constant 64 : index
    %get3A_1032 = tpu.vector_load %arg4[%get3A_1030, %get3A_1031] {strides = array<i32>} : memref<8x128xf32, #tpu.memory_space<vmem>>, vector<1x16xf32>,
    %get3A_1033 = vector.shape_cast %get3A_1032 : vector<1x16xf32> to vector<16xf32>
    %get3A_1034 = arith.constant 4 : i32
    %get3A_1035 = arith.index_cast %get3A_1034 : i32 to index
    %get3A_1036 = arith.constant 64 : index
    %get3A_1037 = tpu.vector_load %arg4[%get3A_1035, %get3A_1036] {strides = array<i32>} : memref<8x128xf32, #tpu.memory_space<vmem>>, vector<1x16xf32>,
    %get3A_1038 = vector.shape_cast %get3A_1037 : vector<1x16xf32> to vector<16xf32>
    %get3A_1039 = arith.constant 5 : i32
    %get3A_1040 = arith.index_cast %get3A_1039 : i32 to index
    %get3A_1041 = arith.constant 64 : index
    %get3A_1042 = tpu.vector_load %arg4[%get3A_1040, %get3A_1041] {strides = array<i32>} : memref<8x128xf32, #tpu.memory_space<vmem>>, vector<1x16xf32>,
    %get3A_1043 = vector.shape_cast %get3A_1042 : vector<1x16xf32> to vector<16xf32>
    %get3A_1044 = arith.constant 6 : i32
    %get3A_1045 = arith.index_cast %get3A_1044 : i32 to index
    %get3A_1046 = arith.constant 64 : index
    %get3A_1047 = tpu.vector_load %arg4[%get3A_1045, %get3A_1046] {strides = array<i32>} : memref<8x128xf32, #tpu.memory_space<vmem>>, vector<1x16xf32>,
    %get3A_1048 = vector.shape_cast %get3A_1047 : vector<1x16xf32> to vector<16xf32>
    %get3A_1049 = arith.constant 7 : i32
    %get3A_1050 = arith.index_cast %get3A_1049 : i32 to index
    %get3A_1051 = arith.constant 64 : index
    %get3A_1052 = tpu.vector_load %arg4[%get3A_1050, %get3A_1051] {strides = array<i32>} : memref<8x128xf32, #tpu.memory_space<vmem>>, vector<1x16xf32>,
    %get3A_1053 = vector.shape_cast %get3A_1052 : vector<1x16xf32> to vector<16xf32>
    %max3A_1054 = arith.maximumf %get3A_1018, %get3A_1023 : vector<16xf32>
    %max3A_1055 = arith.maximumf %max3A_1054, %get3A_1028 : vector<16xf32>
    %max3A_1056 = arith.maximumf %max3A_1055, %get3A_1033 : vector<16xf32>
    %max3A_1057 = arith.maximumf %max3A_1056, %get3A_1038 : vector<16xf32>
    %max3A_1058 = arith.maximumf %max3A_1057, %get3A_1043 : vector<16xf32>
    %max3A_1059 = arith.maximumf %max3A_1058, %get3A_1048 : vector<16xf32>
    %max3A_1060 = arith.maximumf %max3A_1059, %get3A_1053 : vector<16xf32>
    %broadcast_in_dim3A_1061 = arith.constant 8.000000e+00 : f32
    %broadcast_in_dim3A_1062 = vector.broadcast %broadcast_in_dim3A_1061 : f32 to vector<16xf32>
    %ge3A_1063 = arith.cmpf oge, %get3A_1053, %max3A_1060 : vector<16xf32>
    %jit3A_1064 = arith.constant 7.000000e+00 : f32
    %broadcast_in_dim3A_1065 = vector.broadcast %jit3A_1064 : f32 to vector<16xf32>
    %select_n3A_1066 = arith.select %ge3A_1063, %broadcast_in_dim3A_1065, %broadcast_in_dim3A_1062 : vector<16xi1>, vector<16xf32>
    %ge3A_1067 = arith.cmpf oge, %get3A_1048, %max3A_1060 : vector<16xf32>
    %jit3A_1068 = arith.constant 6.000000e+00 : f32
    %broadcast_in_dim3A_1069 = vector.broadcast %jit3A_1068 : f32 to vector<16xf32>
    %select_n3A_1070 = arith.select %ge3A_1067, %broadcast_in_dim3A_1069, %select_n3A_1066 : vector<16xi1>, vector<16xf32>
    %ge3A_1071 = arith.cmpf oge, %get3A_1043, %max3A_1060 : vector<16xf32>
    %jit3A_1072 = arith.constant 5.000000e+00 : f32
    %broadcast_in_dim3A_1073 = vector.broadcast %jit3A_1072 : f32 to vector<16xf32>
    %select_n3A_1074 = arith.select %ge3A_1071, %broadcast_in_dim3A_1073, %select_n3A_1070 : vector<16xi1>, vector<16xf32>
    %ge3A_1075 = arith.cmpf oge, %get3A_1038, %max3A_1060 : vector<16xf32>
    %jit3A_1076 = arith.constant 4.000000e+00 : f32
    %broadcast_in_dim3A_1077 = vector.broadcast %jit3A_1076 : f32 to vector<16xf32>
    %select_n3A_1078 = arith.select %ge3A_1075, %broadcast_in_dim3A_1077, %select_n3A_1074 : vector<16xi1>, vector<16xf32>
    %ge3A_1079 = arith.cmpf oge, %get3A_1033, %max3A_1060 : vector<16xf32>
    %jit3A_1080 = arith.constant 3.000000e+00 : f32
    %broadcast_in_dim3A_1081 = vector.broadcast %jit3A_1080 : f32 to vector<16xf32>
    %select_n3A_1082 = arith.select %ge3A_1079, %broadcast_in_dim3A_1081, %select_n3A_1078 : vector<16xi1>, vector<16xf32>
    %ge3A_1083 = arith.cmpf oge, %get3A_1028, %max3A_1060 : vector<16xf32>
    %jit3A_1084 = arith.constant 2.000000e+00 : f32
    %broadcast_in_dim3A_1085 = vector.broadcast %jit3A_1084 : f32 to vector<16xf32>
    %select_n3A_1086 = arith.select %ge3A_1083, %broadcast_in_dim3A_1085, %select_n3A_1082 : vector<16xi1>, vector<16xf32>
    %ge3A_1087 = arith.cmpf oge, %get3A_1023, %max3A_1060 : vector<16xf32>
    %jit3A_1088 = arith.constant 1.000000e+00 : f32
    %broadcast_in_dim3A_1089 = vector.broadcast %jit3A_1088 : f32 to vector<16xf32>
    %select_n3A_1090 = arith.select %ge3A_1087, %broadcast_in_dim3A_1089, %select_n3A_1086 : vector<16xi1>, vector<16xf32>
    %ge3A_1091 = arith.cmpf oge, %get3A_1018, %max3A_1060 : vector<16xf32>
    %jit3A_1092 = arith.constant 0.000000e+00 : f32
    %broadcast_in_dim3A_1093 = vector.broadcast %jit3A_1092 : f32 to vector<16xf32>
    %select_n3A_1094 = arith.select %ge3A_1091, %broadcast_in_dim3A_1093, %select_n3A_1090 : vector<16xi1>, vector<16xf32>
    %broadcast_in_dim3A_1095 = arith.constant -1.000000e+30 : f32
    %broadcast_in_dim3A_1096 = vector.broadcast %broadcast_in_dim3A_1095 : f32 to vector<16xf32>
    %eq3A_1097 = arith.constant 0.000000e+00 : f32
    %eq3A_1098 = vector.broadcast %eq3A_1097 : f32 to vector<16xf32>
    %eq3A_1099 = arith.cmpf oeq, %select_n3A_1094, %eq3A_1098 : vector<16xf32>
    %jit3A_1100 = arith.constant -1.000000e+30 : f32
    %broadcast_in_dim3A_1101 = vector.broadcast %jit3A_1100 : f32 to vector<16xf32>
    %select_n3A_1102 = arith.select %eq3A_1099, %broadcast_in_dim3A_1101, %get3A_1018 : vector<16xi1>, vector<16xf32>
    %max3A_1103 = arith.maximumf %broadcast_in_dim3A_1096, %select_n3A_1102 : vector<16xf32>
    %eq3A_1104 = arith.constant 1.000000e+00 : f32
    %eq3A_1105 = vector.broadcast %eq3A_1104 : f32 to vector<16xf32>
    %eq3A_1106 = arith.cmpf oeq, %select_n3A_1094, %eq3A_1105 : vector<16xf32>
    %jit3A_1107 = arith.constant -1.000000e+30 : f32
    %broadcast_in_dim3A_1108 = vector.broadcast %jit3A_1107 : f32 to vector<16xf32>
    %select_n3A_1109 = arith.select %eq3A_1106, %broadcast_in_dim3A_1108, %get3A_1023 : vector<16xi1>, vector<16xf32>
    %max3A_1110 = arith.maximumf %max3A_1103, %select_n3A_1109 : vector<16xf32>
    %eq3A_1111 = arith.constant 2.000000e+00 : f32
    %eq3A_1112 = vector.broadcast %eq3A_1111 : f32 to vector<16xf32>
    %eq3A_1113 = arith.cmpf oeq, %select_n3A_1094, %eq3A_1112 : vector<16xf32>
    %jit3A_1114 = arith.constant -1.000000e+30 : f32
    %broadcast_in_dim3A_1115 = vector.broadcast %jit3A_1114 : f32 to vector<16xf32>
    %select_n3A_1116 = arith.select %eq3A_1113, %broadcast_in_dim3A_1115, %get3A_1028 : vector<16xi1>, vector<16xf32>
    %max3A_1117 = arith.maximumf %max3A_1110, %select_n3A_1116 : vector<16xf32>
    %eq3A_1118 = arith.constant 3.000000e+00 : f32
    %eq3A_1119 = vector.broadcast %eq3A_1118 : f32 to vector<16xf32>
    %eq3A_1120 = arith.cmpf oeq, %select_n3A_1094, %eq3A_1119 : vector<16xf32>
    %jit3A_1121 = arith.constant -1.000000e+30 : f32
    %broadcast_in_dim3A_1122 = vector.broadcast %jit3A_1121 : f32 to vector<16xf32>
    %select_n3A_1123 = arith.select %eq3A_1120, %broadcast_in_dim3A_1122, %get3A_1033 : vector<16xi1>, vector<16xf32>
    %max3A_1124 = arith.maximumf %max3A_1117, %select_n3A_1123 : vector<16xf32>
    %eq3A_1125 = arith.constant 4.000000e+00 : f32
    %eq3A_1126 = vector.broadcast %eq3A_1125 : f32 to vector<16xf32>
    %eq3A_1127 = arith.cmpf oeq, %select_n3A_1094, %eq3A_1126 : vector<16xf32>
    %jit3A_1128 = arith.constant -1.000000e+30 : f32
    %broadcast_in_dim3A_1129 = vector.broadcast %jit3A_1128 : f32 to vector<16xf32>
    %select_n3A_1130 = arith.select %eq3A_1127, %broadcast_in_dim3A_1129, %get3A_1038 : vector<16xi1>, vector<16xf32>
    %max3A_1131 = arith.maximumf %max3A_1124, %select_n3A_1130 : vector<16xf32>
    %eq3A_1132 = arith.constant 5.000000e+00 : f32
    %eq3A_1133 = vector.broadcast %eq3A_1132 : f32 to vector<16xf32>
    %eq3A_1134 = arith.cmpf oeq, %select_n3A_1094, %eq3A_1133 : vector<16xf32>
    %jit3A_1135 = arith.constant -1.000000e+30 : f32
    %broadcast_in_dim3A_1136 = vector.broadcast %jit3A_1135 : f32 to vector<16xf32>
    %select_n3A_1137 = arith.select %eq3A_1134, %broadcast_in_dim3A_1136, %get3A_1043 : vector<16xi1>, vector<16xf32>
    %max3A_1138 = arith.maximumf %max3A_1131, %select_n3A_1137 : vector<16xf32>
    %eq3A_1139 = arith.constant 6.000000e+00 : f32
    %eq3A_1140 = vector.broadcast %eq3A_1139 : f32 to vector<16xf32>
    %eq3A_1141 = arith.cmpf oeq, %select_n3A_1094, %eq3A_1140 : vector<16xf32>
    %jit3A_1142 = arith.constant -1.000000e+30 : f32
    %broadcast_in_dim3A_1143 = vector.broadcast %jit3A_1142 : f32 to vector<16xf32>
    %select_n3A_1144 = arith.select %eq3A_1141, %broadcast_in_dim3A_1143, %get3A_1048 : vector<16xi1>, vector<16xf32>
    %max3A_1145 = arith.maximumf %max3A_1138, %select_n3A_1144 : vector<16xf32>
    %eq3A_1146 = arith.constant 7.000000e+00 : f32
    %eq3A_1147 = vector.broadcast %eq3A_1146 : f32 to vector<16xf32>
    %eq3A_1148 = arith.cmpf oeq, %select_n3A_1094, %eq3A_1147 : vector<16xf32>
    %jit3A_1149 = arith.constant -1.000000e+30 : f32
    %broadcast_in_dim3A_1150 = vector.broadcast %jit3A_1149 : f32 to vector<16xf32>
    %select_n3A_1151 = arith.select %eq3A_1148, %broadcast_in_dim3A_1150, %get3A_1053 : vector<16xi1>, vector<16xf32>
    %max3A_1152 = arith.maximumf %max3A_1145, %select_n3A_1151 : vector<16xf32>
    %broadcast_in_dim3A_1153 = arith.constant 8.000000e+00 : f32
    %broadcast_in_dim3A_1154 = vector.broadcast %broadcast_in_dim3A_1153 : f32 to vector<16xf32>
    %eq3A_1155 = arith.constant 7.000000e+00 : f32
    %eq3A_1156 = vector.broadcast %eq3A_1155 : f32 to vector<16xf32>
    %eq3A_1157 = arith.cmpf oeq, %select_n3A_1094, %eq3A_1156 : vector<16xf32>
    %jit3A_1158 = arith.constant -1.000000e+30 : f32
    %broadcast_in_dim3A_1159 = vector.broadcast %jit3A_1158 : f32 to vector<16xf32>
    %select_n3A_1160 = arith.select %eq3A_1157, %broadcast_in_dim3A_1159, %get3A_1053 : vector<16xi1>, vector<16xf32>
    %ge3A_1161 = arith.cmpf oge, %select_n3A_1160, %max3A_1152 : vector<16xf32>
    %jit3A_1162 = arith.constant 7.000000e+00 : f32
    %broadcast_in_dim3A_1163 = vector.broadcast %jit3A_1162 : f32 to vector<16xf32>
    %select_n3A_1164 = arith.select %ge3A_1161, %broadcast_in_dim3A_1163, %broadcast_in_dim3A_1154 : vector<16xi1>, vector<16xf32>
    %eq3A_1165 = arith.constant 6.000000e+00 : f32
    %eq3A_1166 = vector.broadcast %eq3A_1165 : f32 to vector<16xf32>
    %eq3A_1167 = arith.cmpf oeq, %select_n3A_1094, %eq3A_1166 : vector<16xf32>
    %jit3A_1168 = arith.constant -1.000000e+30 : f32
    %broadcast_in_dim3A_1169 = vector.broadcast %jit3A_1168 : f32 to vector<16xf32>
    %select_n3A_1170 = arith.select %eq3A_1167, %broadcast_in_dim3A_1169, %get3A_1048 : vector<16xi1>, vector<16xf32>
    %ge3A_1171 = arith.cmpf oge, %select_n3A_1170, %max3A_1152 : vector<16xf32>
    %jit3A_1172 = arith.constant 6.000000e+00 : f32
    %broadcast_in_dim3A_1173 = vector.broadcast %jit3A_1172 : f32 to vector<16xf32>
    %select_n3A_1174 = arith.select %ge3A_1171, %broadcast_in_dim3A_1173, %select_n3A_1164 : vector<16xi1>, vector<16xf32>
    %eq3A_1175 = arith.constant 5.000000e+00 : f32
    %eq3A_1176 = vector.broadcast %eq3A_1175 : f32 to vector<16xf32>
    %eq3A_1177 = arith.cmpf oeq, %select_n3A_1094, %eq3A_1176 : vector<16xf32>
    %jit3A_1178 = arith.constant -1.000000e+30 : f32
    %broadcast_in_dim3A_1179 = vector.broadcast %jit3A_1178 : f32 to vector<16xf32>
    %select_n3A_1180 = arith.select %eq3A_1177, %broadcast_in_dim3A_1179, %get3A_1043 : vector<16xi1>, vector<16xf32>
    %ge3A_1181 = arith.cmpf oge, %select_n3A_1180, %max3A_1152 : vector<16xf32>
    %jit3A_1182 = arith.constant 5.000000e+00 : f32
    %broadcast_in_dim3A_1183 = vector.broadcast %jit3A_1182 : f32 to vector<16xf32>
    %select_n3A_1184 = arith.select %ge3A_1181, %broadcast_in_dim3A_1183, %select_n3A_1174 : vector<16xi1>, vector<16xf32>
    %eq3A_1185 = arith.constant 4.000000e+00 : f32
    %eq3A_1186 = vector.broadcast %eq3A_1185 : f32 to vector<16xf32>
    %eq3A_1187 = arith.cmpf oeq, %select_n3A_1094, %eq3A_1186 : vector<16xf32>
    %jit3A_1188 = arith.constant -1.000000e+30 : f32
    %broadcast_in_dim3A_1189 = vector.broadcast %jit3A_1188 : f32 to vector<16xf32>
    %select_n3A_1190 = arith.select %eq3A_1187, %broadcast_in_dim3A_1189, %get3A_1038 : vector<16xi1>, vector<16xf32>
    %ge3A_1191 = arith.cmpf oge, %select_n3A_1190, %max3A_1152 : vector<16xf32>
    %jit3A_1192 = arith.constant 4.000000e+00 : f32
    %broadcast_in_dim3A_1193 = vector.broadcast %jit3A_1192 : f32 to vector<16xf32>
    %select_n3A_1194 = arith.select %ge3A_1191, %broadcast_in_dim3A_1193, %select_n3A_1184 : vector<16xi1>, vector<16xf32>
    %eq3A_1195 = arith.constant 3.000000e+00 : f32
    %eq3A_1196 = vector.broadcast %eq3A_1195 : f32 to vector<16xf32>
    %eq3A_1197 = arith.cmpf oeq, %select_n3A_1094, %eq3A_1196 : vector<16xf32>
    %jit3A_1198 = arith.constant -1.000000e+30 : f32
    %broadcast_in_dim3A_1199 = vector.broadcast %jit3A_1198 : f32 to vector<16xf32>
    %select_n3A_1200 = arith.select %eq3A_1197, %broadcast_in_dim3A_1199, %get3A_1033 : vector<16xi1>, vector<16xf32>
    %ge3A_1201 = arith.cmpf oge, %select_n3A_1200, %max3A_1152 : vector<16xf32>
    %jit3A_1202 = arith.constant 3.000000e+00 : f32
    %broadcast_in_dim3A_1203 = vector.broadcast %jit3A_1202 : f32 to vector<16xf32>
    %select_n3A_1204 = arith.select %ge3A_1201, %broadcast_in_dim3A_1203, %select_n3A_1194 : vector<16xi1>, vector<16xf32>
    %eq3A_1205 = arith.constant 2.000000e+00 : f32
    %eq3A_1206 = vector.broadcast %eq3A_1205 : f32 to vector<16xf32>
    %eq3A_1207 = arith.cmpf oeq, %select_n3A_1094, %eq3A_1206 : vector<16xf32>
    %jit3A_1208 = arith.constant -1.000000e+30 : f32
    %broadcast_in_dim3A_1209 = vector.broadcast %jit3A_1208 : f32 to vector<16xf32>
    %select_n3A_1210 = arith.select %eq3A_1207, %broadcast_in_dim3A_1209, %get3A_1028 : vector<16xi1>, vector<16xf32>
    %ge3A_1211 = arith.cmpf oge, %select_n3A_1210, %max3A_1152 : vector<16xf32>
    %jit3A_1212 = arith.constant 2.000000e+00 : f32
    %broadcast_in_dim3A_1213 = vector.broadcast %jit3A_1212 : f32 to vector<16xf32>
    %select_n3A_1214 = arith.select %ge3A_1211, %broadcast_in_dim3A_1213, %select_n3A_1204 : vector<16xi1>, vector<16xf32>
    %eq3A_1215 = arith.constant 1.000000e+00 : f32
    %eq3A_1216 = vector.broadcast %eq3A_1215 : f32 to vector<16xf32>
    %eq3A_1217 = arith.cmpf oeq, %select_n3A_1094, %eq3A_1216 : vector<16xf32>
    %jit3A_1218 = arith.constant -1.000000e+30 : f32
    %broadcast_in_dim3A_1219 = vector.broadcast %jit3A_1218 : f32 to vector<16xf32>
    %select_n3A_1220 = arith.select %eq3A_1217, %broadcast_in_dim3A_1219, %get3A_1023 : vector<16xi1>, vector<16xf32>
    %ge3A_1221 = arith.cmpf oge, %select_n3A_1220, %max3A_1152 : vector<16xf32>
    %jit3A_1222 = arith.constant 1.000000e+00 : f32
    %broadcast_in_dim3A_1223 = vector.broadcast %jit3A_1222 : f32 to vector<16xf32>
    %select_n3A_1224 = arith.select %ge3A_1221, %broadcast_in_dim3A_1223, %select_n3A_1214 : vector<16xi1>, vector<16xf32>
    %eq3A_1225 = arith.constant 0.000000e+00 : f32
    %eq3A_1226 = vector.broadcast %eq3A_1225 : f32 to vector<16xf32>
    %eq3A_1227 = arith.cmpf oeq, %select_n3A_1094, %eq3A_1226 : vector<16xf32>
    %jit3A_1228 = arith.constant -1.000000e+30 : f32
    %broadcast_in_dim3A_1229 = vector.broadcast %jit3A_1228 : f32 to vector<16xf32>
    %select_n3A_1230 = arith.select %eq3A_1227, %broadcast_in_dim3A_1229, %get3A_1018 : vector<16xi1>, vector<16xf32>
    %ge3A_1231 = arith.cmpf oge, %select_n3A_1230, %max3A_1152 : vector<16xf32>
    %jit3A_1232 = arith.constant 0.000000e+00 : f32
    %broadcast_in_dim3A_1233 = vector.broadcast %jit3A_1232 : f32 to vector<16xf32>
    %select_n3A_1234 = arith.select %ge3A_1231, %broadcast_in_dim3A_1233, %select_n3A_1224 : vector<16xi1>, vector<16xf32>
    %sub3A_1235 = arith.subf %max3A_1152, %max3A_1060 : vector<16xf32>
    %exp3A_1236 = math.exp %sub3A_1235 : vector<16xf32>
    %add3A_1237 = arith.constant 1.000000e+00 : f32
    %add3A_1238 = vector.broadcast %add3A_1237 : f32 to vector<16xf32>
    %add3A_1239 = arith.addf %add3A_1238, %exp3A_1236 : vector<16xf32>
    %div3A_1240 = arith.constant 1.000000e+00 : f32
    %div3A_1241 = vector.broadcast %div3A_1240 : f32 to vector<16xf32>
    %div3A_1242 = arith.divf %div3A_1241, %add3A_1239 : vector<16xf32>
    %swap3A_1243 = arith.constant 0 : i32
    %swap3A_1244 = arith.index_cast %swap3A_1243 : i32 to index
    %swap3A_1245 = arith.constant 64 : index
    %swap3A_1246 = tpu.vector_load %arg5[%swap3A_1244, %swap3A_1245] {strides = array<i32>} : memref<4x128xf32, #tpu.memory_space<vmem>>, vector<1x16xf32>,
    %swap3A_1247 = vector.shape_cast %swap3A_1246 : vector<1x16xf32> to vector<16xf32>
    %swap3A_1248 = vector.shape_cast %select_n3A_1094 : vector<16xf32> to vector<1x16xf32>
    tpu.vector_store %arg5[%swap3A_1244, %swap3A_1245], %swap3A_1248 {strides = array<i32>} : memref<4x128xf32, #tpu.memory_space<vmem>>, vector<1x16xf32>,
    %swap3A_1249 = arith.constant 1 : i32
    %swap3A_1250 = arith.index_cast %swap3A_1249 : i32 to index
    %swap3A_1251 = arith.constant 64 : index
    %swap3A_1252 = tpu.vector_load %arg5[%swap3A_1250, %swap3A_1251] {strides = array<i32>} : memref<4x128xf32, #tpu.memory_space<vmem>>, vector<1x16xf32>,
    %swap3A_1253 = vector.shape_cast %swap3A_1252 : vector<1x16xf32> to vector<16xf32>
    %swap3A_1254 = vector.shape_cast %select_n3A_1234 : vector<16xf32> to vector<1x16xf32>
    tpu.vector_store %arg5[%swap3A_1250, %swap3A_1251], %swap3A_1254 {strides = array<i32>} : memref<4x128xf32, #tpu.memory_space<vmem>>, vector<1x16xf32>,
    %swap3A_1255 = arith.constant 2 : i32
    %swap3A_1256 = arith.index_cast %swap3A_1255 : i32 to index
    %swap3A_1257 = arith.constant 64 : index
    %swap3A_1258 = tpu.vector_load %arg5[%swap3A_1256, %swap3A_1257] {strides = array<i32>} : memref<4x128xf32, #tpu.memory_space<vmem>>, vector<1x16xf32>,
    %swap3A_1259 = vector.shape_cast %swap3A_1258 : vector<1x16xf32> to vector<16xf32>
    %swap3A_1260 = vector.shape_cast %div3A_1242 : vector<16xf32> to vector<1x16xf32>
    tpu.vector_store %arg5[%swap3A_1256, %swap3A_1257], %swap3A_1260 {strides = array<i32>} : memref<4x128xf32, #tpu.memory_space<vmem>>, vector<1x16xf32>,
    %sub3A_1261 = arith.constant 1.000000e+00 : f32
    %sub3A_1262 = vector.broadcast %sub3A_1261 : f32 to vector<16xf32>
    %sub3A_1263 = arith.subf %sub3A_1262, %div3A_1242 : vector<16xf32>
    %swap3A_1264 = arith.constant 3 : i32
    %swap3A_1265 = arith.index_cast %swap3A_1264 : i32 to index
    %swap3A_1266 = arith.constant 64 : index
    %swap3A_1267 = tpu.vector_load %arg5[%swap3A_1265, %swap3A_1266] {strides = array<i32>} : memref<4x128xf32, #tpu.memory_space<vmem>>, vector<1x16xf32>,
    %swap3A_1268 = vector.shape_cast %swap3A_1267 : vector<1x16xf32> to vector<16xf32>
    %swap3A_1269 = vector.shape_cast %sub3A_1263 : vector<16xf32> to vector<1x16xf32>
    tpu.vector_store %arg5[%swap3A_1265, %swap3A_1266], %swap3A_1269 {strides = array<i32>} : memref<4x128xf32, #tpu.memory_space<vmem>>, vector<1x16xf32>,
    %get3A_1270 = arith.constant 0 : i32
    %get3A_1271 = arith.index_cast %get3A_1270 : i32 to index
    %get3A_1272 = arith.constant 80 : index
    %get3A_1273 = tpu.vector_load %arg4[%get3A_1271, %get3A_1272] {strides = array<i32>} : memref<8x128xf32, #tpu.memory_space<vmem>>, vector<1x16xf32>,
    %get3A_1274 = vector.shape_cast %get3A_1273 : vector<1x16xf32> to vector<16xf32>
    %get3A_1275 = arith.constant 1 : i32
    %get3A_1276 = arith.index_cast %get3A_1275 : i32 to index
    %get3A_1277 = arith.constant 80 : index
    %get3A_1278 = tpu.vector_load %arg4[%get3A_1276, %get3A_1277] {strides = array<i32>} : memref<8x128xf32, #tpu.memory_space<vmem>>, vector<1x16xf32>,
    %get3A_1279 = vector.shape_cast %get3A_1278 : vector<1x16xf32> to vector<16xf32>
    %get3A_1280 = arith.constant 2 : i32
    %get3A_1281 = arith.index_cast %get3A_1280 : i32 to index
    %get3A_1282 = arith.constant 80 : index
    %get3A_1283 = tpu.vector_load %arg4[%get3A_1281, %get3A_1282] {strides = array<i32>} : memref<8x128xf32, #tpu.memory_space<vmem>>, vector<1x16xf32>,
    %get3A_1284 = vector.shape_cast %get3A_1283 : vector<1x16xf32> to vector<16xf32>
    %get3A_1285 = arith.constant 3 : i32
    %get3A_1286 = arith.index_cast %get3A_1285 : i32 to index
    %get3A_1287 = arith.constant 80 : index
    %get3A_1288 = tpu.vector_load %arg4[%get3A_1286, %get3A_1287] {strides = array<i32>} : memref<8x128xf32, #tpu.memory_space<vmem>>, vector<1x16xf32>,
    %get3A_1289 = vector.shape_cast %get3A_1288 : vector<1x16xf32> to vector<16xf32>
    %get3A_1290 = arith.constant 4 : i32
    %get3A_1291 = arith.index_cast %get3A_1290 : i32 to index
    %get3A_1292 = arith.constant 80 : index
    %get3A_1293 = tpu.vector_load %arg4[%get3A_1291, %get3A_1292] {strides = array<i32>} : memref<8x128xf32, #tpu.memory_space<vmem>>, vector<1x16xf32>,
    %get3A_1294 = vector.shape_cast %get3A_1293 : vector<1x16xf32> to vector<16xf32>
    %get3A_1295 = arith.constant 5 : i32
    %get3A_1296 = arith.index_cast %get3A_1295 : i32 to index
    %get3A_1297 = arith.constant 80 : index
    %get3A_1298 = tpu.vector_load %arg4[%get3A_1296, %get3A_1297] {strides = array<i32>} : memref<8x128xf32, #tpu.memory_space<vmem>>, vector<1x16xf32>,
    %get3A_1299 = vector.shape_cast %get3A_1298 : vector<1x16xf32> to vector<16xf32>
    %get3A_1300 = arith.constant 6 : i32
    %get3A_1301 = arith.index_cast %get3A_1300 : i32 to index
    %get3A_1302 = arith.constant 80 : index
    %get3A_1303 = tpu.vector_load %arg4[%get3A_1301, %get3A_1302] {strides = array<i32>} : memref<8x128xf32, #tpu.memory_space<vmem>>, vector<1x16xf32>,
    %get3A_1304 = vector.shape_cast %get3A_1303 : vector<1x16xf32> to vector<16xf32>
    %get3A_1305 = arith.constant 7 : i32
    %get3A_1306 = arith.index_cast %get3A_1305 : i32 to index
    %get3A_1307 = arith.constant 80 : index
    %get3A_1308 = tpu.vector_load %arg4[%get3A_1306, %get3A_1307] {strides = array<i32>} : memref<8x128xf32, #tpu.memory_space<vmem>>, vector<1x16xf32>,
    %get3A_1309 = vector.shape_cast %get3A_1308 : vector<1x16xf32> to vector<16xf32>
    %max3A_1310 = arith.maximumf %get3A_1274, %get3A_1279 : vector<16xf32>
    %max3A_1311 = arith.maximumf %max3A_1310, %get3A_1284 : vector<16xf32>
    %max3A_1312 = arith.maximumf %max3A_1311, %get3A_1289 : vector<16xf32>
    %max3A_1313 = arith.maximumf %max3A_1312, %get3A_1294 : vector<16xf32>
    %max3A_1314 = arith.maximumf %max3A_1313, %get3A_1299 : vector<16xf32>
    %max3A_1315 = arith.maximumf %max3A_1314, %get3A_1304 : vector<16xf32>
    %max3A_1316 = arith.maximumf %max3A_1315, %get3A_1309 : vector<16xf32>
    %broadcast_in_dim3A_1317 = arith.constant 8.000000e+00 : f32
    %broadcast_in_dim3A_1318 = vector.broadcast %broadcast_in_dim3A_1317 : f32 to vector<16xf32>
    %ge3A_1319 = arith.cmpf oge, %get3A_1309, %max3A_1316 : vector<16xf32>
    %jit3A_1320 = arith.constant 7.000000e+00 : f32
    %broadcast_in_dim3A_1321 = vector.broadcast %jit3A_1320 : f32 to vector<16xf32>
    %select_n3A_1322 = arith.select %ge3A_1319, %broadcast_in_dim3A_1321, %broadcast_in_dim3A_1318 : vector<16xi1>, vector<16xf32>
    %ge3A_1323 = arith.cmpf oge, %get3A_1304, %max3A_1316 : vector<16xf32>
    %jit3A_1324 = arith.constant 6.000000e+00 : f32
    %broadcast_in_dim3A_1325 = vector.broadcast %jit3A_1324 : f32 to vector<16xf32>
    %select_n3A_1326 = arith.select %ge3A_1323, %broadcast_in_dim3A_1325, %select_n3A_1322 : vector<16xi1>, vector<16xf32>
    %ge3A_1327 = arith.cmpf oge, %get3A_1299, %max3A_1316 : vector<16xf32>
    %jit3A_1328 = arith.constant 5.000000e+00 : f32
    %broadcast_in_dim3A_1329 = vector.broadcast %jit3A_1328 : f32 to vector<16xf32>
    %select_n3A_1330 = arith.select %ge3A_1327, %broadcast_in_dim3A_1329, %select_n3A_1326 : vector<16xi1>, vector<16xf32>
    %ge3A_1331 = arith.cmpf oge, %get3A_1294, %max3A_1316 : vector<16xf32>
    %jit3A_1332 = arith.constant 4.000000e+00 : f32
    %broadcast_in_dim3A_1333 = vector.broadcast %jit3A_1332 : f32 to vector<16xf32>
    %select_n3A_1334 = arith.select %ge3A_1331, %broadcast_in_dim3A_1333, %select_n3A_1330 : vector<16xi1>, vector<16xf32>
    %ge3A_1335 = arith.cmpf oge, %get3A_1289, %max3A_1316 : vector<16xf32>
    %jit3A_1336 = arith.constant 3.000000e+00 : f32
    %broadcast_in_dim3A_1337 = vector.broadcast %jit3A_1336 : f32 to vector<16xf32>
    %select_n3A_1338 = arith.select %ge3A_1335, %broadcast_in_dim3A_1337, %select_n3A_1334 : vector<16xi1>, vector<16xf32>
    %ge3A_1339 = arith.cmpf oge, %get3A_1284, %max3A_1316 : vector<16xf32>
    %jit3A_1340 = arith.constant 2.000000e+00 : f32
    %broadcast_in_dim3A_1341 = vector.broadcast %jit3A_1340 : f32 to vector<16xf32>
    %select_n3A_1342 = arith.select %ge3A_1339, %broadcast_in_dim3A_1341, %select_n3A_1338 : vector<16xi1>, vector<16xf32>
    %ge3A_1343 = arith.cmpf oge, %get3A_1279, %max3A_1316 : vector<16xf32>
    %jit3A_1344 = arith.constant 1.000000e+00 : f32
    %broadcast_in_dim3A_1345 = vector.broadcast %jit3A_1344 : f32 to vector<16xf32>
    %select_n3A_1346 = arith.select %ge3A_1343, %broadcast_in_dim3A_1345, %select_n3A_1342 : vector<16xi1>, vector<16xf32>
    %ge3A_1347 = arith.cmpf oge, %get3A_1274, %max3A_1316 : vector<16xf32>
    %jit3A_1348 = arith.constant 0.000000e+00 : f32
    %broadcast_in_dim3A_1349 = vector.broadcast %jit3A_1348 : f32 to vector<16xf32>
    %select_n3A_1350 = arith.select %ge3A_1347, %broadcast_in_dim3A_1349, %select_n3A_1346 : vector<16xi1>, vector<16xf32>
    %broadcast_in_dim3A_1351 = arith.constant -1.000000e+30 : f32
    %broadcast_in_dim3A_1352 = vector.broadcast %broadcast_in_dim3A_1351 : f32 to vector<16xf32>
    %eq3A_1353 = arith.constant 0.000000e+00 : f32
    %eq3A_1354 = vector.broadcast %eq3A_1353 : f32 to vector<16xf32>
    %eq3A_1355 = arith.cmpf oeq, %select_n3A_1350, %eq3A_1354 : vector<16xf32>
    %jit3A_1356 = arith.constant -1.000000e+30 : f32
    %broadcast_in_dim3A_1357 = vector.broadcast %jit3A_1356 : f32 to vector<16xf32>
    %select_n3A_1358 = arith.select %eq3A_1355, %broadcast_in_dim3A_1357, %get3A_1274 : vector<16xi1>, vector<16xf32>
    %max3A_1359 = arith.maximumf %broadcast_in_dim3A_1352, %select_n3A_1358 : vector<16xf32>
    %eq3A_1360 = arith.constant 1.000000e+00 : f32
    %eq3A_1361 = vector.broadcast %eq3A_1360 : f32 to vector<16xf32>
    %eq3A_1362 = arith.cmpf oeq, %select_n3A_1350, %eq3A_1361 : vector<16xf32>
    %jit3A_1363 = arith.constant -1.000000e+30 : f32
    %broadcast_in_dim3A_1364 = vector.broadcast %jit3A_1363 : f32 to vector<16xf32>
    %select_n3A_1365 = arith.select %eq3A_1362, %broadcast_in_dim3A_1364, %get3A_1279 : vector<16xi1>, vector<16xf32>
    %max3A_1366 = arith.maximumf %max3A_1359, %select_n3A_1365 : vector<16xf32>
    %eq3A_1367 = arith.constant 2.000000e+00 : f32
    %eq3A_1368 = vector.broadcast %eq3A_1367 : f32 to vector<16xf32>
    %eq3A_1369 = arith.cmpf oeq, %select_n3A_1350, %eq3A_1368 : vector<16xf32>
    %jit3A_1370 = arith.constant -1.000000e+30 : f32
    %broadcast_in_dim3A_1371 = vector.broadcast %jit3A_1370 : f32 to vector<16xf32>
    %select_n3A_1372 = arith.select %eq3A_1369, %broadcast_in_dim3A_1371, %get3A_1284 : vector<16xi1>, vector<16xf32>
    %max3A_1373 = arith.maximumf %max3A_1366, %select_n3A_1372 : vector<16xf32>
    %eq3A_1374 = arith.constant 3.000000e+00 : f32
    %eq3A_1375 = vector.broadcast %eq3A_1374 : f32 to vector<16xf32>
    %eq3A_1376 = arith.cmpf oeq, %select_n3A_1350, %eq3A_1375 : vector<16xf32>
    %jit3A_1377 = arith.constant -1.000000e+30 : f32
    %broadcast_in_dim3A_1378 = vector.broadcast %jit3A_1377 : f32 to vector<16xf32>
    %select_n3A_1379 = arith.select %eq3A_1376, %broadcast_in_dim3A_1378, %get3A_1289 : vector<16xi1>, vector<16xf32>
    %max3A_1380 = arith.maximumf %max3A_1373, %select_n3A_1379 : vector<16xf32>
    %eq3A_1381 = arith.constant 4.000000e+00 : f32
    %eq3A_1382 = vector.broadcast %eq3A_1381 : f32 to vector<16xf32>
    %eq3A_1383 = arith.cmpf oeq, %select_n3A_1350, %eq3A_1382 : vector<16xf32>
    %jit3A_1384 = arith.constant -1.000000e+30 : f32
    %broadcast_in_dim3A_1385 = vector.broadcast %jit3A_1384 : f32 to vector<16xf32>
    %select_n3A_1386 = arith.select %eq3A_1383, %broadcast_in_dim3A_1385, %get3A_1294 : vector<16xi1>, vector<16xf32>
    %max3A_1387 = arith.maximumf %max3A_1380, %select_n3A_1386 : vector<16xf32>
    %eq3A_1388 = arith.constant 5.000000e+00 : f32
    %eq3A_1389 = vector.broadcast %eq3A_1388 : f32 to vector<16xf32>
    %eq3A_1390 = arith.cmpf oeq, %select_n3A_1350, %eq3A_1389 : vector<16xf32>
    %jit3A_1391 = arith.constant -1.000000e+30 : f32
    %broadcast_in_dim3A_1392 = vector.broadcast %jit3A_1391 : f32 to vector<16xf32>
    %select_n3A_1393 = arith.select %eq3A_1390, %broadcast_in_dim3A_1392, %get3A_1299 : vector<16xi1>, vector<16xf32>
    %max3A_1394 = arith.maximumf %max3A_1387, %select_n3A_1393 : vector<16xf32>
    %eq3A_1395 = arith.constant 6.000000e+00 : f32
    %eq3A_1396 = vector.broadcast %eq3A_1395 : f32 to vector<16xf32>
    %eq3A_1397 = arith.cmpf oeq, %select_n3A_1350, %eq3A_1396 : vector<16xf32>
    %jit3A_1398 = arith.constant -1.000000e+30 : f32
    %broadcast_in_dim3A_1399 = vector.broadcast %jit3A_1398 : f32 to vector<16xf32>
    %select_n3A_1400 = arith.select %eq3A_1397, %broadcast_in_dim3A_1399, %get3A_1304 : vector<16xi1>, vector<16xf32>
    %max3A_1401 = arith.maximumf %max3A_1394, %select_n3A_1400 : vector<16xf32>
    %eq3A_1402 = arith.constant 7.000000e+00 : f32
    %eq3A_1403 = vector.broadcast %eq3A_1402 : f32 to vector<16xf32>
    %eq3A_1404 = arith.cmpf oeq, %select_n3A_1350, %eq3A_1403 : vector<16xf32>
    %jit3A_1405 = arith.constant -1.000000e+30 : f32
    %broadcast_in_dim3A_1406 = vector.broadcast %jit3A_1405 : f32 to vector<16xf32>
    %select_n3A_1407 = arith.select %eq3A_1404, %broadcast_in_dim3A_1406, %get3A_1309 : vector<16xi1>, vector<16xf32>
    %max3A_1408 = arith.maximumf %max3A_1401, %select_n3A_1407 : vector<16xf32>
    %broadcast_in_dim3A_1409 = arith.constant 8.000000e+00 : f32
    %broadcast_in_dim3A_1410 = vector.broadcast %broadcast_in_dim3A_1409 : f32 to vector<16xf32>
    %eq3A_1411 = arith.constant 7.000000e+00 : f32
    %eq3A_1412 = vector.broadcast %eq3A_1411 : f32 to vector<16xf32>
    %eq3A_1413 = arith.cmpf oeq, %select_n3A_1350, %eq3A_1412 : vector<16xf32>
    %jit3A_1414 = arith.constant -1.000000e+30 : f32
    %broadcast_in_dim3A_1415 = vector.broadcast %jit3A_1414 : f32 to vector<16xf32>
    %select_n3A_1416 = arith.select %eq3A_1413, %broadcast_in_dim3A_1415, %get3A_1309 : vector<16xi1>, vector<16xf32>
    %ge3A_1417 = arith.cmpf oge, %select_n3A_1416, %max3A_1408 : vector<16xf32>
    %jit3A_1418 = arith.constant 7.000000e+00 : f32
    %broadcast_in_dim3A_1419 = vector.broadcast %jit3A_1418 : f32 to vector<16xf32>
    %select_n3A_1420 = arith.select %ge3A_1417, %broadcast_in_dim3A_1419, %broadcast_in_dim3A_1410 : vector<16xi1>, vector<16xf32>
    %eq3A_1421 = arith.constant 6.000000e+00 : f32
    %eq3A_1422 = vector.broadcast %eq3A_1421 : f32 to vector<16xf32>
    %eq3A_1423 = arith.cmpf oeq, %select_n3A_1350, %eq3A_1422 : vector<16xf32>
    %jit3A_1424 = arith.constant -1.000000e+30 : f32
    %broadcast_in_dim3A_1425 = vector.broadcast %jit3A_1424 : f32 to vector<16xf32>
    %select_n3A_1426 = arith.select %eq3A_1423, %broadcast_in_dim3A_1425, %get3A_1304 : vector<16xi1>, vector<16xf32>
    %ge3A_1427 = arith.cmpf oge, %select_n3A_1426, %max3A_1408 : vector<16xf32>
    %jit3A_1428 = arith.constant 6.000000e+00 : f32
    %broadcast_in_dim3A_1429 = vector.broadcast %jit3A_1428 : f32 to vector<16xf32>
    %select_n3A_1430 = arith.select %ge3A_1427, %broadcast_in_dim3A_1429, %select_n3A_1420 : vector<16xi1>, vector<16xf32>
    %eq3A_1431 = arith.constant 5.000000e+00 : f32
    %eq3A_1432 = vector.broadcast %eq3A_1431 : f32 to vector<16xf32>
    %eq3A_1433 = arith.cmpf oeq, %select_n3A_1350, %eq3A_1432 : vector<16xf32>
    %jit3A_1434 = arith.constant -1.000000e+30 : f32
    %broadcast_in_dim3A_1435 = vector.broadcast %jit3A_1434 : f32 to vector<16xf32>
    %select_n3A_1436 = arith.select %eq3A_1433, %broadcast_in_dim3A_1435, %get3A_1299 : vector<16xi1>, vector<16xf32>
    %ge3A_1437 = arith.cmpf oge, %select_n3A_1436, %max3A_1408 : vector<16xf32>
    %jit3A_1438 = arith.constant 5.000000e+00 : f32
    %broadcast_in_dim3A_1439 = vector.broadcast %jit3A_1438 : f32 to vector<16xf32>
    %select_n3A_1440 = arith.select %ge3A_1437, %broadcast_in_dim3A_1439, %select_n3A_1430 : vector<16xi1>, vector<16xf32>
    %eq3A_1441 = arith.constant 4.000000e+00 : f32
    %eq3A_1442 = vector.broadcast %eq3A_1441 : f32 to vector<16xf32>
    %eq3A_1443 = arith.cmpf oeq, %select_n3A_1350, %eq3A_1442 : vector<16xf32>
    %jit3A_1444 = arith.constant -1.000000e+30 : f32
    %broadcast_in_dim3A_1445 = vector.broadcast %jit3A_1444 : f32 to vector<16xf32>
    %select_n3A_1446 = arith.select %eq3A_1443, %broadcast_in_dim3A_1445, %get3A_1294 : vector<16xi1>, vector<16xf32>
    %ge3A_1447 = arith.cmpf oge, %select_n3A_1446, %max3A_1408 : vector<16xf32>
    %jit3A_1448 = arith.constant 4.000000e+00 : f32
    %broadcast_in_dim3A_1449 = vector.broadcast %jit3A_1448 : f32 to vector<16xf32>
    %select_n3A_1450 = arith.select %ge3A_1447, %broadcast_in_dim3A_1449, %select_n3A_1440 : vector<16xi1>, vector<16xf32>
    %eq3A_1451 = arith.constant 3.000000e+00 : f32
    %eq3A_1452 = vector.broadcast %eq3A_1451 : f32 to vector<16xf32>
    %eq3A_1453 = arith.cmpf oeq, %select_n3A_1350, %eq3A_1452 : vector<16xf32>
    %jit3A_1454 = arith.constant -1.000000e+30 : f32
    %broadcast_in_dim3A_1455 = vector.broadcast %jit3A_1454 : f32 to vector<16xf32>
    %select_n3A_1456 = arith.select %eq3A_1453, %broadcast_in_dim3A_1455, %get3A_1289 : vector<16xi1>, vector<16xf32>
    %ge3A_1457 = arith.cmpf oge, %select_n3A_1456, %max3A_1408 : vector<16xf32>
    %jit3A_1458 = arith.constant 3.000000e+00 : f32
    %broadcast_in_dim3A_1459 = vector.broadcast %jit3A_1458 : f32 to vector<16xf32>
    %select_n3A_1460 = arith.select %ge3A_1457, %broadcast_in_dim3A_1459, %select_n3A_1450 : vector<16xi1>, vector<16xf32>
    %eq3A_1461 = arith.constant 2.000000e+00 : f32
    %eq3A_1462 = vector.broadcast %eq3A_1461 : f32 to vector<16xf32>
    %eq3A_1463 = arith.cmpf oeq, %select_n3A_1350, %eq3A_1462 : vector<16xf32>
    %jit3A_1464 = arith.constant -1.000000e+30 : f32
    %broadcast_in_dim3A_1465 = vector.broadcast %jit3A_1464 : f32 to vector<16xf32>
    %select_n3A_1466 = arith.select %eq3A_1463, %broadcast_in_dim3A_1465, %get3A_1284 : vector<16xi1>, vector<16xf32>
    %ge3A_1467 = arith.cmpf oge, %select_n3A_1466, %max3A_1408 : vector<16xf32>
    %jit3A_1468 = arith.constant 2.000000e+00 : f32
    %broadcast_in_dim3A_1469 = vector.broadcast %jit3A_1468 : f32 to vector<16xf32>
    %select_n3A_1470 = arith.select %ge3A_1467, %broadcast_in_dim3A_1469, %select_n3A_1460 : vector<16xi1>, vector<16xf32>
    %eq3A_1471 = arith.constant 1.000000e+00 : f32
    %eq3A_1472 = vector.broadcast %eq3A_1471 : f32 to vector<16xf32>
    %eq3A_1473 = arith.cmpf oeq, %select_n3A_1350, %eq3A_1472 : vector<16xf32>
    %jit3A_1474 = arith.constant -1.000000e+30 : f32
    %broadcast_in_dim3A_1475 = vector.broadcast %jit3A_1474 : f32 to vector<16xf32>
    %select_n3A_1476 = arith.select %eq3A_1473, %broadcast_in_dim3A_1475, %get3A_1279 : vector<16xi1>, vector<16xf32>
    %ge3A_1477 = arith.cmpf oge, %select_n3A_1476, %max3A_1408 : vector<16xf32>
    %jit3A_1478 = arith.constant 1.000000e+00 : f32
    %broadcast_in_dim3A_1479 = vector.broadcast %jit3A_1478 : f32 to vector<16xf32>
    %select_n3A_1480 = arith.select %ge3A_1477, %broadcast_in_dim3A_1479, %select_n3A_1470 : vector<16xi1>, vector<16xf32>
    %eq3A_1481 = arith.constant 0.000000e+00 : f32
    %eq3A_1482 = vector.broadcast %eq3A_1481 : f32 to vector<16xf32>
    %eq3A_1483 = arith.cmpf oeq, %select_n3A_1350, %eq3A_1482 : vector<16xf32>
    %jit3A_1484 = arith.constant -1.000000e+30 : f32
    %broadcast_in_dim3A_1485 = vector.broadcast %jit3A_1484 : f32 to vector<16xf32>
    %select_n3A_1486 = arith.select %eq3A_1483, %broadcast_in_dim3A_1485, %get3A_1274 : vector<16xi1>, vector<16xf32>
    %ge3A_1487 = arith.cmpf oge, %select_n3A_1486, %max3A_1408 : vector<16xf32>
    %jit3A_1488 = arith.constant 0.000000e+00 : f32
    %broadcast_in_dim3A_1489 = vector.broadcast %jit3A_1488 : f32 to vector<16xf32>
    %select_n3A_1490 = arith.select %ge3A_1487, %broadcast_in_dim3A_1489, %select_n3A_1480 : vector<16xi1>, vector<16xf32>
    %sub3A_1491 = arith.subf %max3A_1408, %max3A_1316 : vector<16xf32>
    %exp3A_1492 = math.exp %sub3A_1491 : vector<16xf32>
    %add3A_1493 = arith.constant 1.000000e+00 : f32
    %add3A_1494 = vector.broadcast %add3A_1493 : f32 to vector<16xf32>
    %add3A_1495 = arith.addf %add3A_1494, %exp3A_1492 : vector<16xf32>
    %div3A_1496 = arith.constant 1.000000e+00 : f32
    %div3A_1497 = vector.broadcast %div3A_1496 : f32 to vector<16xf32>
    %div3A_1498 = arith.divf %div3A_1497, %add3A_1495 : vector<16xf32>
    %swap3A_1499 = arith.constant 0 : i32
    %swap3A_1500 = arith.index_cast %swap3A_1499 : i32 to index
    %swap3A_1501 = arith.constant 80 : index
    %swap3A_1502 = tpu.vector_load %arg5[%swap3A_1500, %swap3A_1501] {strides = array<i32>} : memref<4x128xf32, #tpu.memory_space<vmem>>, vector<1x16xf32>,
    %swap3A_1503 = vector.shape_cast %swap3A_1502 : vector<1x16xf32> to vector<16xf32>
    %swap3A_1504 = vector.shape_cast %select_n3A_1350 : vector<16xf32> to vector<1x16xf32>
    tpu.vector_store %arg5[%swap3A_1500, %swap3A_1501], %swap3A_1504 {strides = array<i32>} : memref<4x128xf32, #tpu.memory_space<vmem>>, vector<1x16xf32>,
    %swap3A_1505 = arith.constant 1 : i32
    %swap3A_1506 = arith.index_cast %swap3A_1505 : i32 to index
    %swap3A_1507 = arith.constant 80 : index
    %swap3A_1508 = tpu.vector_load %arg5[%swap3A_1506, %swap3A_1507] {strides = array<i32>} : memref<4x128xf32, #tpu.memory_space<vmem>>, vector<1x16xf32>,
    %swap3A_1509 = vector.shape_cast %swap3A_1508 : vector<1x16xf32> to vector<16xf32>
    %swap3A_1510 = vector.shape_cast %select_n3A_1490 : vector<16xf32> to vector<1x16xf32>
    tpu.vector_store %arg5[%swap3A_1506, %swap3A_1507], %swap3A_1510 {strides = array<i32>} : memref<4x128xf32, #tpu.memory_space<vmem>>, vector<1x16xf32>,
    %swap3A_1511 = arith.constant 2 : i32
    %swap3A_1512 = arith.index_cast %swap3A_1511 : i32 to index
    %swap3A_1513 = arith.constant 80 : index
    %swap3A_1514 = tpu.vector_load %arg5[%swap3A_1512, %swap3A_1513] {strides = array<i32>} : memref<4x128xf32, #tpu.memory_space<vmem>>, vector<1x16xf32>,
    %swap3A_1515 = vector.shape_cast %swap3A_1514 : vector<1x16xf32> to vector<16xf32>
    %swap3A_1516 = vector.shape_cast %div3A_1498 : vector<16xf32> to vector<1x16xf32>
    tpu.vector_store %arg5[%swap3A_1512, %swap3A_1513], %swap3A_1516 {strides = array<i32>} : memref<4x128xf32, #tpu.memory_space<vmem>>, vector<1x16xf32>,
    %sub3A_1517 = arith.constant 1.000000e+00 : f32
    %sub3A_1518 = vector.broadcast %sub3A_1517 : f32 to vector<16xf32>
    %sub3A_1519 = arith.subf %sub3A_1518, %div3A_1498 : vector<16xf32>
    %swap3A_1520 = arith.constant 3 : i32
    %swap3A_1521 = arith.index_cast %swap3A_1520 : i32 to index
    %swap3A_1522 = arith.constant 80 : index
    %swap3A_1523 = tpu.vector_load %arg5[%swap3A_1521, %swap3A_1522] {strides = array<i32>} : memref<4x128xf32, #tpu.memory_space<vmem>>, vector<1x16xf32>,
    %swap3A_1524 = vector.shape_cast %swap3A_1523 : vector<1x16xf32> to vector<16xf32>
    %swap3A_1525 = vector.shape_cast %sub3A_1519 : vector<16xf32> to vector<1x16xf32>
    tpu.vector_store %arg5[%swap3A_1521, %swap3A_1522], %swap3A_1525 {strides = array<i32>} : memref<4x128xf32, #tpu.memory_space<vmem>>, vector<1x16xf32>,
    %get3A_1526 = arith.constant 0 : i32
    %get3A_1527 = arith.index_cast %get3A_1526 : i32 to index
    %get3A_1528 = arith.constant 96 : index
    %get3A_1529 = tpu.vector_load %arg4[%get3A_1527, %get3A_1528] {strides = array<i32>} : memref<8x128xf32, #tpu.memory_space<vmem>>, vector<1x16xf32>,
    %get3A_1530 = vector.shape_cast %get3A_1529 : vector<1x16xf32> to vector<16xf32>
    %get3A_1531 = arith.constant 1 : i32
    %get3A_1532 = arith.index_cast %get3A_1531 : i32 to index
    %get3A_1533 = arith.constant 96 : index
    %get3A_1534 = tpu.vector_load %arg4[%get3A_1532, %get3A_1533] {strides = array<i32>} : memref<8x128xf32, #tpu.memory_space<vmem>>, vector<1x16xf32>,
    %get3A_1535 = vector.shape_cast %get3A_1534 : vector<1x16xf32> to vector<16xf32>
    %get3A_1536 = arith.constant 2 : i32
    %get3A_1537 = arith.index_cast %get3A_1536 : i32 to index
    %get3A_1538 = arith.constant 96 : index
    %get3A_1539 = tpu.vector_load %arg4[%get3A_1537, %get3A_1538] {strides = array<i32>} : memref<8x128xf32, #tpu.memory_space<vmem>>, vector<1x16xf32>,
    %get3A_1540 = vector.shape_cast %get3A_1539 : vector<1x16xf32> to vector<16xf32>
    %get3A_1541 = arith.constant 3 : i32
    %get3A_1542 = arith.index_cast %get3A_1541 : i32 to index
    %get3A_1543 = arith.constant 96 : index
    %get3A_1544 = tpu.vector_load %arg4[%get3A_1542, %get3A_1543] {strides = array<i32>} : memref<8x128xf32, #tpu.memory_space<vmem>>, vector<1x16xf32>,
    %get3A_1545 = vector.shape_cast %get3A_1544 : vector<1x16xf32> to vector<16xf32>
    %get3A_1546 = arith.constant 4 : i32
    %get3A_1547 = arith.index_cast %get3A_1546 : i32 to index
    %get3A_1548 = arith.constant 96 : index
    %get3A_1549 = tpu.vector_load %arg4[%get3A_1547, %get3A_1548] {strides = array<i32>} : memref<8x128xf32, #tpu.memory_space<vmem>>, vector<1x16xf32>,
    %get3A_1550 = vector.shape_cast %get3A_1549 : vector<1x16xf32> to vector<16xf32>
    %get3A_1551 = arith.constant 5 : i32
    %get3A_1552 = arith.index_cast %get3A_1551 : i32 to index
    %get3A_1553 = arith.constant 96 : index
    %get3A_1554 = tpu.vector_load %arg4[%get3A_1552, %get3A_1553] {strides = array<i32>} : memref<8x128xf32, #tpu.memory_space<vmem>>, vector<1x16xf32>,
    %get3A_1555 = vector.shape_cast %get3A_1554 : vector<1x16xf32> to vector<16xf32>
    %get3A_1556 = arith.constant 6 : i32
    %get3A_1557 = arith.index_cast %get3A_1556 : i32 to index
    %get3A_1558 = arith.constant 96 : index
    %get3A_1559 = tpu.vector_load %arg4[%get3A_1557, %get3A_1558] {strides = array<i32>} : memref<8x128xf32, #tpu.memory_space<vmem>>, vector<1x16xf32>,
    %get3A_1560 = vector.shape_cast %get3A_1559 : vector<1x16xf32> to vector<16xf32>
    %get3A_1561 = arith.constant 7 : i32
    %get3A_1562 = arith.index_cast %get3A_1561 : i32 to index
    %get3A_1563 = arith.constant 96 : index
    %get3A_1564 = tpu.vector_load %arg4[%get3A_1562, %get3A_1563] {strides = array<i32>} : memref<8x128xf32, #tpu.memory_space<vmem>>, vector<1x16xf32>,
    %get3A_1565 = vector.shape_cast %get3A_1564 : vector<1x16xf32> to vector<16xf32>
    %max3A_1566 = arith.maximumf %get3A_1530, %get3A_1535 : vector<16xf32>
    %max3A_1567 = arith.maximumf %max3A_1566, %get3A_1540 : vector<16xf32>
    %max3A_1568 = arith.maximumf %max3A_1567, %get3A_1545 : vector<16xf32>
    %max3A_1569 = arith.maximumf %max3A_1568, %get3A_1550 : vector<16xf32>
    %max3A_1570 = arith.maximumf %max3A_1569, %get3A_1555 : vector<16xf32>
    %max3A_1571 = arith.maximumf %max3A_1570, %get3A_1560 : vector<16xf32>
    %max3A_1572 = arith.maximumf %max3A_1571, %get3A_1565 : vector<16xf32>
    %broadcast_in_dim3A_1573 = arith.constant 8.000000e+00 : f32
    %broadcast_in_dim3A_1574 = vector.broadcast %broadcast_in_dim3A_1573 : f32 to vector<16xf32>
    %ge3A_1575 = arith.cmpf oge, %get3A_1565, %max3A_1572 : vector<16xf32>
    %jit3A_1576 = arith.constant 7.000000e+00 : f32
    %broadcast_in_dim3A_1577 = vector.broadcast %jit3A_1576 : f32 to vector<16xf32>
    %select_n3A_1578 = arith.select %ge3A_1575, %broadcast_in_dim3A_1577, %broadcast_in_dim3A_1574 : vector<16xi1>, vector<16xf32>
    %ge3A_1579 = arith.cmpf oge, %get3A_1560, %max3A_1572 : vector<16xf32>
    %jit3A_1580 = arith.constant 6.000000e+00 : f32
    %broadcast_in_dim3A_1581 = vector.broadcast %jit3A_1580 : f32 to vector<16xf32>
    %select_n3A_1582 = arith.select %ge3A_1579, %broadcast_in_dim3A_1581, %select_n3A_1578 : vector<16xi1>, vector<16xf32>
    %ge3A_1583 = arith.cmpf oge, %get3A_1555, %max3A_1572 : vector<16xf32>
    %jit3A_1584 = arith.constant 5.000000e+00 : f32
    %broadcast_in_dim3A_1585 = vector.broadcast %jit3A_1584 : f32 to vector<16xf32>
    %select_n3A_1586 = arith.select %ge3A_1583, %broadcast_in_dim3A_1585, %select_n3A_1582 : vector<16xi1>, vector<16xf32>
    %ge3A_1587 = arith.cmpf oge, %get3A_1550, %max3A_1572 : vector<16xf32>
    %jit3A_1588 = arith.constant 4.000000e+00 : f32
    %broadcast_in_dim3A_1589 = vector.broadcast %jit3A_1588 : f32 to vector<16xf32>
    %select_n3A_1590 = arith.select %ge3A_1587, %broadcast_in_dim3A_1589, %select_n3A_1586 : vector<16xi1>, vector<16xf32>
    %ge3A_1591 = arith.cmpf oge, %get3A_1545, %max3A_1572 : vector<16xf32>
    %jit3A_1592 = arith.constant 3.000000e+00 : f32
    %broadcast_in_dim3A_1593 = vector.broadcast %jit3A_1592 : f32 to vector<16xf32>
    %select_n3A_1594 = arith.select %ge3A_1591, %broadcast_in_dim3A_1593, %select_n3A_1590 : vector<16xi1>, vector<16xf32>
    %ge3A_1595 = arith.cmpf oge, %get3A_1540, %max3A_1572 : vector<16xf32>
    %jit3A_1596 = arith.constant 2.000000e+00 : f32
    %broadcast_in_dim3A_1597 = vector.broadcast %jit3A_1596 : f32 to vector<16xf32>
    %select_n3A_1598 = arith.select %ge3A_1595, %broadcast_in_dim3A_1597, %select_n3A_1594 : vector<16xi1>, vector<16xf32>
    %ge3A_1599 = arith.cmpf oge, %get3A_1535, %max3A_1572 : vector<16xf32>
    %jit3A_1600 = arith.constant 1.000000e+00 : f32
    %broadcast_in_dim3A_1601 = vector.broadcast %jit3A_1600 : f32 to vector<16xf32>
    %select_n3A_1602 = arith.select %ge3A_1599, %broadcast_in_dim3A_1601, %select_n3A_1598 : vector<16xi1>, vector<16xf32>
    %ge3A_1603 = arith.cmpf oge, %get3A_1530, %max3A_1572 : vector<16xf32>
    %jit3A_1604 = arith.constant 0.000000e+00 : f32
    %broadcast_in_dim3A_1605 = vector.broadcast %jit3A_1604 : f32 to vector<16xf32>
    %select_n3A_1606 = arith.select %ge3A_1603, %broadcast_in_dim3A_1605, %select_n3A_1602 : vector<16xi1>, vector<16xf32>
    %broadcast_in_dim3A_1607 = arith.constant -1.000000e+30 : f32
    %broadcast_in_dim3A_1608 = vector.broadcast %broadcast_in_dim3A_1607 : f32 to vector<16xf32>
    %eq3A_1609 = arith.constant 0.000000e+00 : f32
    %eq3A_1610 = vector.broadcast %eq3A_1609 : f32 to vector<16xf32>
    %eq3A_1611 = arith.cmpf oeq, %select_n3A_1606, %eq3A_1610 : vector<16xf32>
    %jit3A_1612 = arith.constant -1.000000e+30 : f32
    %broadcast_in_dim3A_1613 = vector.broadcast %jit3A_1612 : f32 to vector<16xf32>
    %select_n3A_1614 = arith.select %eq3A_1611, %broadcast_in_dim3A_1613, %get3A_1530 : vector<16xi1>, vector<16xf32>
    %max3A_1615 = arith.maximumf %broadcast_in_dim3A_1608, %select_n3A_1614 : vector<16xf32>
    %eq3A_1616 = arith.constant 1.000000e+00 : f32
    %eq3A_1617 = vector.broadcast %eq3A_1616 : f32 to vector<16xf32>
    %eq3A_1618 = arith.cmpf oeq, %select_n3A_1606, %eq3A_1617 : vector<16xf32>
    %jit3A_1619 = arith.constant -1.000000e+30 : f32
    %broadcast_in_dim3A_1620 = vector.broadcast %jit3A_1619 : f32 to vector<16xf32>
    %select_n3A_1621 = arith.select %eq3A_1618, %broadcast_in_dim3A_1620, %get3A_1535 : vector<16xi1>, vector<16xf32>
    %max3A_1622 = arith.maximumf %max3A_1615, %select_n3A_1621 : vector<16xf32>
    %eq3A_1623 = arith.constant 2.000000e+00 : f32
    %eq3A_1624 = vector.broadcast %eq3A_1623 : f32 to vector<16xf32>
    %eq3A_1625 = arith.cmpf oeq, %select_n3A_1606, %eq3A_1624 : vector<16xf32>
    %jit3A_1626 = arith.constant -1.000000e+30 : f32
    %broadcast_in_dim3A_1627 = vector.broadcast %jit3A_1626 : f32 to vector<16xf32>
    %select_n3A_1628 = arith.select %eq3A_1625, %broadcast_in_dim3A_1627, %get3A_1540 : vector<16xi1>, vector<16xf32>
    %max3A_1629 = arith.maximumf %max3A_1622, %select_n3A_1628 : vector<16xf32>
    %eq3A_1630 = arith.constant 3.000000e+00 : f32
    %eq3A_1631 = vector.broadcast %eq3A_1630 : f32 to vector<16xf32>
    %eq3A_1632 = arith.cmpf oeq, %select_n3A_1606, %eq3A_1631 : vector<16xf32>
    %jit3A_1633 = arith.constant -1.000000e+30 : f32
    %broadcast_in_dim3A_1634 = vector.broadcast %jit3A_1633 : f32 to vector<16xf32>
    %select_n3A_1635 = arith.select %eq3A_1632, %broadcast_in_dim3A_1634, %get3A_1545 : vector<16xi1>, vector<16xf32>
    %max3A_1636 = arith.maximumf %max3A_1629, %select_n3A_1635 : vector<16xf32>
    %eq3A_1637 = arith.constant 4.000000e+00 : f32
    %eq3A_1638 = vector.broadcast %eq3A_1637 : f32 to vector<16xf32>
    %eq3A_1639 = arith.cmpf oeq, %select_n3A_1606, %eq3A_1638 : vector<16xf32>
    %jit3A_1640 = arith.constant -1.000000e+30 : f32
    %broadcast_in_dim3A_1641 = vector.broadcast %jit3A_1640 : f32 to vector<16xf32>
    %select_n3A_1642 = arith.select %eq3A_1639, %broadcast_in_dim3A_1641, %get3A_1550 : vector<16xi1>, vector<16xf32>
    %max3A_1643 = arith.maximumf %max3A_1636, %select_n3A_1642 : vector<16xf32>
    %eq3A_1644 = arith.constant 5.000000e+00 : f32
    %eq3A_1645 = vector.broadcast %eq3A_1644 : f32 to vector<16xf32>
    %eq3A_1646 = arith.cmpf oeq, %select_n3A_1606, %eq3A_1645 : vector<16xf32>
    %jit3A_1647 = arith.constant -1.000000e+30 : f32
    %broadcast_in_dim3A_1648 = vector.broadcast %jit3A_1647 : f32 to vector<16xf32>
    %select_n3A_1649 = arith.select %eq3A_1646, %broadcast_in_dim3A_1648, %get3A_1555 : vector<16xi1>, vector<16xf32>
    %max3A_1650 = arith.maximumf %max3A_1643, %select_n3A_1649 : vector<16xf32>
    %eq3A_1651 = arith.constant 6.000000e+00 : f32
    %eq3A_1652 = vector.broadcast %eq3A_1651 : f32 to vector<16xf32>
    %eq3A_1653 = arith.cmpf oeq, %select_n3A_1606, %eq3A_1652 : vector<16xf32>
    %jit3A_1654 = arith.constant -1.000000e+30 : f32
    %broadcast_in_dim3A_1655 = vector.broadcast %jit3A_1654 : f32 to vector<16xf32>
    %select_n3A_1656 = arith.select %eq3A_1653, %broadcast_in_dim3A_1655, %get3A_1560 : vector<16xi1>, vector<16xf32>
    %max3A_1657 = arith.maximumf %max3A_1650, %select_n3A_1656 : vector<16xf32>
    %eq3A_1658 = arith.constant 7.000000e+00 : f32
    %eq3A_1659 = vector.broadcast %eq3A_1658 : f32 to vector<16xf32>
    %eq3A_1660 = arith.cmpf oeq, %select_n3A_1606, %eq3A_1659 : vector<16xf32>
    %jit3A_1661 = arith.constant -1.000000e+30 : f32
    %broadcast_in_dim3A_1662 = vector.broadcast %jit3A_1661 : f32 to vector<16xf32>
    %select_n3A_1663 = arith.select %eq3A_1660, %broadcast_in_dim3A_1662, %get3A_1565 : vector<16xi1>, vector<16xf32>
    %max3A_1664 = arith.maximumf %max3A_1657, %select_n3A_1663 : vector<16xf32>
    %broadcast_in_dim3A_1665 = arith.constant 8.000000e+00 : f32
    %broadcast_in_dim3A_1666 = vector.broadcast %broadcast_in_dim3A_1665 : f32 to vector<16xf32>
    %eq3A_1667 = arith.constant 7.000000e+00 : f32
    %eq3A_1668 = vector.broadcast %eq3A_1667 : f32 to vector<16xf32>
    %eq3A_1669 = arith.cmpf oeq, %select_n3A_1606, %eq3A_1668 : vector<16xf32>
    %jit3A_1670 = arith.constant -1.000000e+30 : f32
    %broadcast_in_dim3A_1671 = vector.broadcast %jit3A_1670 : f32 to vector<16xf32>
    %select_n3A_1672 = arith.select %eq3A_1669, %broadcast_in_dim3A_1671, %get3A_1565 : vector<16xi1>, vector<16xf32>
    %ge3A_1673 = arith.cmpf oge, %select_n3A_1672, %max3A_1664 : vector<16xf32>
    %jit3A_1674 = arith.constant 7.000000e+00 : f32
    %broadcast_in_dim3A_1675 = vector.broadcast %jit3A_1674 : f32 to vector<16xf32>
    %select_n3A_1676 = arith.select %ge3A_1673, %broadcast_in_dim3A_1675, %broadcast_in_dim3A_1666 : vector<16xi1>, vector<16xf32>
    %eq3A_1677 = arith.constant 6.000000e+00 : f32
    %eq3A_1678 = vector.broadcast %eq3A_1677 : f32 to vector<16xf32>
    %eq3A_1679 = arith.cmpf oeq, %select_n3A_1606, %eq3A_1678 : vector<16xf32>
    %jit3A_1680 = arith.constant -1.000000e+30 : f32
    %broadcast_in_dim3A_1681 = vector.broadcast %jit3A_1680 : f32 to vector<16xf32>
    %select_n3A_1682 = arith.select %eq3A_1679, %broadcast_in_dim3A_1681, %get3A_1560 : vector<16xi1>, vector<16xf32>
    %ge3A_1683 = arith.cmpf oge, %select_n3A_1682, %max3A_1664 : vector<16xf32>
    %jit3A_1684 = arith.constant 6.000000e+00 : f32
    %broadcast_in_dim3A_1685 = vector.broadcast %jit3A_1684 : f32 to vector<16xf32>
    %select_n3A_1686 = arith.select %ge3A_1683, %broadcast_in_dim3A_1685, %select_n3A_1676 : vector<16xi1>, vector<16xf32>
    %eq3A_1687 = arith.constant 5.000000e+00 : f32
    %eq3A_1688 = vector.broadcast %eq3A_1687 : f32 to vector<16xf32>
    %eq3A_1689 = arith.cmpf oeq, %select_n3A_1606, %eq3A_1688 : vector<16xf32>
    %jit3A_1690 = arith.constant -1.000000e+30 : f32
    %broadcast_in_dim3A_1691 = vector.broadcast %jit3A_1690 : f32 to vector<16xf32>
    %select_n3A_1692 = arith.select %eq3A_1689, %broadcast_in_dim3A_1691, %get3A_1555 : vector<16xi1>, vector<16xf32>
    %ge3A_1693 = arith.cmpf oge, %select_n3A_1692, %max3A_1664 : vector<16xf32>
    %jit3A_1694 = arith.constant 5.000000e+00 : f32
    %broadcast_in_dim3A_1695 = vector.broadcast %jit3A_1694 : f32 to vector<16xf32>
    %select_n3A_1696 = arith.select %ge3A_1693, %broadcast_in_dim3A_1695, %select_n3A_1686 : vector<16xi1>, vector<16xf32>
    %eq3A_1697 = arith.constant 4.000000e+00 : f32
    %eq3A_1698 = vector.broadcast %eq3A_1697 : f32 to vector<16xf32>
    %eq3A_1699 = arith.cmpf oeq, %select_n3A_1606, %eq3A_1698 : vector<16xf32>
    %jit3A_1700 = arith.constant -1.000000e+30 : f32
    %broadcast_in_dim3A_1701 = vector.broadcast %jit3A_1700 : f32 to vector<16xf32>
    %select_n3A_1702 = arith.select %eq3A_1699, %broadcast_in_dim3A_1701, %get3A_1550 : vector<16xi1>, vector<16xf32>
    %ge3A_1703 = arith.cmpf oge, %select_n3A_1702, %max3A_1664 : vector<16xf32>
    %jit3A_1704 = arith.constant 4.000000e+00 : f32
    %broadcast_in_dim3A_1705 = vector.broadcast %jit3A_1704 : f32 to vector<16xf32>
    %select_n3A_1706 = arith.select %ge3A_1703, %broadcast_in_dim3A_1705, %select_n3A_1696 : vector<16xi1>, vector<16xf32>
    %eq3A_1707 = arith.constant 3.000000e+00 : f32
    %eq3A_1708 = vector.broadcast %eq3A_1707 : f32 to vector<16xf32>
    %eq3A_1709 = arith.cmpf oeq, %select_n3A_1606, %eq3A_1708 : vector<16xf32>
    %jit3A_1710 = arith.constant -1.000000e+30 : f32
    %broadcast_in_dim3A_1711 = vector.broadcast %jit3A_1710 : f32 to vector<16xf32>
    %select_n3A_1712 = arith.select %eq3A_1709, %broadcast_in_dim3A_1711, %get3A_1545 : vector<16xi1>, vector<16xf32>
    %ge3A_1713 = arith.cmpf oge, %select_n3A_1712, %max3A_1664 : vector<16xf32>
    %jit3A_1714 = arith.constant 3.000000e+00 : f32
    %broadcast_in_dim3A_1715 = vector.broadcast %jit3A_1714 : f32 to vector<16xf32>
    %select_n3A_1716 = arith.select %ge3A_1713, %broadcast_in_dim3A_1715, %select_n3A_1706 : vector<16xi1>, vector<16xf32>
    %eq3A_1717 = arith.constant 2.000000e+00 : f32
    %eq3A_1718 = vector.broadcast %eq3A_1717 : f32 to vector<16xf32>
    %eq3A_1719 = arith.cmpf oeq, %select_n3A_1606, %eq3A_1718 : vector<16xf32>
    %jit3A_1720 = arith.constant -1.000000e+30 : f32
    %broadcast_in_dim3A_1721 = vector.broadcast %jit3A_1720 : f32 to vector<16xf32>
    %select_n3A_1722 = arith.select %eq3A_1719, %broadcast_in_dim3A_1721, %get3A_1540 : vector<16xi1>, vector<16xf32>
    %ge3A_1723 = arith.cmpf oge, %select_n3A_1722, %max3A_1664 : vector<16xf32>
    %jit3A_1724 = arith.constant 2.000000e+00 : f32
    %broadcast_in_dim3A_1725 = vector.broadcast %jit3A_1724 : f32 to vector<16xf32>
    %select_n3A_1726 = arith.select %ge3A_1723, %broadcast_in_dim3A_1725, %select_n3A_1716 : vector<16xi1>, vector<16xf32>
    %eq3A_1727 = arith.constant 1.000000e+00 : f32
    %eq3A_1728 = vector.broadcast %eq3A_1727 : f32 to vector<16xf32>
    %eq3A_1729 = arith.cmpf oeq, %select_n3A_1606, %eq3A_1728 : vector<16xf32>
    %jit3A_1730 = arith.constant -1.000000e+30 : f32
    %broadcast_in_dim3A_1731 = vector.broadcast %jit3A_1730 : f32 to vector<16xf32>
    %select_n3A_1732 = arith.select %eq3A_1729, %broadcast_in_dim3A_1731, %get3A_1535 : vector<16xi1>, vector<16xf32>
    %ge3A_1733 = arith.cmpf oge, %select_n3A_1732, %max3A_1664 : vector<16xf32>
    %jit3A_1734 = arith.constant 1.000000e+00 : f32
    %broadcast_in_dim3A_1735 = vector.broadcast %jit3A_1734 : f32 to vector<16xf32>
    %select_n3A_1736 = arith.select %ge3A_1733, %broadcast_in_dim3A_1735, %select_n3A_1726 : vector<16xi1>, vector<16xf32>
    %eq3A_1737 = arith.constant 0.000000e+00 : f32
    %eq3A_1738 = vector.broadcast %eq3A_1737 : f32 to vector<16xf32>
    %eq3A_1739 = arith.cmpf oeq, %select_n3A_1606, %eq3A_1738 : vector<16xf32>
    %jit3A_1740 = arith.constant -1.000000e+30 : f32
    %broadcast_in_dim3A_1741 = vector.broadcast %jit3A_1740 : f32 to vector<16xf32>
    %select_n3A_1742 = arith.select %eq3A_1739, %broadcast_in_dim3A_1741, %get3A_1530 : vector<16xi1>, vector<16xf32>
    %ge3A_1743 = arith.cmpf oge, %select_n3A_1742, %max3A_1664 : vector<16xf32>
    %jit3A_1744 = arith.constant 0.000000e+00 : f32
    %broadcast_in_dim3A_1745 = vector.broadcast %jit3A_1744 : f32 to vector<16xf32>
    %select_n3A_1746 = arith.select %ge3A_1743, %broadcast_in_dim3A_1745, %select_n3A_1736 : vector<16xi1>, vector<16xf32>
    %sub3A_1747 = arith.subf %max3A_1664, %max3A_1572 : vector<16xf32>
    %exp3A_1748 = math.exp %sub3A_1747 : vector<16xf32>
    %add3A_1749 = arith.constant 1.000000e+00 : f32
    %add3A_1750 = vector.broadcast %add3A_1749 : f32 to vector<16xf32>
    %add3A_1751 = arith.addf %add3A_1750, %exp3A_1748 : vector<16xf32>
    %div3A_1752 = arith.constant 1.000000e+00 : f32
    %div3A_1753 = vector.broadcast %div3A_1752 : f32 to vector<16xf32>
    %div3A_1754 = arith.divf %div3A_1753, %add3A_1751 : vector<16xf32>
    %swap3A_1755 = arith.constant 0 : i32
    %swap3A_1756 = arith.index_cast %swap3A_1755 : i32 to index
    %swap3A_1757 = arith.constant 96 : index
    %swap3A_1758 = tpu.vector_load %arg5[%swap3A_1756, %swap3A_1757] {strides = array<i32>} : memref<4x128xf32, #tpu.memory_space<vmem>>, vector<1x16xf32>,
    %swap3A_1759 = vector.shape_cast %swap3A_1758 : vector<1x16xf32> to vector<16xf32>
    %swap3A_1760 = vector.shape_cast %select_n3A_1606 : vector<16xf32> to vector<1x16xf32>
    tpu.vector_store %arg5[%swap3A_1756, %swap3A_1757], %swap3A_1760 {strides = array<i32>} : memref<4x128xf32, #tpu.memory_space<vmem>>, vector<1x16xf32>,
    %swap3A_1761 = arith.constant 1 : i32
    %swap3A_1762 = arith.index_cast %swap3A_1761 : i32 to index
    %swap3A_1763 = arith.constant 96 : index
    %swap3A_1764 = tpu.vector_load %arg5[%swap3A_1762, %swap3A_1763] {strides = array<i32>} : memref<4x128xf32, #tpu.memory_space<vmem>>, vector<1x16xf32>,
    %swap3A_1765 = vector.shape_cast %swap3A_1764 : vector<1x16xf32> to vector<16xf32>
    %swap3A_1766 = vector.shape_cast %select_n3A_1746 : vector<16xf32> to vector<1x16xf32>
    tpu.vector_store %arg5[%swap3A_1762, %swap3A_1763], %swap3A_1766 {strides = array<i32>} : memref<4x128xf32, #tpu.memory_space<vmem>>, vector<1x16xf32>,
    %swap3A_1767 = arith.constant 2 : i32
    %swap3A_1768 = arith.index_cast %swap3A_1767 : i32 to index
    %swap3A_1769 = arith.constant 96 : index
    %swap3A_1770 = tpu.vector_load %arg5[%swap3A_1768, %swap3A_1769] {strides = array<i32>} : memref<4x128xf32, #tpu.memory_space<vmem>>, vector<1x16xf32>,
    %swap3A_1771 = vector.shape_cast %swap3A_1770 : vector<1x16xf32> to vector<16xf32>
    %swap3A_1772 = vector.shape_cast %div3A_1754 : vector<16xf32> to vector<1x16xf32>
    tpu.vector_store %arg5[%swap3A_1768, %swap3A_1769], %swap3A_1772 {strides = array<i32>} : memref<4x128xf32, #tpu.memory_space<vmem>>, vector<1x16xf32>,
    %sub3A_1773 = arith.constant 1.000000e+00 : f32
    %sub3A_1774 = vector.broadcast %sub3A_1773 : f32 to vector<16xf32>
    %sub3A_1775 = arith.subf %sub3A_1774, %div3A_1754 : vector<16xf32>
    %swap3A_1776 = arith.constant 3 : i32
    %swap3A_1777 = arith.index_cast %swap3A_1776 : i32 to index
    %swap3A_1778 = arith.constant 96 : index
    %swap3A_1779 = tpu.vector_load %arg5[%swap3A_1777, %swap3A_1778] {strides = array<i32>} : memref<4x128xf32, #tpu.memory_space<vmem>>, vector<1x16xf32>,
    %swap3A_1780 = vector.shape_cast %swap3A_1779 : vector<1x16xf32> to vector<16xf32>
    %swap3A_1781 = vector.shape_cast %sub3A_1775 : vector<16xf32> to vector<1x16xf32>
    tpu.vector_store %arg5[%swap3A_1777, %swap3A_1778], %swap3A_1781 {strides = array<i32>} : memref<4x128xf32, #tpu.memory_space<vmem>>, vector<1x16xf32>,
    %get3A_1782 = arith.constant 0 : i32
    %get3A_1783 = arith.index_cast %get3A_1782 : i32 to index
    %get3A_1784 = arith.constant 112 : index
    %get3A_1785 = tpu.vector_load %arg4[%get3A_1783, %get3A_1784] {strides = array<i32>} : memref<8x128xf32, #tpu.memory_space<vmem>>, vector<1x16xf32>,
    %get3A_1786 = vector.shape_cast %get3A_1785 : vector<1x16xf32> to vector<16xf32>
    %get3A_1787 = arith.constant 1 : i32
    %get3A_1788 = arith.index_cast %get3A_1787 : i32 to index
    %get3A_1789 = arith.constant 112 : index
    %get3A_1790 = tpu.vector_load %arg4[%get3A_1788, %get3A_1789] {strides = array<i32>} : memref<8x128xf32, #tpu.memory_space<vmem>>, vector<1x16xf32>,
    %get3A_1791 = vector.shape_cast %get3A_1790 : vector<1x16xf32> to vector<16xf32>
    %get3A_1792 = arith.constant 2 : i32
    %get3A_1793 = arith.index_cast %get3A_1792 : i32 to index
    %get3A_1794 = arith.constant 112 : index
    %get3A_1795 = tpu.vector_load %arg4[%get3A_1793, %get3A_1794] {strides = array<i32>} : memref<8x128xf32, #tpu.memory_space<vmem>>, vector<1x16xf32>,
    %get3A_1796 = vector.shape_cast %get3A_1795 : vector<1x16xf32> to vector<16xf32>
    %get3A_1797 = arith.constant 3 : i32
    %get3A_1798 = arith.index_cast %get3A_1797 : i32 to index
    %get3A_1799 = arith.constant 112 : index
    %get3A_1800 = tpu.vector_load %arg4[%get3A_1798, %get3A_1799] {strides = array<i32>} : memref<8x128xf32, #tpu.memory_space<vmem>>, vector<1x16xf32>,
    %get3A_1801 = vector.shape_cast %get3A_1800 : vector<1x16xf32> to vector<16xf32>
    %get3A_1802 = arith.constant 4 : i32
    %get3A_1803 = arith.index_cast %get3A_1802 : i32 to index
    %get3A_1804 = arith.constant 112 : index
    %get3A_1805 = tpu.vector_load %arg4[%get3A_1803, %get3A_1804] {strides = array<i32>} : memref<8x128xf32, #tpu.memory_space<vmem>>, vector<1x16xf32>,
    %get3A_1806 = vector.shape_cast %get3A_1805 : vector<1x16xf32> to vector<16xf32>
    %get3A_1807 = arith.constant 5 : i32
    %get3A_1808 = arith.index_cast %get3A_1807 : i32 to index
    %get3A_1809 = arith.constant 112 : index
    %get3A_1810 = tpu.vector_load %arg4[%get3A_1808, %get3A_1809] {strides = array<i32>} : memref<8x128xf32, #tpu.memory_space<vmem>>, vector<1x16xf32>,
    %get3A_1811 = vector.shape_cast %get3A_1810 : vector<1x16xf32> to vector<16xf32>
    %get3A_1812 = arith.constant 6 : i32
    %get3A_1813 = arith.index_cast %get3A_1812 : i32 to index
    %get3A_1814 = arith.constant 112 : index
    %get3A_1815 = tpu.vector_load %arg4[%get3A_1813, %get3A_1814] {strides = array<i32>} : memref<8x128xf32, #tpu.memory_space<vmem>>, vector<1x16xf32>,
    %get3A_1816 = vector.shape_cast %get3A_1815 : vector<1x16xf32> to vector<16xf32>
    %get3A_1817 = arith.constant 7 : i32
    %get3A_1818 = arith.index_cast %get3A_1817 : i32 to index
    %get3A_1819 = arith.constant 112 : index
    %get3A_1820 = tpu.vector_load %arg4[%get3A_1818, %get3A_1819] {strides = array<i32>} : memref<8x128xf32, #tpu.memory_space<vmem>>, vector<1x16xf32>,
    %get3A_1821 = vector.shape_cast %get3A_1820 : vector<1x16xf32> to vector<16xf32>
    %max3A_1822 = arith.maximumf %get3A_1786, %get3A_1791 : vector<16xf32>
    %max3A_1823 = arith.maximumf %max3A_1822, %get3A_1796 : vector<16xf32>
    %max3A_1824 = arith.maximumf %max3A_1823, %get3A_1801 : vector<16xf32>
    %max3A_1825 = arith.maximumf %max3A_1824, %get3A_1806 : vector<16xf32>
    %max3A_1826 = arith.maximumf %max3A_1825, %get3A_1811 : vector<16xf32>
    %max3A_1827 = arith.maximumf %max3A_1826, %get3A_1816 : vector<16xf32>
    %max3A_1828 = arith.maximumf %max3A_1827, %get3A_1821 : vector<16xf32>
    %broadcast_in_dim3A_1829 = arith.constant 8.000000e+00 : f32
    %broadcast_in_dim3A_1830 = vector.broadcast %broadcast_in_dim3A_1829 : f32 to vector<16xf32>
    %ge3A_1831 = arith.cmpf oge, %get3A_1821, %max3A_1828 : vector<16xf32>
    %jit3A_1832 = arith.constant 7.000000e+00 : f32
    %broadcast_in_dim3A_1833 = vector.broadcast %jit3A_1832 : f32 to vector<16xf32>
    %select_n3A_1834 = arith.select %ge3A_1831, %broadcast_in_dim3A_1833, %broadcast_in_dim3A_1830 : vector<16xi1>, vector<16xf32>
    %ge3A_1835 = arith.cmpf oge, %get3A_1816, %max3A_1828 : vector<16xf32>
    %jit3A_1836 = arith.constant 6.000000e+00 : f32
    %broadcast_in_dim3A_1837 = vector.broadcast %jit3A_1836 : f32 to vector<16xf32>
    %select_n3A_1838 = arith.select %ge3A_1835, %broadcast_in_dim3A_1837, %select_n3A_1834 : vector<16xi1>, vector<16xf32>
    %ge3A_1839 = arith.cmpf oge, %get3A_1811, %max3A_1828 : vector<16xf32>
    %jit3A_1840 = arith.constant 5.000000e+00 : f32
    %broadcast_in_dim3A_1841 = vector.broadcast %jit3A_1840 : f32 to vector<16xf32>
    %select_n3A_1842 = arith.select %ge3A_1839, %broadcast_in_dim3A_1841, %select_n3A_1838 : vector<16xi1>, vector<16xf32>
    %ge3A_1843 = arith.cmpf oge, %get3A_1806, %max3A_1828 : vector<16xf32>
    %jit3A_1844 = arith.constant 4.000000e+00 : f32
    %broadcast_in_dim3A_1845 = vector.broadcast %jit3A_1844 : f32 to vector<16xf32>
    %select_n3A_1846 = arith.select %ge3A_1843, %broadcast_in_dim3A_1845, %select_n3A_1842 : vector<16xi1>, vector<16xf32>
    %ge3A_1847 = arith.cmpf oge, %get3A_1801, %max3A_1828 : vector<16xf32>
    %jit3A_1848 = arith.constant 3.000000e+00 : f32
    %broadcast_in_dim3A_1849 = vector.broadcast %jit3A_1848 : f32 to vector<16xf32>
    %select_n3A_1850 = arith.select %ge3A_1847, %broadcast_in_dim3A_1849, %select_n3A_1846 : vector<16xi1>, vector<16xf32>
    %ge3A_1851 = arith.cmpf oge, %get3A_1796, %max3A_1828 : vector<16xf32>
    %jit3A_1852 = arith.constant 2.000000e+00 : f32
    %broadcast_in_dim3A_1853 = vector.broadcast %jit3A_1852 : f32 to vector<16xf32>
    %select_n3A_1854 = arith.select %ge3A_1851, %broadcast_in_dim3A_1853, %select_n3A_1850 : vector<16xi1>, vector<16xf32>
    %ge3A_1855 = arith.cmpf oge, %get3A_1791, %max3A_1828 : vector<16xf32>
    %jit3A_1856 = arith.constant 1.000000e+00 : f32
    %broadcast_in_dim3A_1857 = vector.broadcast %jit3A_1856 : f32 to vector<16xf32>
    %select_n3A_1858 = arith.select %ge3A_1855, %broadcast_in_dim3A_1857, %select_n3A_1854 : vector<16xi1>, vector<16xf32>
    %ge3A_1859 = arith.cmpf oge, %get3A_1786, %max3A_1828 : vector<16xf32>
    %jit3A_1860 = arith.constant 0.000000e+00 : f32
    %broadcast_in_dim3A_1861 = vector.broadcast %jit3A_1860 : f32 to vector<16xf32>
    %select_n3A_1862 = arith.select %ge3A_1859, %broadcast_in_dim3A_1861, %select_n3A_1858 : vector<16xi1>, vector<16xf32>
    %broadcast_in_dim3A_1863 = arith.constant -1.000000e+30 : f32
    %broadcast_in_dim3A_1864 = vector.broadcast %broadcast_in_dim3A_1863 : f32 to vector<16xf32>
    %eq3A_1865 = arith.constant 0.000000e+00 : f32
    %eq3A_1866 = vector.broadcast %eq3A_1865 : f32 to vector<16xf32>
    %eq3A_1867 = arith.cmpf oeq, %select_n3A_1862, %eq3A_1866 : vector<16xf32>
    %jit3A_1868 = arith.constant -1.000000e+30 : f32
    %broadcast_in_dim3A_1869 = vector.broadcast %jit3A_1868 : f32 to vector<16xf32>
    %select_n3A_1870 = arith.select %eq3A_1867, %broadcast_in_dim3A_1869, %get3A_1786 : vector<16xi1>, vector<16xf32>
    %max3A_1871 = arith.maximumf %broadcast_in_dim3A_1864, %select_n3A_1870 : vector<16xf32>
    %eq3A_1872 = arith.constant 1.000000e+00 : f32
    %eq3A_1873 = vector.broadcast %eq3A_1872 : f32 to vector<16xf32>
    %eq3A_1874 = arith.cmpf oeq, %select_n3A_1862, %eq3A_1873 : vector<16xf32>
    %jit3A_1875 = arith.constant -1.000000e+30 : f32
    %broadcast_in_dim3A_1876 = vector.broadcast %jit3A_1875 : f32 to vector<16xf32>
    %select_n3A_1877 = arith.select %eq3A_1874, %broadcast_in_dim3A_1876, %get3A_1791 : vector<16xi1>, vector<16xf32>
    %max3A_1878 = arith.maximumf %max3A_1871, %select_n3A_1877 : vector<16xf32>
    %eq3A_1879 = arith.constant 2.000000e+00 : f32
    %eq3A_1880 = vector.broadcast %eq3A_1879 : f32 to vector<16xf32>
    %eq3A_1881 = arith.cmpf oeq, %select_n3A_1862, %eq3A_1880 : vector<16xf32>
    %jit3A_1882 = arith.constant -1.000000e+30 : f32
    %broadcast_in_dim3A_1883 = vector.broadcast %jit3A_1882 : f32 to vector<16xf32>
    %select_n3A_1884 = arith.select %eq3A_1881, %broadcast_in_dim3A_1883, %get3A_1796 : vector<16xi1>, vector<16xf32>
    %max3A_1885 = arith.maximumf %max3A_1878, %select_n3A_1884 : vector<16xf32>
    %eq3A_1886 = arith.constant 3.000000e+00 : f32
    %eq3A_1887 = vector.broadcast %eq3A_1886 : f32 to vector<16xf32>
    %eq3A_1888 = arith.cmpf oeq, %select_n3A_1862, %eq3A_1887 : vector<16xf32>
    %jit3A_1889 = arith.constant -1.000000e+30 : f32
    %broadcast_in_dim3A_1890 = vector.broadcast %jit3A_1889 : f32 to vector<16xf32>
    %select_n3A_1891 = arith.select %eq3A_1888, %broadcast_in_dim3A_1890, %get3A_1801 : vector<16xi1>, vector<16xf32>
    %max3A_1892 = arith.maximumf %max3A_1885, %select_n3A_1891 : vector<16xf32>
    %eq3A_1893 = arith.constant 4.000000e+00 : f32
    %eq3A_1894 = vector.broadcast %eq3A_1893 : f32 to vector<16xf32>
    %eq3A_1895 = arith.cmpf oeq, %select_n3A_1862, %eq3A_1894 : vector<16xf32>
    %jit3A_1896 = arith.constant -1.000000e+30 : f32
    %broadcast_in_dim3A_1897 = vector.broadcast %jit3A_1896 : f32 to vector<16xf32>
    %select_n3A_1898 = arith.select %eq3A_1895, %broadcast_in_dim3A_1897, %get3A_1806 : vector<16xi1>, vector<16xf32>
    %max3A_1899 = arith.maximumf %max3A_1892, %select_n3A_1898 : vector<16xf32>
    %eq3A_1900 = arith.constant 5.000000e+00 : f32
    %eq3A_1901 = vector.broadcast %eq3A_1900 : f32 to vector<16xf32>
    %eq3A_1902 = arith.cmpf oeq, %select_n3A_1862, %eq3A_1901 : vector<16xf32>
    %jit3A_1903 = arith.constant -1.000000e+30 : f32
    %broadcast_in_dim3A_1904 = vector.broadcast %jit3A_1903 : f32 to vector<16xf32>
    %select_n3A_1905 = arith.select %eq3A_1902, %broadcast_in_dim3A_1904, %get3A_1811 : vector<16xi1>, vector<16xf32>
    %max3A_1906 = arith.maximumf %max3A_1899, %select_n3A_1905 : vector<16xf32>
    %eq3A_1907 = arith.constant 6.000000e+00 : f32
    %eq3A_1908 = vector.broadcast %eq3A_1907 : f32 to vector<16xf32>
    %eq3A_1909 = arith.cmpf oeq, %select_n3A_1862, %eq3A_1908 : vector<16xf32>
    %jit3A_1910 = arith.constant -1.000000e+30 : f32
    %broadcast_in_dim3A_1911 = vector.broadcast %jit3A_1910 : f32 to vector<16xf32>
    %select_n3A_1912 = arith.select %eq3A_1909, %broadcast_in_dim3A_1911, %get3A_1816 : vector<16xi1>, vector<16xf32>
    %max3A_1913 = arith.maximumf %max3A_1906, %select_n3A_1912 : vector<16xf32>
    %eq3A_1914 = arith.constant 7.000000e+00 : f32
    %eq3A_1915 = vector.broadcast %eq3A_1914 : f32 to vector<16xf32>
    %eq3A_1916 = arith.cmpf oeq, %select_n3A_1862, %eq3A_1915 : vector<16xf32>
    %jit3A_1917 = arith.constant -1.000000e+30 : f32
    %broadcast_in_dim3A_1918 = vector.broadcast %jit3A_1917 : f32 to vector<16xf32>
    %select_n3A_1919 = arith.select %eq3A_1916, %broadcast_in_dim3A_1918, %get3A_1821 : vector<16xi1>, vector<16xf32>
    %max3A_1920 = arith.maximumf %max3A_1913, %select_n3A_1919 : vector<16xf32>
    %broadcast_in_dim3A_1921 = arith.constant 8.000000e+00 : f32
    %broadcast_in_dim3A_1922 = vector.broadcast %broadcast_in_dim3A_1921 : f32 to vector<16xf32>
    %eq3A_1923 = arith.constant 7.000000e+00 : f32
    %eq3A_1924 = vector.broadcast %eq3A_1923 : f32 to vector<16xf32>
    %eq3A_1925 = arith.cmpf oeq, %select_n3A_1862, %eq3A_1924 : vector<16xf32>
    %jit3A_1926 = arith.constant -1.000000e+30 : f32
    %broadcast_in_dim3A_1927 = vector.broadcast %jit3A_1926 : f32 to vector<16xf32>
    %select_n3A_1928 = arith.select %eq3A_1925, %broadcast_in_dim3A_1927, %get3A_1821 : vector<16xi1>, vector<16xf32>
    %ge3A_1929 = arith.cmpf oge, %select_n3A_1928, %max3A_1920 : vector<16xf32>
    %jit3A_1930 = arith.constant 7.000000e+00 : f32
    %broadcast_in_dim3A_1931 = vector.broadcast %jit3A_1930 : f32 to vector<16xf32>
    %select_n3A_1932 = arith.select %ge3A_1929, %broadcast_in_dim3A_1931, %broadcast_in_dim3A_1922 : vector<16xi1>, vector<16xf32>
    %eq3A_1933 = arith.constant 6.000000e+00 : f32
    %eq3A_1934 = vector.broadcast %eq3A_1933 : f32 to vector<16xf32>
    %eq3A_1935 = arith.cmpf oeq, %select_n3A_1862, %eq3A_1934 : vector<16xf32>
    %jit3A_1936 = arith.constant -1.000000e+30 : f32
    %broadcast_in_dim3A_1937 = vector.broadcast %jit3A_1936 : f32 to vector<16xf32>
    %select_n3A_1938 = arith.select %eq3A_1935, %broadcast_in_dim3A_1937, %get3A_1816 : vector<16xi1>, vector<16xf32>
    %ge3A_1939 = arith.cmpf oge, %select_n3A_1938, %max3A_1920 : vector<16xf32>
    %jit3A_1940 = arith.constant 6.000000e+00 : f32
    %broadcast_in_dim3A_1941 = vector.broadcast %jit3A_1940 : f32 to vector<16xf32>
    %select_n3A_1942 = arith.select %ge3A_1939, %broadcast_in_dim3A_1941, %select_n3A_1932 : vector<16xi1>, vector<16xf32>
    %eq3A_1943 = arith.constant 5.000000e+00 : f32
    %eq3A_1944 = vector.broadcast %eq3A_1943 : f32 to vector<16xf32>
    %eq3A_1945 = arith.cmpf oeq, %select_n3A_1862, %eq3A_1944 : vector<16xf32>
    %jit3A_1946 = arith.constant -1.000000e+30 : f32
    %broadcast_in_dim3A_1947 = vector.broadcast %jit3A_1946 : f32 to vector<16xf32>
    %select_n3A_1948 = arith.select %eq3A_1945, %broadcast_in_dim3A_1947, %get3A_1811 : vector<16xi1>, vector<16xf32>
    %ge3A_1949 = arith.cmpf oge, %select_n3A_1948, %max3A_1920 : vector<16xf32>
    %jit3A_1950 = arith.constant 5.000000e+00 : f32
    %broadcast_in_dim3A_1951 = vector.broadcast %jit3A_1950 : f32 to vector<16xf32>
    %select_n3A_1952 = arith.select %ge3A_1949, %broadcast_in_dim3A_1951, %select_n3A_1942 : vector<16xi1>, vector<16xf32>
    %eq3A_1953 = arith.constant 4.000000e+00 : f32
    %eq3A_1954 = vector.broadcast %eq3A_1953 : f32 to vector<16xf32>
    %eq3A_1955 = arith.cmpf oeq, %select_n3A_1862, %eq3A_1954 : vector<16xf32>
    %jit3A_1956 = arith.constant -1.000000e+30 : f32
    %broadcast_in_dim3A_1957 = vector.broadcast %jit3A_1956 : f32 to vector<16xf32>
    %select_n3A_1958 = arith.select %eq3A_1955, %broadcast_in_dim3A_1957, %get3A_1806 : vector<16xi1>, vector<16xf32>
    %ge3A_1959 = arith.cmpf oge, %select_n3A_1958, %max3A_1920 : vector<16xf32>
    %jit3A_1960 = arith.constant 4.000000e+00 : f32
    %broadcast_in_dim3A_1961 = vector.broadcast %jit3A_1960 : f32 to vector<16xf32>
    %select_n3A_1962 = arith.select %ge3A_1959, %broadcast_in_dim3A_1961, %select_n3A_1952 : vector<16xi1>, vector<16xf32>
    %eq3A_1963 = arith.constant 3.000000e+00 : f32
    %eq3A_1964 = vector.broadcast %eq3A_1963 : f32 to vector<16xf32>
    %eq3A_1965 = arith.cmpf oeq, %select_n3A_1862, %eq3A_1964 : vector<16xf32>
    %jit3A_1966 = arith.constant -1.000000e+30 : f32
    %broadcast_in_dim3A_1967 = vector.broadcast %jit3A_1966 : f32 to vector<16xf32>
    %select_n3A_1968 = arith.select %eq3A_1965, %broadcast_in_dim3A_1967, %get3A_1801 : vector<16xi1>, vector<16xf32>
    %ge3A_1969 = arith.cmpf oge, %select_n3A_1968, %max3A_1920 : vector<16xf32>
    %jit3A_1970 = arith.constant 3.000000e+00 : f32
    %broadcast_in_dim3A_1971 = vector.broadcast %jit3A_1970 : f32 to vector<16xf32>
    %select_n3A_1972 = arith.select %ge3A_1969, %broadcast_in_dim3A_1971, %select_n3A_1962 : vector<16xi1>, vector<16xf32>
    %eq3A_1973 = arith.constant 2.000000e+00 : f32
    %eq3A_1974 = vector.broadcast %eq3A_1973 : f32 to vector<16xf32>
    %eq3A_1975 = arith.cmpf oeq, %select_n3A_1862, %eq3A_1974 : vector<16xf32>
    %jit3A_1976 = arith.constant -1.000000e+30 : f32
    %broadcast_in_dim3A_1977 = vector.broadcast %jit3A_1976 : f32 to vector<16xf32>
    %select_n3A_1978 = arith.select %eq3A_1975, %broadcast_in_dim3A_1977, %get3A_1796 : vector<16xi1>, vector<16xf32>
    %ge3A_1979 = arith.cmpf oge, %select_n3A_1978, %max3A_1920 : vector<16xf32>
    %jit3A_1980 = arith.constant 2.000000e+00 : f32
    %broadcast_in_dim3A_1981 = vector.broadcast %jit3A_1980 : f32 to vector<16xf32>
    %select_n3A_1982 = arith.select %ge3A_1979, %broadcast_in_dim3A_1981, %select_n3A_1972 : vector<16xi1>, vector<16xf32>
    %eq3A_1983 = arith.constant 1.000000e+00 : f32
    %eq3A_1984 = vector.broadcast %eq3A_1983 : f32 to vector<16xf32>
    %eq3A_1985 = arith.cmpf oeq, %select_n3A_1862, %eq3A_1984 : vector<16xf32>
    %jit3A_1986 = arith.constant -1.000000e+30 : f32
    %broadcast_in_dim3A_1987 = vector.broadcast %jit3A_1986 : f32 to vector<16xf32>
    %select_n3A_1988 = arith.select %eq3A_1985, %broadcast_in_dim3A_1987, %get3A_1791 : vector<16xi1>, vector<16xf32>
    %ge3A_1989 = arith.cmpf oge, %select_n3A_1988, %max3A_1920 : vector<16xf32>
    %jit3A_1990 = arith.constant 1.000000e+00 : f32
    %broadcast_in_dim3A_1991 = vector.broadcast %jit3A_1990 : f32 to vector<16xf32>
    %select_n3A_1992 = arith.select %ge3A_1989, %broadcast_in_dim3A_1991, %select_n3A_1982 : vector<16xi1>, vector<16xf32>
    %eq3A_1993 = arith.constant 0.000000e+00 : f32
    %eq3A_1994 = vector.broadcast %eq3A_1993 : f32 to vector<16xf32>
    %eq3A_1995 = arith.cmpf oeq, %select_n3A_1862, %eq3A_1994 : vector<16xf32>
    %jit3A_1996 = arith.constant -1.000000e+30 : f32
    %broadcast_in_dim3A_1997 = vector.broadcast %jit3A_1996 : f32 to vector<16xf32>
    %select_n3A_1998 = arith.select %eq3A_1995, %broadcast_in_dim3A_1997, %get3A_1786 : vector<16xi1>, vector<16xf32>
    %ge3A_1999 = arith.cmpf oge, %select_n3A_1998, %max3A_1920 : vector<16xf32>
    %jit3A_2000 = arith.constant 0.000000e+00 : f32
    %broadcast_in_dim3A_2001 = vector.broadcast %jit3A_2000 : f32 to vector<16xf32>
    %select_n3A_2002 = arith.select %ge3A_1999, %broadcast_in_dim3A_2001, %select_n3A_1992 : vector<16xi1>, vector<16xf32>
    %sub3A_2003 = arith.subf %max3A_1920, %max3A_1828 : vector<16xf32>
    %exp3A_2004 = math.exp %sub3A_2003 : vector<16xf32>
    %add3A_2005 = arith.constant 1.000000e+00 : f32
    %add3A_2006 = vector.broadcast %add3A_2005 : f32 to vector<16xf32>
    %add3A_2007 = arith.addf %add3A_2006, %exp3A_2004 : vector<16xf32>
    %div3A_2008 = arith.constant 1.000000e+00 : f32
    %div3A_2009 = vector.broadcast %div3A_2008 : f32 to vector<16xf32>
    %div3A_2010 = arith.divf %div3A_2009, %add3A_2007 : vector<16xf32>
    %swap3A_2011 = arith.constant 0 : i32
    %swap3A_2012 = arith.index_cast %swap3A_2011 : i32 to index
    %swap3A_2013 = arith.constant 112 : index
    %swap3A_2014 = tpu.vector_load %arg5[%swap3A_2012, %swap3A_2013] {strides = array<i32>} : memref<4x128xf32, #tpu.memory_space<vmem>>, vector<1x16xf32>,
    %swap3A_2015 = vector.shape_cast %swap3A_2014 : vector<1x16xf32> to vector<16xf32>
    %swap3A_2016 = vector.shape_cast %select_n3A_1862 : vector<16xf32> to vector<1x16xf32>
    tpu.vector_store %arg5[%swap3A_2012, %swap3A_2013], %swap3A_2016 {strides = array<i32>} : memref<4x128xf32, #tpu.memory_space<vmem>>, vector<1x16xf32>,
    %swap3A_2017 = arith.constant 1 : i32
    %swap3A_2018 = arith.index_cast %swap3A_2017 : i32 to index
    %swap3A_2019 = arith.constant 112 : index
    %swap3A_2020 = tpu.vector_load %arg5[%swap3A_2018, %swap3A_2019] {strides = array<i32>} : memref<4x128xf32, #tpu.memory_space<vmem>>, vector<1x16xf32>,
    %swap3A_2021 = vector.shape_cast %swap3A_2020 : vector<1x16xf32> to vector<16xf32>
    %swap3A_2022 = vector.shape_cast %select_n3A_2002 : vector<16xf32> to vector<1x16xf32>
    tpu.vector_store %arg5[%swap3A_2018, %swap3A_2019], %swap3A_2022 {strides = array<i32>} : memref<4x128xf32, #tpu.memory_space<vmem>>, vector<1x16xf32>,
    %swap3A_2023 = arith.constant 2 : i32
    %swap3A_2024 = arith.index_cast %swap3A_2023 : i32 to index
    %swap3A_2025 = arith.constant 112 : index
    %swap3A_2026 = tpu.vector_load %arg5[%swap3A_2024, %swap3A_2025] {strides = array<i32>} : memref<4x128xf32, #tpu.memory_space<vmem>>, vector<1x16xf32>,
    %swap3A_2027 = vector.shape_cast %swap3A_2026 : vector<1x16xf32> to vector<16xf32>
    %swap3A_2028 = vector.shape_cast %div3A_2010 : vector<16xf32> to vector<1x16xf32>
    tpu.vector_store %arg5[%swap3A_2024, %swap3A_2025], %swap3A_2028 {strides = array<i32>} : memref<4x128xf32, #tpu.memory_space<vmem>>, vector<1x16xf32>,
    %sub3A_2029 = arith.constant 1.000000e+00 : f32
    %sub3A_2030 = vector.broadcast %sub3A_2029 : f32 to vector<16xf32>
    %sub3A_2031 = arith.subf %sub3A_2030, %div3A_2010 : vector<16xf32>
    %swap3A_2032 = arith.constant 3 : i32
    %swap3A_2033 = arith.index_cast %swap3A_2032 : i32 to index
    %swap3A_2034 = arith.constant 112 : index
    %swap3A_2035 = tpu.vector_load %arg5[%swap3A_2033, %swap3A_2034] {strides = array<i32>} : memref<4x128xf32, #tpu.memory_space<vmem>>, vector<1x16xf32>,
    %swap3A_2036 = vector.shape_cast %swap3A_2035 : vector<1x16xf32> to vector<16xf32>
    %swap3A_2037 = vector.shape_cast %sub3A_2031 : vector<16xf32> to vector<1x16xf32>
    tpu.vector_store %arg5[%swap3A_2033, %swap3A_2034], %swap3A_2037 {strides = array<i32>} : memref<4x128xf32, #tpu.memory_space<vmem>>, vector<1x16xf32>,
    "tpu.region"() ({
      %run_scoped3A = tpu.sem_alloc : memref<!tpu.dma_semaphore, #tpu.memory_space<semaphore_mem>>
      %dma_start3A = arith.constant 0 : i32
      %dma_start3A_2038 = arith.constant 0 : i32
      %dma_start3A_2039 = tpu.memref_slice %arg3[%add3A, %dma_start3A, %dma_start3A_2038] : memref<32x4x128xf32, #tpu.memory_space<hbm>> -> memref<1x4x128xf32, #tpu.memory_space<hbm>>
      %dma_start3A_2040 = tpu.memref_squeeze %dma_start3A_2039 : memref<1x4x128xf32, #tpu.memory_space<hbm>> -> memref<4x128xf32, #tpu.memory_space<hbm>>
      %dma_start3A_2041 = arith.constant 0 : i32
      %dma_start3A_2042 = arith.constant 0 : i32
      %dma_start3A_2043 = tpu.memref_slice %arg3[%add3A, %dma_start3A_2041, %dma_start3A_2042] : memref<32x4x128xf32, #tpu.memory_space<hbm>> -> memref<1x4x128xf32, #tpu.memory_space<hbm>>
      %dma_start3A_2044 = tpu.memref_squeeze %dma_start3A_2043 : memref<1x4x128xf32, #tpu.memory_space<hbm>> -> memref<4x128xf32, #tpu.memory_space<hbm>>
      tpu.enqueue_dma source(%arg5 : memref<4x128xf32, #tpu.memory_space<vmem>>) target(%dma_start3A_2044 : memref<4x128xf32, #tpu.memory_space<hbm>>) target_semaphore(%run_scoped3A : memref<!tpu.dma_semaphore, #tpu.memory_space<semaphore_mem>>)
      %dma_wait3A = arith.constant 0 : i32
      %dma_wait3A_2045 = arith.constant 0 : i32
      %dma_wait3A_2046 = tpu.memref_slice %arg3[%add3A, %dma_wait3A, %dma_wait3A_2045] : memref<32x4x128xf32, #tpu.memory_space<hbm>> -> memref<1x4x128xf32, #tpu.memory_space<hbm>>
      %dma_wait3A_2047 = tpu.memref_squeeze %dma_wait3A_2046 : memref<1x4x128xf32, #tpu.memory_space<hbm>> -> memref<4x128xf32, #tpu.memory_space<hbm>>
      %dma_wait3A_2048 = arith.constant 0 : i32
      %dma_wait3A_2049 = arith.constant 0 : i32
      %dma_wait3A_2050 = tpu.memref_slice %arg3[%add3A, %dma_wait3A_2048, %dma_wait3A_2049] : memref<32x4x128xf32, #tpu.memory_space<hbm>> -> memref<1x4x128xf32, #tpu.memory_space<hbm>>
      %dma_wait3A_2051 = tpu.memref_squeeze %dma_wait3A_2050 : memref<1x4x128xf32, #tpu.memory_space<hbm>> -> memref<4x128xf32, #tpu.memory_space<hbm>>
      tpu.wait_dma2 semaphore(%run_scoped3A : memref<!tpu.dma_semaphore, #tpu.memory_space<semaphore_mem>>) src(%arg5 : memref<4x128xf32, #tpu.memory_space<vmem>>) dst(%dma_wait3A_2051 : memref<4x128xf32, #tpu.memory_space<hbm>>)
      tpu.yield
    }) : () -> ()
    return
  }
}

module attributes {stable_mosaic.version = 14 : i64} {
  func.func @_logits_body(%arg0: i32, %arg1: memref<8x1024xf32, #tpu.memory_space<vmem>>, %arg2: memref<2048x1024xf32, #tpu.memory_space<vmem>>, %arg3: memref<16x8x128xf32, #tpu.memory_space<vmem>>) attributes {dimension_semantics = [#tpu.dimension_semantics<arbitrary>], iteration_bounds = array<i64: 2>, scalar_prefetch = 0 : i64, scratch_operands = 0 : i64, tpu.core_type = #tpu.core_type<tc>, window_params = [{pipeline_mode = #tpu.pipeline_mode<synchronous>, transform_indices = @transform_0, window_bounds = array<i64: 8, 1024>}, {transform_indices = @transform_1, window_bounds = array<i64: 2048, 1024>}, {transform_indices = @transform_2, window_bounds = array<i64: 16, 8, 128>}]} {
    %get3A = arith.constant 0 : index
    %get3A_0 = arith.constant 0 : index
    %get3A_1 = vector.load %arg2[%get3A, %get3A_0] : memref<2048x1024xf32, #tpu.memory_space<vmem>>, vector<128x1024xf32>
    %get3A_2 = arith.constant 0 : index
    %get3A_3 = arith.constant 0 : index
    %get3A_4 = vector.load %arg1[%get3A_2, %get3A_3] : memref<8x1024xf32, #tpu.memory_space<vmem>>, vector<8x1024xf32>
    %dot_general3A = arith.constant dense<0.000000e+00> : vector<8x128xf32>
    %dot_general3A_5 = tpu.matmul %get3A_4, %get3A_1, %dot_general3A {dimension_numbers = #tpu.dot_dimension_numbers<[1], [1], [0], [0], [0, 0, 1, 0], [], []>, transpose_lhs_hint = false} : vector<8x1024xf32>, vector<128x1024xf32>, vector<8x128xf32> -> vector<8x128xf32>
    %swap3A = arith.constant 0 : index
    %swap3A_6 = arith.constant 0 : index
    %swap3A_7 = arith.constant 0 : index
    %swap3A_8 = vector.load %arg3[%swap3A, %swap3A_6, %swap3A_7] : memref<16x8x128xf32, #tpu.memory_space<vmem>>, vector<1x8x128xf32>
    %swap3A_9 = vector.shape_cast %swap3A_8 : vector<1x8x128xf32> to vector<8x128xf32>
    %swap3A_10 = vector.shape_cast %dot_general3A_5 : vector<8x128xf32> to vector<1x8x128xf32>
    tpu.vector_store %arg3[%swap3A, %swap3A_6, %swap3A_7], %swap3A_10 {strides = array<i32>} : memref<16x8x128xf32, #tpu.memory_space<vmem>>, vector<1x8x128xf32>,
    %get3A_11 = arith.constant 128 : index
    %get3A_12 = arith.constant 0 : index
    %get3A_13 = vector.load %arg2[%get3A_11, %get3A_12] : memref<2048x1024xf32, #tpu.memory_space<vmem>>, vector<128x1024xf32>
    %get3A_14 = arith.constant 0 : index
    %get3A_15 = arith.constant 0 : index
    %get3A_16 = vector.load %arg1[%get3A_14, %get3A_15] : memref<8x1024xf32, #tpu.memory_space<vmem>>, vector<8x1024xf32>
    %dot_general3A_17 = arith.constant dense<0.000000e+00> : vector<8x128xf32>
    %dot_general3A_18 = tpu.matmul %get3A_16, %get3A_13, %dot_general3A_17 {dimension_numbers = #tpu.dot_dimension_numbers<[1], [1], [0], [0], [0, 0, 1, 0], [], []>, transpose_lhs_hint = false} : vector<8x1024xf32>, vector<128x1024xf32>, vector<8x128xf32> -> vector<8x128xf32>
    %swap3A_19 = arith.constant 1 : index
    %swap3A_20 = arith.constant 0 : index
    %swap3A_21 = arith.constant 0 : index
    %swap3A_22 = vector.load %arg3[%swap3A_19, %swap3A_20, %swap3A_21] : memref<16x8x128xf32, #tpu.memory_space<vmem>>, vector<1x8x128xf32>
    %swap3A_23 = vector.shape_cast %swap3A_22 : vector<1x8x128xf32> to vector<8x128xf32>
    %swap3A_24 = vector.shape_cast %dot_general3A_18 : vector<8x128xf32> to vector<1x8x128xf32>
    tpu.vector_store %arg3[%swap3A_19, %swap3A_20, %swap3A_21], %swap3A_24 {strides = array<i32>} : memref<16x8x128xf32, #tpu.memory_space<vmem>>, vector<1x8x128xf32>,
    %get3A_25 = arith.constant 256 : index
    %get3A_26 = arith.constant 0 : index
    %get3A_27 = vector.load %arg2[%get3A_25, %get3A_26] : memref<2048x1024xf32, #tpu.memory_space<vmem>>, vector<128x1024xf32>
    %get3A_28 = arith.constant 0 : index
    %get3A_29 = arith.constant 0 : index
    %get3A_30 = vector.load %arg1[%get3A_28, %get3A_29] : memref<8x1024xf32, #tpu.memory_space<vmem>>, vector<8x1024xf32>
    %dot_general3A_31 = arith.constant dense<0.000000e+00> : vector<8x128xf32>
    %dot_general3A_32 = tpu.matmul %get3A_30, %get3A_27, %dot_general3A_31 {dimension_numbers = #tpu.dot_dimension_numbers<[1], [1], [0], [0], [0, 0, 1, 0], [], []>, transpose_lhs_hint = false} : vector<8x1024xf32>, vector<128x1024xf32>, vector<8x128xf32> -> vector<8x128xf32>
    %swap3A_33 = arith.constant 2 : index
    %swap3A_34 = arith.constant 0 : index
    %swap3A_35 = arith.constant 0 : index
    %swap3A_36 = vector.load %arg3[%swap3A_33, %swap3A_34, %swap3A_35] : memref<16x8x128xf32, #tpu.memory_space<vmem>>, vector<1x8x128xf32>
    %swap3A_37 = vector.shape_cast %swap3A_36 : vector<1x8x128xf32> to vector<8x128xf32>
    %swap3A_38 = vector.shape_cast %dot_general3A_32 : vector<8x128xf32> to vector<1x8x128xf32>
    tpu.vector_store %arg3[%swap3A_33, %swap3A_34, %swap3A_35], %swap3A_38 {strides = array<i32>} : memref<16x8x128xf32, #tpu.memory_space<vmem>>, vector<1x8x128xf32>,
    %get3A_39 = arith.constant 384 : index
    %get3A_40 = arith.constant 0 : index
    %get3A_41 = vector.load %arg2[%get3A_39, %get3A_40] : memref<2048x1024xf32, #tpu.memory_space<vmem>>, vector<128x1024xf32>
    %get3A_42 = arith.constant 0 : index
    %get3A_43 = arith.constant 0 : index
    %get3A_44 = vector.load %arg1[%get3A_42, %get3A_43] : memref<8x1024xf32, #tpu.memory_space<vmem>>, vector<8x1024xf32>
    %dot_general3A_45 = arith.constant dense<0.000000e+00> : vector<8x128xf32>
    %dot_general3A_46 = tpu.matmul %get3A_44, %get3A_41, %dot_general3A_45 {dimension_numbers = #tpu.dot_dimension_numbers<[1], [1], [0], [0], [0, 0, 1, 0], [], []>, transpose_lhs_hint = false} : vector<8x1024xf32>, vector<128x1024xf32>, vector<8x128xf32> -> vector<8x128xf32>
    %swap3A_47 = arith.constant 3 : index
    %swap3A_48 = arith.constant 0 : index
    %swap3A_49 = arith.constant 0 : index
    %swap3A_50 = vector.load %arg3[%swap3A_47, %swap3A_48, %swap3A_49] : memref<16x8x128xf32, #tpu.memory_space<vmem>>, vector<1x8x128xf32>
    %swap3A_51 = vector.shape_cast %swap3A_50 : vector<1x8x128xf32> to vector<8x128xf32>
    %swap3A_52 = vector.shape_cast %dot_general3A_46 : vector<8x128xf32> to vector<1x8x128xf32>
    tpu.vector_store %arg3[%swap3A_47, %swap3A_48, %swap3A_49], %swap3A_52 {strides = array<i32>} : memref<16x8x128xf32, #tpu.memory_space<vmem>>, vector<1x8x128xf32>,
    %get3A_53 = arith.constant 512 : index
    %get3A_54 = arith.constant 0 : index
    %get3A_55 = vector.load %arg2[%get3A_53, %get3A_54] : memref<2048x1024xf32, #tpu.memory_space<vmem>>, vector<128x1024xf32>
    %get3A_56 = arith.constant 0 : index
    %get3A_57 = arith.constant 0 : index
    %get3A_58 = vector.load %arg1[%get3A_56, %get3A_57] : memref<8x1024xf32, #tpu.memory_space<vmem>>, vector<8x1024xf32>
    %dot_general3A_59 = arith.constant dense<0.000000e+00> : vector<8x128xf32>
    %dot_general3A_60 = tpu.matmul %get3A_58, %get3A_55, %dot_general3A_59 {dimension_numbers = #tpu.dot_dimension_numbers<[1], [1], [0], [0], [0, 0, 1, 0], [], []>, transpose_lhs_hint = false} : vector<8x1024xf32>, vector<128x1024xf32>, vector<8x128xf32> -> vector<8x128xf32>
    %swap3A_61 = arith.constant 4 : index
    %swap3A_62 = arith.constant 0 : index
    %swap3A_63 = arith.constant 0 : index
    %swap3A_64 = vector.load %arg3[%swap3A_61, %swap3A_62, %swap3A_63] : memref<16x8x128xf32, #tpu.memory_space<vmem>>, vector<1x8x128xf32>
    %swap3A_65 = vector.shape_cast %swap3A_64 : vector<1x8x128xf32> to vector<8x128xf32>
    %swap3A_66 = vector.shape_cast %dot_general3A_60 : vector<8x128xf32> to vector<1x8x128xf32>
    tpu.vector_store %arg3[%swap3A_61, %swap3A_62, %swap3A_63], %swap3A_66 {strides = array<i32>} : memref<16x8x128xf32, #tpu.memory_space<vmem>>, vector<1x8x128xf32>,
    %get3A_67 = arith.constant 640 : index
    %get3A_68 = arith.constant 0 : index
    %get3A_69 = vector.load %arg2[%get3A_67, %get3A_68] : memref<2048x1024xf32, #tpu.memory_space<vmem>>, vector<128x1024xf32>
    %get3A_70 = arith.constant 0 : index
    %get3A_71 = arith.constant 0 : index
    %get3A_72 = vector.load %arg1[%get3A_70, %get3A_71] : memref<8x1024xf32, #tpu.memory_space<vmem>>, vector<8x1024xf32>
    %dot_general3A_73 = arith.constant dense<0.000000e+00> : vector<8x128xf32>
    %dot_general3A_74 = tpu.matmul %get3A_72, %get3A_69, %dot_general3A_73 {dimension_numbers = #tpu.dot_dimension_numbers<[1], [1], [0], [0], [0, 0, 1, 0], [], []>, transpose_lhs_hint = false} : vector<8x1024xf32>, vector<128x1024xf32>, vector<8x128xf32> -> vector<8x128xf32>
    %swap3A_75 = arith.constant 5 : index
    %swap3A_76 = arith.constant 0 : index
    %swap3A_77 = arith.constant 0 : index
    %swap3A_78 = vector.load %arg3[%swap3A_75, %swap3A_76, %swap3A_77] : memref<16x8x128xf32, #tpu.memory_space<vmem>>, vector<1x8x128xf32>
    %swap3A_79 = vector.shape_cast %swap3A_78 : vector<1x8x128xf32> to vector<8x128xf32>
    %swap3A_80 = vector.shape_cast %dot_general3A_74 : vector<8x128xf32> to vector<1x8x128xf32>
    tpu.vector_store %arg3[%swap3A_75, %swap3A_76, %swap3A_77], %swap3A_80 {strides = array<i32>} : memref<16x8x128xf32, #tpu.memory_space<vmem>>, vector<1x8x128xf32>,
    %get3A_81 = arith.constant 768 : index
    %get3A_82 = arith.constant 0 : index
    %get3A_83 = vector.load %arg2[%get3A_81, %get3A_82] : memref<2048x1024xf32, #tpu.memory_space<vmem>>, vector<128x1024xf32>
    %get3A_84 = arith.constant 0 : index
    %get3A_85 = arith.constant 0 : index
    %get3A_86 = vector.load %arg1[%get3A_84, %get3A_85] : memref<8x1024xf32, #tpu.memory_space<vmem>>, vector<8x1024xf32>
    %dot_general3A_87 = arith.constant dense<0.000000e+00> : vector<8x128xf32>
    %dot_general3A_88 = tpu.matmul %get3A_86, %get3A_83, %dot_general3A_87 {dimension_numbers = #tpu.dot_dimension_numbers<[1], [1], [0], [0], [0, 0, 1, 0], [], []>, transpose_lhs_hint = false} : vector<8x1024xf32>, vector<128x1024xf32>, vector<8x128xf32> -> vector<8x128xf32>
    %swap3A_89 = arith.constant 6 : index
    %swap3A_90 = arith.constant 0 : index
    %swap3A_91 = arith.constant 0 : index
    %swap3A_92 = vector.load %arg3[%swap3A_89, %swap3A_90, %swap3A_91] : memref<16x8x128xf32, #tpu.memory_space<vmem>>, vector<1x8x128xf32>
    %swap3A_93 = vector.shape_cast %swap3A_92 : vector<1x8x128xf32> to vector<8x128xf32>
    %swap3A_94 = vector.shape_cast %dot_general3A_88 : vector<8x128xf32> to vector<1x8x128xf32>
    tpu.vector_store %arg3[%swap3A_89, %swap3A_90, %swap3A_91], %swap3A_94 {strides = array<i32>} : memref<16x8x128xf32, #tpu.memory_space<vmem>>, vector<1x8x128xf32>,
    %get3A_95 = arith.constant 896 : index
    %get3A_96 = arith.constant 0 : index
    %get3A_97 = vector.load %arg2[%get3A_95, %get3A_96] : memref<2048x1024xf32, #tpu.memory_space<vmem>>, vector<128x1024xf32>
    %get3A_98 = arith.constant 0 : index
    %get3A_99 = arith.constant 0 : index
    %get3A_100 = vector.load %arg1[%get3A_98, %get3A_99] : memref<8x1024xf32, #tpu.memory_space<vmem>>, vector<8x1024xf32>
    %dot_general3A_101 = arith.constant dense<0.000000e+00> : vector<8x128xf32>
    %dot_general3A_102 = tpu.matmul %get3A_100, %get3A_97, %dot_general3A_101 {dimension_numbers = #tpu.dot_dimension_numbers<[1], [1], [0], [0], [0, 0, 1, 0], [], []>, transpose_lhs_hint = false} : vector<8x1024xf32>, vector<128x1024xf32>, vector<8x128xf32> -> vector<8x128xf32>
    %swap3A_103 = arith.constant 7 : index
    %swap3A_104 = arith.constant 0 : index
    %swap3A_105 = arith.constant 0 : index
    %swap3A_106 = vector.load %arg3[%swap3A_103, %swap3A_104, %swap3A_105] : memref<16x8x128xf32, #tpu.memory_space<vmem>>, vector<1x8x128xf32>
    %swap3A_107 = vector.shape_cast %swap3A_106 : vector<1x8x128xf32> to vector<8x128xf32>
    %swap3A_108 = vector.shape_cast %dot_general3A_102 : vector<8x128xf32> to vector<1x8x128xf32>
    tpu.vector_store %arg3[%swap3A_103, %swap3A_104, %swap3A_105], %swap3A_108 {strides = array<i32>} : memref<16x8x128xf32, #tpu.memory_space<vmem>>, vector<1x8x128xf32>,
    %get3A_109 = arith.constant 1024 : index
    %get3A_110 = arith.constant 0 : index
    %get3A_111 = vector.load %arg2[%get3A_109, %get3A_110] : memref<2048x1024xf32, #tpu.memory_space<vmem>>, vector<128x1024xf32>
    %get3A_112 = arith.constant 0 : index
    %get3A_113 = arith.constant 0 : index
    %get3A_114 = vector.load %arg1[%get3A_112, %get3A_113] : memref<8x1024xf32, #tpu.memory_space<vmem>>, vector<8x1024xf32>
    %dot_general3A_115 = arith.constant dense<0.000000e+00> : vector<8x128xf32>
    %dot_general3A_116 = tpu.matmul %get3A_114, %get3A_111, %dot_general3A_115 {dimension_numbers = #tpu.dot_dimension_numbers<[1], [1], [0], [0], [0, 0, 1, 0], [], []>, transpose_lhs_hint = false} : vector<8x1024xf32>, vector<128x1024xf32>, vector<8x128xf32> -> vector<8x128xf32>
    %swap3A_117 = arith.constant 8 : index
    %swap3A_118 = arith.constant 0 : index
    %swap3A_119 = arith.constant 0 : index
    %swap3A_120 = vector.load %arg3[%swap3A_117, %swap3A_118, %swap3A_119] : memref<16x8x128xf32, #tpu.memory_space<vmem>>, vector<1x8x128xf32>
    %swap3A_121 = vector.shape_cast %swap3A_120 : vector<1x8x128xf32> to vector<8x128xf32>
    %swap3A_122 = vector.shape_cast %dot_general3A_116 : vector<8x128xf32> to vector<1x8x128xf32>
    tpu.vector_store %arg3[%swap3A_117, %swap3A_118, %swap3A_119], %swap3A_122 {strides = array<i32>} : memref<16x8x128xf32, #tpu.memory_space<vmem>>, vector<1x8x128xf32>,
    %get3A_123 = arith.constant 1152 : index
    %get3A_124 = arith.constant 0 : index
    %get3A_125 = vector.load %arg2[%get3A_123, %get3A_124] : memref<2048x1024xf32, #tpu.memory_space<vmem>>, vector<128x1024xf32>
    %get3A_126 = arith.constant 0 : index
    %get3A_127 = arith.constant 0 : index
    %get3A_128 = vector.load %arg1[%get3A_126, %get3A_127] : memref<8x1024xf32, #tpu.memory_space<vmem>>, vector<8x1024xf32>
    %dot_general3A_129 = arith.constant dense<0.000000e+00> : vector<8x128xf32>
    %dot_general3A_130 = tpu.matmul %get3A_128, %get3A_125, %dot_general3A_129 {dimension_numbers = #tpu.dot_dimension_numbers<[1], [1], [0], [0], [0, 0, 1, 0], [], []>, transpose_lhs_hint = false} : vector<8x1024xf32>, vector<128x1024xf32>, vector<8x128xf32> -> vector<8x128xf32>
    %swap3A_131 = arith.constant 9 : index
    %swap3A_132 = arith.constant 0 : index
    %swap3A_133 = arith.constant 0 : index
    %swap3A_134 = vector.load %arg3[%swap3A_131, %swap3A_132, %swap3A_133] : memref<16x8x128xf32, #tpu.memory_space<vmem>>, vector<1x8x128xf32>
    %swap3A_135 = vector.shape_cast %swap3A_134 : vector<1x8x128xf32> to vector<8x128xf32>
    %swap3A_136 = vector.shape_cast %dot_general3A_130 : vector<8x128xf32> to vector<1x8x128xf32>
    tpu.vector_store %arg3[%swap3A_131, %swap3A_132, %swap3A_133], %swap3A_136 {strides = array<i32>} : memref<16x8x128xf32, #tpu.memory_space<vmem>>, vector<1x8x128xf32>,
    %get3A_137 = arith.constant 1280 : index
    %get3A_138 = arith.constant 0 : index
    %get3A_139 = vector.load %arg2[%get3A_137, %get3A_138] : memref<2048x1024xf32, #tpu.memory_space<vmem>>, vector<128x1024xf32>
    %get3A_140 = arith.constant 0 : index
    %get3A_141 = arith.constant 0 : index
    %get3A_142 = vector.load %arg1[%get3A_140, %get3A_141] : memref<8x1024xf32, #tpu.memory_space<vmem>>, vector<8x1024xf32>
    %dot_general3A_143 = arith.constant dense<0.000000e+00> : vector<8x128xf32>
    %dot_general3A_144 = tpu.matmul %get3A_142, %get3A_139, %dot_general3A_143 {dimension_numbers = #tpu.dot_dimension_numbers<[1], [1], [0], [0], [0, 0, 1, 0], [], []>, transpose_lhs_hint = false} : vector<8x1024xf32>, vector<128x1024xf32>, vector<8x128xf32> -> vector<8x128xf32>
    %swap3A_145 = arith.constant 10 : index
    %swap3A_146 = arith.constant 0 : index
    %swap3A_147 = arith.constant 0 : index
    %swap3A_148 = vector.load %arg3[%swap3A_145, %swap3A_146, %swap3A_147] : memref<16x8x128xf32, #tpu.memory_space<vmem>>, vector<1x8x128xf32>
    %swap3A_149 = vector.shape_cast %swap3A_148 : vector<1x8x128xf32> to vector<8x128xf32>
    %swap3A_150 = vector.shape_cast %dot_general3A_144 : vector<8x128xf32> to vector<1x8x128xf32>
    tpu.vector_store %arg3[%swap3A_145, %swap3A_146, %swap3A_147], %swap3A_150 {strides = array<i32>} : memref<16x8x128xf32, #tpu.memory_space<vmem>>, vector<1x8x128xf32>,
    %get3A_151 = arith.constant 1408 : index
    %get3A_152 = arith.constant 0 : index
    %get3A_153 = vector.load %arg2[%get3A_151, %get3A_152] : memref<2048x1024xf32, #tpu.memory_space<vmem>>, vector<128x1024xf32>
    %get3A_154 = arith.constant 0 : index
    %get3A_155 = arith.constant 0 : index
    %get3A_156 = vector.load %arg1[%get3A_154, %get3A_155] : memref<8x1024xf32, #tpu.memory_space<vmem>>, vector<8x1024xf32>
    %dot_general3A_157 = arith.constant dense<0.000000e+00> : vector<8x128xf32>
    %dot_general3A_158 = tpu.matmul %get3A_156, %get3A_153, %dot_general3A_157 {dimension_numbers = #tpu.dot_dimension_numbers<[1], [1], [0], [0], [0, 0, 1, 0], [], []>, transpose_lhs_hint = false} : vector<8x1024xf32>, vector<128x1024xf32>, vector<8x128xf32> -> vector<8x128xf32>
    %swap3A_159 = arith.constant 11 : index
    %swap3A_160 = arith.constant 0 : index
    %swap3A_161 = arith.constant 0 : index
    %swap3A_162 = vector.load %arg3[%swap3A_159, %swap3A_160, %swap3A_161] : memref<16x8x128xf32, #tpu.memory_space<vmem>>, vector<1x8x128xf32>
    %swap3A_163 = vector.shape_cast %swap3A_162 : vector<1x8x128xf32> to vector<8x128xf32>
    %swap3A_164 = vector.shape_cast %dot_general3A_158 : vector<8x128xf32> to vector<1x8x128xf32>
    tpu.vector_store %arg3[%swap3A_159, %swap3A_160, %swap3A_161], %swap3A_164 {strides = array<i32>} : memref<16x8x128xf32, #tpu.memory_space<vmem>>, vector<1x8x128xf32>,
    %get3A_165 = arith.constant 1536 : index
    %get3A_166 = arith.constant 0 : index
    %get3A_167 = vector.load %arg2[%get3A_165, %get3A_166] : memref<2048x1024xf32, #tpu.memory_space<vmem>>, vector<128x1024xf32>
    %get3A_168 = arith.constant 0 : index
    %get3A_169 = arith.constant 0 : index
    %get3A_170 = vector.load %arg1[%get3A_168, %get3A_169] : memref<8x1024xf32, #tpu.memory_space<vmem>>, vector<8x1024xf32>
    %dot_general3A_171 = arith.constant dense<0.000000e+00> : vector<8x128xf32>
    %dot_general3A_172 = tpu.matmul %get3A_170, %get3A_167, %dot_general3A_171 {dimension_numbers = #tpu.dot_dimension_numbers<[1], [1], [0], [0], [0, 0, 1, 0], [], []>, transpose_lhs_hint = false} : vector<8x1024xf32>, vector<128x1024xf32>, vector<8x128xf32> -> vector<8x128xf32>
    %swap3A_173 = arith.constant 12 : index
    %swap3A_174 = arith.constant 0 : index
    %swap3A_175 = arith.constant 0 : index
    %swap3A_176 = vector.load %arg3[%swap3A_173, %swap3A_174, %swap3A_175] : memref<16x8x128xf32, #tpu.memory_space<vmem>>, vector<1x8x128xf32>
    %swap3A_177 = vector.shape_cast %swap3A_176 : vector<1x8x128xf32> to vector<8x128xf32>
    %swap3A_178 = vector.shape_cast %dot_general3A_172 : vector<8x128xf32> to vector<1x8x128xf32>
    tpu.vector_store %arg3[%swap3A_173, %swap3A_174, %swap3A_175], %swap3A_178 {strides = array<i32>} : memref<16x8x128xf32, #tpu.memory_space<vmem>>, vector<1x8x128xf32>,
    %get3A_179 = arith.constant 1664 : index
    %get3A_180 = arith.constant 0 : index
    %get3A_181 = vector.load %arg2[%get3A_179, %get3A_180] : memref<2048x1024xf32, #tpu.memory_space<vmem>>, vector<128x1024xf32>
    %get3A_182 = arith.constant 0 : index
    %get3A_183 = arith.constant 0 : index
    %get3A_184 = vector.load %arg1[%get3A_182, %get3A_183] : memref<8x1024xf32, #tpu.memory_space<vmem>>, vector<8x1024xf32>
    %dot_general3A_185 = arith.constant dense<0.000000e+00> : vector<8x128xf32>
    %dot_general3A_186 = tpu.matmul %get3A_184, %get3A_181, %dot_general3A_185 {dimension_numbers = #tpu.dot_dimension_numbers<[1], [1], [0], [0], [0, 0, 1, 0], [], []>, transpose_lhs_hint = false} : vector<8x1024xf32>, vector<128x1024xf32>, vector<8x128xf32> -> vector<8x128xf32>
    %swap3A_187 = arith.constant 13 : index
    %swap3A_188 = arith.constant 0 : index
    %swap3A_189 = arith.constant 0 : index
    %swap3A_190 = vector.load %arg3[%swap3A_187, %swap3A_188, %swap3A_189] : memref<16x8x128xf32, #tpu.memory_space<vmem>>, vector<1x8x128xf32>
    %swap3A_191 = vector.shape_cast %swap3A_190 : vector<1x8x128xf32> to vector<8x128xf32>
    %swap3A_192 = vector.shape_cast %dot_general3A_186 : vector<8x128xf32> to vector<1x8x128xf32>
    tpu.vector_store %arg3[%swap3A_187, %swap3A_188, %swap3A_189], %swap3A_192 {strides = array<i32>} : memref<16x8x128xf32, #tpu.memory_space<vmem>>, vector<1x8x128xf32>,
    %get3A_193 = arith.constant 1792 : index
    %get3A_194 = arith.constant 0 : index
    %get3A_195 = vector.load %arg2[%get3A_193, %get3A_194] : memref<2048x1024xf32, #tpu.memory_space<vmem>>, vector<128x1024xf32>
    %get3A_196 = arith.constant 0 : index
    %get3A_197 = arith.constant 0 : index
    %get3A_198 = vector.load %arg1[%get3A_196, %get3A_197] : memref<8x1024xf32, #tpu.memory_space<vmem>>, vector<8x1024xf32>
    %dot_general3A_199 = arith.constant dense<0.000000e+00> : vector<8x128xf32>
    %dot_general3A_200 = tpu.matmul %get3A_198, %get3A_195, %dot_general3A_199 {dimension_numbers = #tpu.dot_dimension_numbers<[1], [1], [0], [0], [0, 0, 1, 0], [], []>, transpose_lhs_hint = false} : vector<8x1024xf32>, vector<128x1024xf32>, vector<8x128xf32> -> vector<8x128xf32>
    %swap3A_201 = arith.constant 14 : index
    %swap3A_202 = arith.constant 0 : index
    %swap3A_203 = arith.constant 0 : index
    %swap3A_204 = vector.load %arg3[%swap3A_201, %swap3A_202, %swap3A_203] : memref<16x8x128xf32, #tpu.memory_space<vmem>>, vector<1x8x128xf32>
    %swap3A_205 = vector.shape_cast %swap3A_204 : vector<1x8x128xf32> to vector<8x128xf32>
    %swap3A_206 = vector.shape_cast %dot_general3A_200 : vector<8x128xf32> to vector<1x8x128xf32>
    tpu.vector_store %arg3[%swap3A_201, %swap3A_202, %swap3A_203], %swap3A_206 {strides = array<i32>} : memref<16x8x128xf32, #tpu.memory_space<vmem>>, vector<1x8x128xf32>,
    %get3A_207 = arith.constant 1920 : index
    %get3A_208 = arith.constant 0 : index
    %get3A_209 = vector.load %arg2[%get3A_207, %get3A_208] : memref<2048x1024xf32, #tpu.memory_space<vmem>>, vector<128x1024xf32>
    %get3A_210 = arith.constant 0 : index
    %get3A_211 = arith.constant 0 : index
    %get3A_212 = vector.load %arg1[%get3A_210, %get3A_211] : memref<8x1024xf32, #tpu.memory_space<vmem>>, vector<8x1024xf32>
    %dot_general3A_213 = arith.constant dense<0.000000e+00> : vector<8x128xf32>
    %dot_general3A_214 = tpu.matmul %get3A_212, %get3A_209, %dot_general3A_213 {dimension_numbers = #tpu.dot_dimension_numbers<[1], [1], [0], [0], [0, 0, 1, 0], [], []>, transpose_lhs_hint = false} : vector<8x1024xf32>, vector<128x1024xf32>, vector<8x128xf32> -> vector<8x128xf32>
    %swap3A_215 = arith.constant 15 : index
    %swap3A_216 = arith.constant 0 : index
    %swap3A_217 = arith.constant 0 : index
    %swap3A_218 = vector.load %arg3[%swap3A_215, %swap3A_216, %swap3A_217] : memref<16x8x128xf32, #tpu.memory_space<vmem>>, vector<1x8x128xf32>
    %swap3A_219 = vector.shape_cast %swap3A_218 : vector<1x8x128xf32> to vector<8x128xf32>
    %swap3A_220 = vector.shape_cast %dot_general3A_214 : vector<8x128xf32> to vector<1x8x128xf32>
    tpu.vector_store %arg3[%swap3A_215, %swap3A_216, %swap3A_217], %swap3A_220 {strides = array<i32>} : memref<16x8x128xf32, #tpu.memory_space<vmem>>, vector<1x8x128xf32>,
    return
  }
  func.func @transform_0(%arg0: i32) -> (i32, i32) {
    %c0_i32 = arith.constant 0 : i32
    %c0_i32_0 = arith.constant 0 : i32
    %c0_i32_1 = arith.constant 0 : i32
    return %c0_i32, %c0_i32_0 : i32, i32
  }
  func.func @transform_1(%arg0: i32) -> (i32, i32) {
    %c0_i32 = arith.constant 0 : i32
    %c0_i32_0 = arith.constant 0 : i32
    return %arg0, %c0_i32 : i32, i32
  }
  func.func @transform_2(%arg0: i32) -> (i32, i32, i32) {
    %c0_i32 = arith.constant 0 : i32
    %c0_i32_0 = arith.constant 0 : i32
    %c0_i32_1 = arith.constant 0 : i32
    return %arg0, %c0_i32, %c0_i32_0 : i32, i32, i32
  }
}

module attributes {stable_mosaic.version = 14 : i64} {
  func.func @_moe_body(%arg0: i32, %arg1: memref<256x1024xf32, #tpu.memory_space<vmem>>, %arg2: memref<2x4x128xf32, #tpu.memory_space<vmem>>, %arg3: memref<2816x1024xbf16, #tpu.memory_space<vmem>>, %arg4: memref<2816x1024xbf16, #tpu.memory_space<vmem>>, %arg5: memref<1024x2816xbf16, #tpu.memory_space<vmem>>, %arg6: memref<128x1024xbf16, #tpu.memory_space<vmem>>, %arg7: memref<128x1024xbf16, #tpu.memory_space<vmem>>, %arg8: memref<128x2816xbf16, #tpu.memory_space<vmem>>, %arg9: memref<128x2816xbf16, #tpu.memory_space<vmem>>, %arg10: memref<128x2816xbf16, #tpu.memory_space<vmem>>, %arg11: memref<128x1024xbf16, #tpu.memory_space<vmem>>, %arg12: memref<256x1024xf32, #tpu.memory_space<vmem>>) attributes {dimension_semantics = [#tpu.dimension_semantics<arbitrary>], iteration_bounds = array<i64: 16>, scalar_prefetch = 0 : i64, scratch_operands = 0 : i64, tpu.core_type = #tpu.core_type<tc>, window_params = [{transform_indices = @transform_0, window_bounds = array<i64: 256, 1024>}, {transform_indices = @transform_1, window_bounds = array<i64: 2, 4, 128>}, {pipeline_mode = #tpu.pipeline_mode<synchronous>, transform_indices = @transform_2, window_bounds = array<i64: 2816, 1024>}, {pipeline_mode = #tpu.pipeline_mode<synchronous>, transform_indices = @transform_3, window_bounds = array<i64: 2816, 1024>}, {pipeline_mode = #tpu.pipeline_mode<synchronous>, transform_indices = @transform_4, window_bounds = array<i64: 1024, 2816>}, {pipeline_mode = #tpu.pipeline_mode<synchronous>, transform_indices = @transform_5, window_bounds = array<i64: 128, 1024>}, {pipeline_mode = #tpu.pipeline_mode<synchronous>, transform_indices = @transform_6, window_bounds = array<i64: 128, 1024>}, {pipeline_mode = #tpu.pipeline_mode<synchronous>, transform_indices = @transform_7, window_bounds = array<i64: 128, 2816>}, {pipeline_mode = #tpu.pipeline_mode<synchronous>, transform_indices = @transform_8, window_bounds = array<i64: 128, 2816>}, {pipeline_mode = #tpu.pipeline_mode<synchronous>, transform_indices = @transform_9, window_bounds = array<i64: 128, 2816>}, {pipeline_mode = #tpu.pipeline_mode<synchronous>, transform_indices = @transform_10, window_bounds = array<i64: 128, 1024>}, {transform_indices = @transform_11, window_bounds = array<i64: 256, 1024>}]} {
    %get3A = arith.constant 0 : index
    %get3A_0 = arith.constant 0 : index
    %get3A_1 = vector.load %arg1[%get3A, %get3A_0] : memref<256x1024xf32, #tpu.memory_space<vmem>>, vector<256x1024xf32>
    %convert_element_type3A = arith.truncf %get3A_1 : vector<256x1024xf32> to vector<256x1024xbf16>
    %get3A_2 = arith.constant 0 : index
    %get3A_3 = arith.constant 0 : index
    %get3A_4 = arith.constant 0 : index
    %get3A_5 = vector.load %arg2[%get3A_2, %get3A_3, %get3A_4] : memref<2x4x128xf32, #tpu.memory_space<vmem>>, vector<1x4x128xf32>
    %get3A_6 = vector.shape_cast %get3A_5 : vector<1x4x128xf32> to vector<4x128xf32>
    %get3A_7 = arith.constant 1 : index
    %get3A_8 = arith.constant 0 : index
    %get3A_9 = arith.constant 0 : index
    %get3A_10 = vector.load %arg2[%get3A_7, %get3A_8, %get3A_9] : memref<2x4x128xf32, #tpu.memory_space<vmem>>, vector<1x4x128xf32>
    %get3A_11 = vector.shape_cast %get3A_10 : vector<1x4x128xf32> to vector<4x128xf32>
    %concatenate3A = tpu.concatenate %get3A_6, %get3A_11 in 1 : vector<4x128xf32>, vector<4x128xf32> -> vector<4x256xf32>
    %transpose3A = tpu.transpose %concatenate3A, [1, 0] : vector<4x256xf32> -> vector<256x4xf32>
    %slice3A = vector.extract_strided_slice %transpose3A {offsets = [0, 0], sizes = [256, 1], strides = [1, 1]} : vector<256x4xf32> to vector<256x1xf32>
    %convert_element_type3A_12 = arith.fptosi %slice3A : vector<256x1xf32> to vector<256x1xi32>
    %slice3A_13 = vector.extract_strided_slice %transpose3A {offsets = [0, 1], sizes = [256, 1], strides = [1, 1]} : vector<256x4xf32> to vector<256x1xf32>
    %convert_element_type3A_14 = arith.fptosi %slice3A_13 : vector<256x1xf32> to vector<256x1xi32>
    %slice3A_15 = vector.extract_strided_slice %transpose3A {offsets = [0, 2], sizes = [256, 1], strides = [1, 1]} : vector<256x4xf32> to vector<256x1xf32>
    %slice3A_16 = vector.extract_strided_slice %transpose3A {offsets = [0, 3], sizes = [256, 1], strides = [1, 1]} : vector<256x4xf32> to vector<256x1xf32>
    %iota3A = tpu.iota {dimensions = array<i32: 1>} : vector<256x128xi32>
    %jit3A = arith.constant 16 : i32
    %div3A = vector.broadcast %jit3A : i32 to vector<256x128xi32>
    %div3A_17 = arith.divsi %iota3A, %div3A : vector<256x128xi32>
    %sign3A = arith.constant 0 : i32
    %sign3A_18 = vector.broadcast %sign3A : i32 to vector<256x128xi32>
    %sign3A_19 = arith.cmpi sgt, %iota3A, %sign3A_18 : vector<256x128xi32>
    %sign3A_20 = arith.extui %sign3A_19 : vector<256x128xi1> to vector<256x128xi32>
    %sign3A_21 = arith.constant 0 : i32
    %sign3A_22 = vector.broadcast %sign3A_21 : i32 to vector<256x128xi32>
    %sign3A_23 = arith.cmpi slt, %iota3A, %sign3A_22 : vector<256x128xi32>
    %sign3A_24 = arith.extui %sign3A_23 : vector<256x128xi1> to vector<256x128xi32>
    %sign3A_25 = arith.subi %sign3A_20, %sign3A_24 : vector<256x128xi32>
    %sign3A_26 = arith.constant 0 : i32
    %sign3A_27 = arith.cmpi sgt, %jit3A, %sign3A_26 : i32
    %sign3A_28 = arith.extui %sign3A_27 : i1 to i32
    %sign3A_29 = arith.constant 0 : i32
    %sign3A_30 = arith.cmpi slt, %jit3A, %sign3A_29 : i32
    %sign3A_31 = arith.extui %sign3A_30 : i1 to i32
    %sign3A_32 = arith.subi %sign3A_28, %sign3A_31 : i32
    %ne3A = vector.broadcast %sign3A_32 : i32 to vector<256x128xi32>
    %ne3A_33 = arith.cmpi ne, %sign3A_25, %ne3A : vector<256x128xi32>
    %rem3A = vector.broadcast %jit3A : i32 to vector<256x128xi32>
    %rem3A_34 = arith.remsi %iota3A, %rem3A : vector<256x128xi32>
    %ne3A_35 = arith.constant 0 : i32
    %ne3A_36 = vector.broadcast %ne3A_35 : i32 to vector<256x128xi32>
    %ne3A_37 = arith.cmpi ne, %rem3A_34, %ne3A_36 : vector<256x128xi32>
    %and3A = arith.andi %ne3A_33, %ne3A_37 : vector<256x128xi1>
    %sub3A = arith.constant 1 : i32
    %sub3A_38 = vector.broadcast %sub3A : i32 to vector<256x128xi32>
    %sub3A_39 = arith.subi %div3A_17, %sub3A_38 : vector<256x128xi32>
    %select_n3A = arith.select %and3A, %sub3A_39, %div3A_17 : vector<256x128xi1>, vector<256x128xi32>
    %eq3A = vector.broadcast %convert_element_type3A_12 : vector<256x1xi32> to vector<256x128xi32>
    %eq3A_40 = arith.cmpi eq, %select_n3A, %eq3A : vector<256x128xi32>
    %convert_element_type3A_41 = arith.extui %eq3A_40 : vector<256x128xi1> to vector<256x128xi32>
    %convert_element_type3A_42 = arith.sitofp %convert_element_type3A_41 : vector<256x128xi32> to vector<256x128xf32>
    %convert_element_type3A_43 = arith.truncf %convert_element_type3A_42 : vector<256x128xf32> to vector<256x128xbf16>
    %eq3A_44 = vector.broadcast %convert_element_type3A_14 : vector<256x1xi32> to vector<256x128xi32>
    %eq3A_45 = arith.cmpi eq, %select_n3A, %eq3A_44 : vector<256x128xi32>
    %convert_element_type3A_46 = arith.extui %eq3A_45 : vector<256x128xi1> to vector<256x128xi32>
    %convert_element_type3A_47 = arith.sitofp %convert_element_type3A_46 : vector<256x128xi32> to vector<256x128xf32>
    %convert_element_type3A_48 = arith.truncf %convert_element_type3A_47 : vector<256x128xf32> to vector<256x128xbf16>
    %get3A_49 = arith.constant 0 : index
    %get3A_50 = arith.constant 0 : index
    %get3A_51 = vector.load %arg3[%get3A_49, %get3A_50] : memref<2816x1024xbf16, #tpu.memory_space<vmem>>, vector<2816x1024xbf16>
    %dot_general3A = arith.constant dense<0.000000e+00> : vector<256x2816xf32>
    %dot_general3A_52 = tpu.matmul %convert_element_type3A, %get3A_51, %dot_general3A {dimension_numbers = #tpu.dot_dimension_numbers<[1], [1], [0], [0], [0, 0, 1, 0], [], []>, transpose_lhs_hint = false} : vector<256x1024xbf16>, vector<2816x1024xbf16>, vector<256x2816xf32> -> vector<256x2816xf32>
    %get3A_53 = arith.constant 0 : index
    %get3A_54 = arith.constant 0 : index
    %get3A_55 = vector.load %arg4[%get3A_53, %get3A_54] : memref<2816x1024xbf16, #tpu.memory_space<vmem>>, vector<2816x1024xbf16>
    %dot_general3A_56 = arith.constant dense<0.000000e+00> : vector<256x2816xf32>
    %dot_general3A_57 = tpu.matmul %convert_element_type3A, %get3A_55, %dot_general3A_56 {dimension_numbers = #tpu.dot_dimension_numbers<[1], [1], [0], [0], [0, 0, 1, 0], [], []>, transpose_lhs_hint = false} : vector<256x1024xbf16>, vector<2816x1024xbf16>, vector<256x2816xf32> -> vector<256x2816xf32>
    %get3A_58 = arith.constant 0 : index
    %get3A_59 = arith.constant 0 : index
    %get3A_60 = vector.load %arg6[%get3A_58, %get3A_59] : memref<128x1024xbf16, #tpu.memory_space<vmem>>, vector<128x1024xbf16>
    %dot_general3A_61 = arith.constant dense<0.000000e+00> : vector<256x128xf32>
    %dot_general3A_62 = tpu.matmul %convert_element_type3A, %get3A_60, %dot_general3A_61 {dimension_numbers = #tpu.dot_dimension_numbers<[1], [1], [0], [0], [0, 0, 1, 0], [], []>, transpose_lhs_hint = false} : vector<256x1024xbf16>, vector<128x1024xbf16>, vector<256x128xf32> -> vector<256x128xf32>
    %convert_element_type3A_63 = arith.truncf %dot_general3A_62 : vector<256x128xf32> to vector<256x128xbf16>
    %get3A_64 = arith.constant 0 : index
    %get3A_65 = arith.constant 0 : index
    %get3A_66 = vector.load %arg7[%get3A_64, %get3A_65] : memref<128x1024xbf16, #tpu.memory_space<vmem>>, vector<128x1024xbf16>
    %dot_general3A_67 = arith.constant dense<0.000000e+00> : vector<256x128xf32>
    %dot_general3A_68 = tpu.matmul %convert_element_type3A, %get3A_66, %dot_general3A_67 {dimension_numbers = #tpu.dot_dimension_numbers<[1], [1], [0], [0], [0, 0, 1, 0], [], []>, transpose_lhs_hint = false} : vector<256x1024xbf16>, vector<128x1024xbf16>, vector<256x128xf32> -> vector<256x128xf32>
    %convert_element_type3A_69 = arith.truncf %dot_general3A_68 : vector<256x128xf32> to vector<256x128xbf16>
    %mul3A = arith.mulf %convert_element_type3A_63, %convert_element_type3A_43 : vector<256x128xbf16>
    %mul3A_70 = arith.mulf %convert_element_type3A_63, %convert_element_type3A_48 : vector<256x128xbf16>
    %concatenate3A_71 = tpu.concatenate %mul3A, %mul3A_70 in 0 : vector<256x128xbf16>, vector<256x128xbf16> -> vector<512x128xbf16>
    %mul3A_72 = arith.mulf %convert_element_type3A_69, %convert_element_type3A_43 : vector<256x128xbf16>
    %mul3A_73 = arith.mulf %convert_element_type3A_69, %convert_element_type3A_48 : vector<256x128xbf16>
    %concatenate3A_74 = tpu.concatenate %mul3A_72, %mul3A_73 in 0 : vector<256x128xbf16>, vector<256x128xbf16> -> vector<512x128xbf16>
    %get3A_75 = arith.constant 0 : index
    %get3A_76 = arith.constant 0 : index
    %get3A_77 = vector.load %arg8[%get3A_75, %get3A_76] : memref<128x2816xbf16, #tpu.memory_space<vmem>>, vector<128x2816xbf16>
    %dot_general3A_78 = arith.constant dense<0.000000e+00> : vector<512x2816xf32>
    %dot_general3A_79 = tpu.matmul %concatenate3A_71, %get3A_77, %dot_general3A_78 {dimension_numbers = #tpu.dot_dimension_numbers<[1], [0], [0], [1], [0, 0, 1, 1], [], []>, transpose_lhs_hint = false} : vector<512x128xbf16>, vector<128x2816xbf16>, vector<512x2816xf32> -> vector<512x2816xf32>
    %get3A_80 = arith.constant 0 : index
    %get3A_81 = arith.constant 0 : index
    %get3A_82 = vector.load %arg9[%get3A_80, %get3A_81] : memref<128x2816xbf16, #tpu.memory_space<vmem>>, vector<128x2816xbf16>
    %dot_general3A_83 = arith.constant dense<0.000000e+00> : vector<512x2816xf32>
    %dot_general3A_84 = tpu.matmul %concatenate3A_74, %get3A_82, %dot_general3A_83 {dimension_numbers = #tpu.dot_dimension_numbers<[1], [0], [0], [1], [0, 0, 1, 1], [], []>, transpose_lhs_hint = false} : vector<512x128xbf16>, vector<128x2816xbf16>, vector<512x2816xf32> -> vector<512x2816xf32>
    %slice3A_85 = vector.extract_strided_slice %dot_general3A_79 {offsets = [0, 0], sizes = [256, 2816], strides = [1, 1]} : vector<512x2816xf32> to vector<256x2816xf32>
    %mul3A_86 = arith.constant 2.000000e+00 : f32
    %mul3A_87 = vector.broadcast %mul3A_86 : f32 to vector<256x2816xf32>
    %mul3A_88 = arith.mulf %mul3A_87, %slice3A_85 : vector<256x2816xf32>
    %add3A = arith.addf %dot_general3A_52, %mul3A_88 : vector<256x2816xf32>
    %convert_element_type3A_89 = arith.truncf %add3A : vector<256x2816xf32> to vector<256x2816xbf16>
    %slice3A_90 = vector.extract_strided_slice %dot_general3A_84 {offsets = [0, 0], sizes = [256, 2816], strides = [1, 1]} : vector<512x2816xf32> to vector<256x2816xf32>
    %mul3A_91 = arith.constant 2.000000e+00 : f32
    %mul3A_92 = vector.broadcast %mul3A_91 : f32 to vector<256x2816xf32>
    %mul3A_93 = arith.mulf %mul3A_92, %slice3A_90 : vector<256x2816xf32>
    %add3A_94 = arith.addf %dot_general3A_57, %mul3A_93 : vector<256x2816xf32>
    %convert_element_type3A_95 = arith.truncf %add3A_94 : vector<256x2816xf32> to vector<256x2816xbf16>
    %logistic3A = arith.negf %convert_element_type3A_89 : vector<256x2816xbf16>
    %logistic3A_96 = math.exp %logistic3A : vector<256x2816xbf16>
    %logistic3A_97 = arith.constant 1.000000e+00 : bf16
    %logistic3A_98 = vector.broadcast %logistic3A_97 : bf16 to vector<256x2816xbf16>
    %logistic3A_99 = arith.addf %logistic3A_98, %logistic3A_96 : vector<256x2816xbf16>
    %logistic3A_100 = arith.divf %logistic3A_98, %logistic3A_99 : vector<256x2816xbf16>
    %mul3A_101 = arith.mulf %convert_element_type3A_89, %logistic3A_100 : vector<256x2816xbf16>
    %mul3A_102 = arith.mulf %mul3A_101, %convert_element_type3A_95 : vector<256x2816xbf16>
    %convert_element_type3A_103 = arith.truncf %slice3A_15 : vector<256x1xf32> to vector<256x1xbf16>
    %mul3A_104 = vector.broadcast %convert_element_type3A_103 : vector<256x1xbf16> to vector<256x2816xbf16>
    %mul3A_105 = arith.mulf %mul3A_102, %mul3A_104 : vector<256x2816xbf16>
    %get3A_106 = arith.constant 0 : index
    %get3A_107 = arith.constant 0 : index
    %get3A_108 = vector.load %arg10[%get3A_106, %get3A_107] : memref<128x2816xbf16, #tpu.memory_space<vmem>>, vector<128x2816xbf16>
    %dot_general3A_109 = arith.constant dense<0.000000e+00> : vector<256x128xf32>
    %dot_general3A_110 = tpu.matmul %mul3A_105, %get3A_108, %dot_general3A_109 {dimension_numbers = #tpu.dot_dimension_numbers<[1], [1], [0], [0], [0, 0, 1, 0], [], []>, transpose_lhs_hint = false} : vector<256x2816xbf16>, vector<128x2816xbf16>, vector<256x128xf32> -> vector<256x128xf32>
    %convert_element_type3A_111 = arith.extf %convert_element_type3A_43 : vector<256x128xbf16> to vector<256x128xf32>
    %mul3A_112 = arith.mulf %dot_general3A_110, %convert_element_type3A_111 : vector<256x128xf32>
    %convert_element_type3A_113 = arith.truncf %mul3A_112 : vector<256x128xf32> to vector<256x128xbf16>
    %slice3A_114 = vector.extract_strided_slice %dot_general3A_79 {offsets = [256, 0], sizes = [256, 2816], strides = [1, 1]} : vector<512x2816xf32> to vector<256x2816xf32>
    %mul3A_115 = arith.constant 2.000000e+00 : f32
    %mul3A_116 = vector.broadcast %mul3A_115 : f32 to vector<256x2816xf32>
    %mul3A_117 = arith.mulf %mul3A_116, %slice3A_114 : vector<256x2816xf32>
    %add3A_118 = arith.addf %dot_general3A_52, %mul3A_117 : vector<256x2816xf32>
    %convert_element_type3A_119 = arith.truncf %add3A_118 : vector<256x2816xf32> to vector<256x2816xbf16>
    %slice3A_120 = vector.extract_strided_slice %dot_general3A_84 {offsets = [256, 0], sizes = [256, 2816], strides = [1, 1]} : vector<512x2816xf32> to vector<256x2816xf32>
    %mul3A_121 = arith.constant 2.000000e+00 : f32
    %mul3A_122 = vector.broadcast %mul3A_121 : f32 to vector<256x2816xf32>
    %mul3A_123 = arith.mulf %mul3A_122, %slice3A_120 : vector<256x2816xf32>
    %add3A_124 = arith.addf %dot_general3A_57, %mul3A_123 : vector<256x2816xf32>
    %convert_element_type3A_125 = arith.truncf %add3A_124 : vector<256x2816xf32> to vector<256x2816xbf16>
    %logistic3A_126 = arith.negf %convert_element_type3A_119 : vector<256x2816xbf16>
    %logistic3A_127 = math.exp %logistic3A_126 : vector<256x2816xbf16>
    %logistic3A_128 = arith.constant 1.000000e+00 : bf16
    %logistic3A_129 = vector.broadcast %logistic3A_128 : bf16 to vector<256x2816xbf16>
    %logistic3A_130 = arith.addf %logistic3A_129, %logistic3A_127 : vector<256x2816xbf16>
    %logistic3A_131 = arith.divf %logistic3A_129, %logistic3A_130 : vector<256x2816xbf16>
    %mul3A_132 = arith.mulf %convert_element_type3A_119, %logistic3A_131 : vector<256x2816xbf16>
    %mul3A_133 = arith.mulf %mul3A_132, %convert_element_type3A_125 : vector<256x2816xbf16>
    %convert_element_type3A_134 = arith.truncf %slice3A_16 : vector<256x1xf32> to vector<256x1xbf16>
    %mul3A_135 = vector.broadcast %convert_element_type3A_134 : vector<256x1xbf16> to vector<256x2816xbf16>
    %mul3A_136 = arith.mulf %mul3A_133, %mul3A_135 : vector<256x2816xbf16>
    %get3A_137 = arith.constant 0 : index
    %get3A_138 = arith.constant 0 : index
    %get3A_139 = vector.load %arg10[%get3A_137, %get3A_138] : memref<128x2816xbf16, #tpu.memory_space<vmem>>, vector<128x2816xbf16>
    %dot_general3A_140 = arith.constant dense<0.000000e+00> : vector<256x128xf32>
    %dot_general3A_141 = tpu.matmul %mul3A_136, %get3A_139, %dot_general3A_140 {dimension_numbers = #tpu.dot_dimension_numbers<[1], [1], [0], [0], [0, 0, 1, 0], [], []>, transpose_lhs_hint = false} : vector<256x2816xbf16>, vector<128x2816xbf16>, vector<256x128xf32> -> vector<256x128xf32>
    %convert_element_type3A_142 = arith.extf %convert_element_type3A_48 : vector<256x128xbf16> to vector<256x128xf32>
    %mul3A_143 = arith.mulf %dot_general3A_141, %convert_element_type3A_142 : vector<256x128xf32>
    %convert_element_type3A_144 = arith.truncf %mul3A_143 : vector<256x128xf32> to vector<256x128xbf16>
    %add3A_145 = arith.addf %mul3A_105, %mul3A_136 : vector<256x2816xbf16>
    %get3A_146 = arith.constant 0 : index
    %get3A_147 = arith.constant 0 : index
    %get3A_148 = vector.load %arg5[%get3A_146, %get3A_147] : memref<1024x2816xbf16, #tpu.memory_space<vmem>>, vector<1024x2816xbf16>
    %dot_general3A_149 = arith.constant dense<0.000000e+00> : vector<256x1024xf32>
    %dot_general3A_150 = tpu.matmul %add3A_145, %get3A_148, %dot_general3A_149 {dimension_numbers = #tpu.dot_dimension_numbers<[1], [1], [0], [0], [0, 0, 1, 0], [], []>, transpose_lhs_hint = false} : vector<256x2816xbf16>, vector<1024x2816xbf16>, vector<256x1024xf32> -> vector<256x1024xf32>
    %add3A_151 = arith.addf %convert_element_type3A_113, %convert_element_type3A_144 : vector<256x128xbf16>
    %get3A_152 = arith.constant 0 : index
    %get3A_153 = arith.constant 0 : index
    %get3A_154 = vector.load %arg11[%get3A_152, %get3A_153] : memref<128x1024xbf16, #tpu.memory_space<vmem>>, vector<128x1024xbf16>
    %dot_general3A_155 = arith.constant dense<0.000000e+00> : vector<256x1024xf32>
    %dot_general3A_156 = tpu.matmul %add3A_151, %get3A_154, %dot_general3A_155 {dimension_numbers = #tpu.dot_dimension_numbers<[1], [0], [0], [1], [0, 0, 1, 1], [], []>, transpose_lhs_hint = false} : vector<256x128xbf16>, vector<128x1024xbf16>, vector<256x1024xf32> -> vector<256x1024xf32>
    %mul3A_157 = arith.constant 2.000000e+00 : f32
    %mul3A_158 = vector.broadcast %mul3A_157 : f32 to vector<256x1024xf32>
    %mul3A_159 = arith.mulf %mul3A_158, %dot_general3A_156 : vector<256x1024xf32>
    %add3A_160 = arith.addf %dot_general3A_150, %mul3A_159 : vector<256x1024xf32>
    %swap3A = arith.constant 0 : index
    %swap3A_161 = arith.constant 0 : index
    %swap3A_162 = vector.load %arg12[%swap3A, %swap3A_161] : memref<256x1024xf32, #tpu.memory_space<vmem>>, vector<256x1024xf32>
    tpu.vector_store %arg12[%swap3A, %swap3A_161], %add3A_160 {strides = array<i32>} : memref<256x1024xf32, #tpu.memory_space<vmem>>, vector<256x1024xf32>,
    return
  }
  func.func @transform_0(%arg0: i32) -> (i32, i32) {
    %c0_i32 = arith.constant 0 : i32
    %c0_i32_0 = arith.constant 0 : i32
    return %arg0, %c0_i32 : i32, i32
  }
  func.func @transform_1(%arg0: i32) -> (i32, i32, i32) {
    %c0_i32 = arith.constant 0 : i32
    %c0_i32_0 = arith.constant 0 : i32
    %c0_i32_1 = arith.constant 0 : i32
    return %arg0, %c0_i32, %c0_i32_0 : i32, i32, i32
  }
  func.func @transform_2(%arg0: i32) -> (i32, i32) {
    %c0_i32 = arith.constant 0 : i32
    %c0_i32_0 = arith.constant 0 : i32
    %c0_i32_1 = arith.constant 0 : i32
    return %c0_i32, %c0_i32_0 : i32, i32
  }
  func.func @transform_3(%arg0: i32) -> (i32, i32) {
    %c0_i32 = arith.constant 0 : i32
    %c0_i32_0 = arith.constant 0 : i32
    %c0_i32_1 = arith.constant 0 : i32
    return %c0_i32, %c0_i32_0 : i32, i32
  }
  func.func @transform_4(%arg0: i32) -> (i32, i32) {
    %c0_i32 = arith.constant 0 : i32
    %c0_i32_0 = arith.constant 0 : i32
    %c0_i32_1 = arith.constant 0 : i32
    return %c0_i32, %c0_i32_0 : i32, i32
  }
  func.func @transform_5(%arg0: i32) -> (i32, i32) {
    %c0_i32 = arith.constant 0 : i32
    %c0_i32_0 = arith.constant 0 : i32
    %c0_i32_1 = arith.constant 0 : i32
    return %c0_i32, %c0_i32_0 : i32, i32
  }
  func.func @transform_6(%arg0: i32) -> (i32, i32) {
    %c0_i32 = arith.constant 0 : i32
    %c0_i32_0 = arith.constant 0 : i32
    %c0_i32_1 = arith.constant 0 : i32
    return %c0_i32, %c0_i32_0 : i32, i32
  }
  func.func @transform_7(%arg0: i32) -> (i32, i32) {
    %c0_i32 = arith.constant 0 : i32
    %c0_i32_0 = arith.constant 0 : i32
    %c0_i32_1 = arith.constant 0 : i32
    return %c0_i32, %c0_i32_0 : i32, i32
  }
  func.func @transform_8(%arg0: i32) -> (i32, i32) {
    %c0_i32 = arith.constant 0 : i32
    %c0_i32_0 = arith.constant 0 : i32
    %c0_i32_1 = arith.constant 0 : i32
    return %c0_i32, %c0_i32_0 : i32, i32
  }
  func.func @transform_9(%arg0: i32) -> (i32, i32) {
    %c0_i32 = arith.constant 0 : i32
    %c0_i32_0 = arith.constant 0 : i32
    %c0_i32_1 = arith.constant 0 : i32
    return %c0_i32, %c0_i32_0 : i32, i32
  }
  func.func @transform_10(%arg0: i32) -> (i32, i32) {
    %c0_i32 = arith.constant 0 : i32
    %c0_i32_0 = arith.constant 0 : i32
    %c0_i32_1 = arith.constant 0 : i32
    return %c0_i32, %c0_i32_0 : i32, i32
  }
  func.func @transform_11(%arg0: i32) -> (i32, i32) {
    %c0_i32 = arith.constant 0 : i32
    %c0_i32_0 = arith.constant 0 : i32
    return %arg0, %c0_i32 : i32, i32
  }
}

</mosaic_0001>

<sc_bundles>
// kernel: _run.5.cloned.1.call-start
scs
__scs_entry_jumppad:
0x0: {  	(pc) =	sbr.rel $0x88, $3  }
0x1: {  	(tag) =	ssettag $0x0;
	lr =	simm.s32 $0x1  }
0x2: {  	[smem:$0x3F96] =	sst lr;
	_ =	strace $0xD0000000  }
0x3: {  	_ = 	snop  }
0x4: {  	_ = 	snop  }
0x5: {  	_ = 	snop  }
0x6: {  	_ = 	snop  }
0x7: {  	_ = 	snop  }
__scs_overlays_trampoline_lowered:
0x8: {  	[smem:$0x3FA5] =	sst s0  }
0x9: {  	[smem:$0x3FA6] =	sst s1  }
0xa: {  	[smem:$0x3FA7] =	sst s2  }
0xb: {  	[smem:$0x3FA8] =	sst s3  }
0xc: {  	[smem:$0x3FA9] =	sst s4  }
0xd: {  	[smem:$0x3FAA] =	sst s5  }
0xe: {  	[smem:$0x3FAB] =	sst s6  }
0xf: {  	[smem:$0x3FAC] =	sst s7  }
0x10: {  	[smem:$0x3FAD] =	sst s8  }
0x11: {  	[smem:$0x3FAE] =	sst s9;
	s0 =	simm.s32 @!p0 $0x0  }
0x12: {  	s1 =	sld [smem:$0x3F94];
	s0 =	simm.s32 @p0 $0x1  }
0x13: {  	[smem:$0x3FAF] =	sst s0;
	s0 =	simm.s32 @!p1 $0x0  }
0x14: {  	s2 =	sld [smem:$0x3F93];
	s0 =	simm.s32 @p1 $0x1  }
0x15: {  	[smem:$0x3FB0] =	sst s0;
	s0 =	simm.s32 @!p2 $0x0  }
0x16: {  	s3 =	sld [smem:$0x3FDB];
	s0 =	simm.s32 @p2 $0x1  }
0x17: {  	s4 =	simm.s32 $0x1BF5;
	[smem:$0x3FB2] =	sst s0  }
0x18: {  	s0 =	sld [smem:$0x3F95];
	_ =	swait.ge [sflag:s4], $0x0  }
0x19: {  	s7 =	sld [smem:$0x3F96]  }
0x1a: {  	s8 =	sadd.s32 $0xFFFFE003, lr  }
0x1b: {  	s9 =	sadd.s32 $0xFFFFFEF7, lr;
	s5 =	simm.s32 $0xFFFFFFFF;
	p2 =	slt.u32 s8, $0xFFFFF086  }
0x1c: {  	p1 =	slt.u32 s9, $0xF7A;
	s5 =	simm.s32 @!p2 $0x0  }
0x1d: {  	s5 =	simm.s32 @p1 $0x1;
	p0 =	seq.s32 s7, s2  }
0x1e: {  	s7 =	smul.u32 @!p0 $0xF7A, s2;
	p2 =	seq.s32 @!p0 s5, $0x0  }
0x1f: {  	s9 =	smul.u32 $0xF7A, s1;
	s8 =	simm.s32 @!p0 $0x1BF5;
	p2 =	por !p2, p0  }
0x20: {  	[sflag:s8] =	ssyncset.s32 @!p0 $0xFFFFF086;
	s6 =	sadd.s32 @!p0 s3, s7;
	s7 =	simm.s32 @!p0 $0x108  }
0x21: {  	s3 =	sadd.s32 s3, s9;
	s6 =	sadd.s32 @!p0 $0x88, s6;
	s7 =	simm.s32 @p2 $0x1082  }
0x22: {  	[simem:s7], [sflag:s8] =	dma.local @!p0 [hbm:s6], $0xF7A  }
0x23: {  	s9 =	sor.u32 $0xD0000000, s2;
	s6 =	simm.s32 $0x108;
	_ =	swait.ge @!p0 [sflag:s8], $0x0  }
0x24: {  	s3 =	sadd.s32 $0x88, s3;
	s6 =	simm.s32 @!p1 $0x1082;
	[sflag:s4] =	ssyncset.s32 $0xFFFFF086  }
0x25: {  	[simem:s6], [sflag:s4] =	dma.local [hbm:s3], $0xF7A  }
0x26: {  	[smem:$0x3F96] =	sst s1;
	(tag) =	ssettag s2;
	_ =	strace s9  }
0x27: {  	s1 =	sld [smem:$0x3FA6]  }
0x28: {  	s2 =	sld [smem:$0x3FA7]  }
0x29: {  	s4 =	sld [smem:$0x3FA9]  }
0x2a: {  	p0 =	seq.s32 s5, $0x0;
	s5 =	sld [smem:$0x3FAA]  }
0x2b: {  	s6 =	sld [smem:$0x3FAB]  }
0x2c: {  	s7 =	sld [smem:$0x3FAC]  }
0x2d: {  	s3 =	simm.s32 $0x108;
	s8 =	sld [smem:$0x3FAD]  }
0x2e: {  	s3 =	simm.s32 @!p0 $0x1082;
	s9 =	sld [smem:$0x3FAE]  }
0x2f: {  	lr =	sadd.s32 s0, s3;
	s0 =	sld [smem:$0x3FA5]  }
0x30: {  	s3 =	sld [smem:$0x3FA8]  }
0x31: {  	[smem:$0x3FB1] =	sst s10  }
0x32: {  	s10 =	sld [smem:$0x3FAF];
	_ =	sdelay $0x3  }
0x33: {  	p0 =	seq.s32 s10, $0x1;
	s10 =	sld [smem:$0x3FB1];
	_ =	sdelay $0x3  }
0x34: {  	[smem:$0x3FB1] =	sst s10  }
0x35: {  	s10 =	sld [smem:$0x3FB0];
	_ =	sdelay $0x3  }
0x36: {  	p1 =	seq.s32 s10, $0x1;
	s10 =	sld [smem:$0x3FB1];
	_ =	sdelay $0x3  }
0x37: {  	[smem:$0x3FB1] =	sst s10  }
0x38: {  	s10 =	sld [smem:$0x3FB2]  }
0x39: {  	_ = 	snop;
	(pc) =	sbr.ind lr, $3  }
0x3a: {  	_ = 	snop  }
0x3b: {  	_ = 	snop  }
0x3c: {  	p2 =	seq.s32 s10, $0x1;
	s10 =	sld [smem:$0x3FB1]  }
0x3d: {  	_ =	shalt  }
0x3e: {  	_ =	shalt  }
0x3f: {  	_ =	shalt  }
0x40: {  	_ =	shalt  }
0x41: {  	_ =	shalt  }
0x42: {  	_ =	shalt  }
0x43: {  	_ =	shalt  }
0x44: {  	_ =	shalt  }
0x45: {  	_ =	shalt  }
0x46: {  	_ =	shalt  }
0x47: {  	_ =	shalt  }
0x48: {  	_ =	shalt  }
0x49: {  	_ =	shalt  }
0x4a: {  	_ =	shalt  }
0x4b: {  	_ =	shalt  }
0x4c: {  	_ =	shalt  }
0x4d: {  	_ =	shalt  }
0x4e: {  	_ =	shalt  }
0x4f: {  	_ =	shalt  }
0x50: {  	_ =	shalt  }
0x51: {  	_ =	shalt  }
0x52: {  	_ =	shalt  }
0x53: {  	_ =	shalt  }
0x54: {  	_ =	shalt  }
0x55: {  	_ =	shalt  }
0x56: {  	_ =	shalt  }
0x57: {  	_ =	shalt  }
0x58: {  	_ =	shalt  }
0x59: {  	_ =	shalt  }
0x5a: {  	_ =	shalt  }
0x5b: {  	_ =	shalt  }
0x5c: {  	_ =	shalt  }
0x5d: {  	_ =	shalt  }
0x5e: {  	_ =	shalt  }
0x5f: {  	_ =	shalt  }
0x60: {  	_ =	shalt  }
0x61: {  	_ =	shalt  }
0x62: {  	_ =	shalt  }
0x63: {  	_ =	shalt  }
0x64: {  	_ =	shalt  }
0x65: {  	_ =	shalt  }
0x66: {  	_ =	shalt  }
0x67: {  	_ =	shalt  }
0x68: {  	_ =	shalt  }
0x69: {  	_ =	shalt  }
0x6a: {  	_ =	shalt  }
0x6b: {  	_ =	shalt  }
0x6c: {  	_ =	shalt  }
0x6d: {  	_ =	shalt  }
0x6e: {  	_ =	shalt  }
0x6f: {  	_ =	shalt  }
0x70: {  	_ =	shalt  }
0x71: {  	_ =	shalt  }
0x72: {  	_ =	shalt  }
0x73: {  	_ =	shalt  }
0x74: {  	_ =	shalt  }
0x75: {  	_ =	shalt  }
0x76: {  	_ =	shalt  }
0x77: {  	_ =	shalt  }
0x78: {  	_ =	shalt  }
0x79: {  	_ =	shalt  }
0x7a: {  	_ =	shalt  }
0x7b: {  	_ =	shalt  }
0x7c: {  	_ =	shalt  }
0x7d: {  	_ =	shalt  }
0x7e: {  	_ =	shalt  }
0x7f: {  	_ =	shalt  }
0x80: {  	_ =	shalt  }
0x81: {  	_ =	shalt  }
0x82: {  	_ =	shalt  }
0x83: {  	_ =	shalt  }
0x84: {  	_ =	shalt  }
0x85: {  	_ =	shalt  }
0x86: {  	_ =	shalt  }
0x87: {  	_ =	shalt  }
.Lfunc_end0:
.L_simem_size_0:
called_computation_lowered:
.L_overlay_start_0:
0x88: {  	s2 =	sld [smem:$0x3FD9]  }
0x89: {  	s3 =	sld [smem:$0x3FFE];
	_ =	sdelay $0x1  }
0x8a: {  	s1 =	srdreg.scid  }
0x8b: {  	s0 =	sand.u32 $0x1, s1  }
0x8c: {  	s17 =	sshll.u32 s0, $0xA;
	s2 =	sadd.s32 s3, s2  }
0x8d: {  	s2 =	sadd.s32 s2, s17  }
0x8e: {  	[smem:$0x3FBD] =	sst s2  }
0x8f: {  	_ = 	snop  }
0x90: {  	s2 =	sld [smem:$0x3FD0];
	(tm) =	ssettm $0x1  }
0x91: {  	s18 =	sld [smem:$0x3FFB];
	_ =	sdelay $0x3  }
0x92: {  	_ =	strace s18  }
0x93: {  	s3 =	sld [smem:$0x3FFC];
	_ =	sdelay $0x3  }
0x94: {  	_ =	strace s3  }
0x95: {  	s3 =	sld [smem:$0x3FFD];
	_ =	sdelay $0x3  }
0x96: {  	_ =	strace s3  }
0x97: {  	_ =	strace $0x8FFFFFFF  }
0x98: {  	s19 =	sld [smem:$0x3FDB];
	_ =	sdelay $0x1  }
0x99: {  	s4 =	simm.s32 $_scs_section_size  }
0x9a: {  	s5 =	simm.s32 $_size__tile_overlayer_lowered;
	s6 =	simm.s32 $_tile_overlayer_lowered  }
0x9b: {  	s22 =	simm.s32 $0x1BFF;
	s21 =	sshll.u32 s6, $0x1;
	s3 =	sadd.s32 s4, s19  }
0x9c: {  	s7 =	simm.s32 $0x0;
	s20 =	sshll.u32 s5, $0x1;
	s5 =	sadd.s32 s21, s3  }
0x9d: {  	[timem:s7], [sflag:s22] =	dma.local [hbm:s5], s20  }
0x9e: {  	_ =	swait.ge [sflag:s22], s20  }
0x9f: {  	s4 =	ssub.s32 $0x0, s20;
	[sflag:s22] =	ssyncset.done $0x0  }
0xa0: {  	[sflag:s22] =	ssyncadd.s32 s4;
	_ =	sdelay $0x1  }
0xa1: {  	s23 =	simm.s32 $0x1B8B  }
0xa2: {  	_ =	swait.ge [sflag:s23], $0x1  }
0xa3: {  	[sflag:s23] =	ssyncset.done $0x0  }
0xa4: {  	s25 =	simm.s32 $0x1B8E;
	s24 =	sld [smem:$0x3FFE];
	[sflag:s23] =	ssyncadd.s32 $0xFFFFFFFF  }
0xa5: {  	s26 =	simm.s32 $execute0_lowered;
	[smem:$0x3FD2] =	sst s25  }
0xa6: {  	s5 =	sshll.u32 s26, $0x1;
	_ =	strace $0x80000046;
	[dreg:$0x1] =	wrdreg $0xFFFFFFFF  }
0xa7: {  	s28 =	simm.s32 $_size_execute0_lowered;
	s3 =	sadd.s32 s3, s5;
	[dreg:$0x0] =	wrdreg $0x0  }
0xa8: {  	s5 =	sshll.u32 s28, $0x1;
	[dreg:$0x2] =	wrdreg s3  }
0xa9: {  	[dreg:$0x3] =	wrdreg s5  }
0xaa: {  	[dreg:$0x4] =	wrdreg $0xC0  }
0xab: {  	_ =	task [dreg:s7], $0x5FFFF  }
0xac: {  	[dreg:$0x1] =	wrdreg $0xFFFFFFFF  }
0xad: {  	[dreg:$0x0] =	wrdreg $0x60  }
0xae: {  	[dreg:$0x2] =	wrdreg s2  }
0xaf: {  	[dreg:$0x3] =	wrdreg s24  }
0xb0: {  	[dreg:$0x4] =	wrdreg $0x9  }
0xb1: {  	_ =	task.clear_ibuf [dreg:s7], $0x5FFFF;
	_ =	strace $0x90000046  }
0xb2: {  	s29 =	simm.s32 $0x9;
	_ =	strace $0x80000048  }
0xb3: {  	_ =	swait.ge [sflag:s29], $0x1  }
0xb4: {  	[sflag:s29] =	ssyncadd.s32 $0xFFFFFFFF  }
0xb5: {  	_ =	strace $0x90000048  }
0xb6: {  	_ =	sfence  }
0xb7: {  	s30 =	sld [smem:$0x0];
	_ =	sdelay $0x2  }
0xb8: {  	s31 =	sshll.u32 s1, $0xD;
	s1 =	sshrl.u32 s1, $0x2  }
0xb9: {  	s3 =	sand.u32 $0x4000, s31;
	s1 =	sadd.s32 s1, s30  }
0xba: {  	s0 =	sor.u32 s3, s0;
	s1 =	sshll.u32 s1, $0x11  }
0xbb: {  	s0 =	sor.u32 s1, s0  }
0xbc: {  	s0 =	sadd.s32 $0x8F2B, s0  }
0xbd: {  	[sflag:s0] =	ssyncadd.remote.s32 $0x1  }
0xbe: {  	_ =	sfence.sel $0xFFFF  }
0xbf: {  	[dreg:$0x0] =	wrdreg $0xFFFFFFFF;
	(pc) =	sbr.abs _section_cstart, $3  }
0xc0: {  	[dreg:$0x1] =	wrdreg $0xFFFFFFFF  }
0xc1: {  	_ =	task.clear_ibuf [dreg:s7], $0x2FFFF;
	_ =	strace $0x9FFFFFFF  }
0xc2: {  	(tm) =	ssettm $0x7FFFFFFF  }
0xc3: {  	_ =	shalt  }
tec
execute0_lowered:
.L_overlay_start_1:
0x0: {  	(tag) =	ssettag $0x1  }
0x1: {  	s3 =	rddreg [dreg:$0x0]  }
0x2: {  	s4 =	rddreg [dreg:$0x1]  }
0x3: {  	s0 =	rddreg [dreg:$0x2]  }
0x4: {  	s5 =	srdreg.scid;
	s1 =	stileid.u32  }
0x5: {  	s2 =	simm.s32 $0x0;
	s5 =	sand.u32 $0x1, s5;
	s6 =	sshll.u32 s1, $0x1  }
0x6: {  	[smem:$0x7FF] =	sst s2;
	s6 =	sor.u32 s5, s6  }
0x7: {  	_ =	strace $0x80000047;
	s5 =	ssub.s32 $0x2, s5;
	s7 =	sshll.u32 s6, $0x6  }
0x8: {  	s31 =	sshrl.u32 s5, $0x1;
	s6 =	sshll.u32 s6, $0x7;
	s4 =	sadd.s32 s7, s4  }
0x9: {  	s5 =	ssub.s32 s5, s31;
	s3 =	sadd.s32 s3, s6;
	s6 =	simm.s32 $0x1  }
0xa: {  	v0 =	vimm.f32 $8.000000000e+00;
	s7 =	simm.s32 $0x400;
	s4 =	sadd.s32 $0x3600, s4;
	s5 =	smax.u32 s5, $0x1  }
.LBB2_1:
0xb: {  	[tilespmem:s2], [sflag:$0x1] =	stream.linear.gather [hbm4b:s3+s2], $0x400, $0x38;
	[tilespmem:$0x600] =	vst v63  }
0xc: {  	_ =	swait.ge [sflag:s6], $0x400  }
0xd: {  	[sflag:s6] =	ssyncset.done $0x0  }
0xe: {  	[sflag:s6] =	ssyncadd.s32 $0xFFFFFC00  }
0xf: {  	v2 =	vld [tilespmem:$0x0]  }
0x10: {  	v3 =	vld [tilespmem:$0x80]  }
0x11: {  	v4 =	vld [tilespmem:$0x100]  }
0x12: {  	v5 =	vld [tilespmem:$0x180]  }
0x13: {  	v6 =	vld [tilespmem:$0x200]  }
0x14: {  	v7 =	vld [tilespmem:$0x280]  }
0x15: {  	v8 =	vld [tilespmem:$0x300];
	v1 =	vmax.f32 v2, v3  }
0x16: {  	v9 =	vld [tilespmem:$0x380];
	v1 =	vmax.f32 v1, v4  }
0x17: {  	v1 =	vmax.f32 v1, v5  }
0x18: {  	v1 =	vmax.f32 v1, v6  }
0x19: {  	v1 =	vmax.f32 v1, v7  }
0x1a: {  	v12 =	vld [tilespmem:$0x10];
	v1 =	vmax.f32 v1, v8  }
0x1b: {  	v13 =	vld [tilespmem:$0x90];
	v10 =	vmax.f32 v1, v9  }
0x1c: {  	v14 =	vld [tilespmem:$0x110];
	vm0 =	vge.f32 v9, v10  }
0x1d: {  	v32 =	vld [tilespmem:$0x20];
	vm7 =	vge.f32 v8, v10;
	v1 =	vsel vm0, $0x40E00000, v0  }
0x1e: {  	v35 =	vld [tilespmem:$0xA0];
	vm8 =	vge.f32 v7, v10;
	v1 =	vsel vm7, $0x40C00000, v1  }
0x1f: {  	v37 =	vld [tilespmem:$0x120];
	vm9 =	vge.f32 v6, v10;
	v1 =	vsel vm8, $0x40A00000, v1  }
0x20: {  	v15 =	vld [tilespmem:$0x190];
	vm10 =	vge.f32 v5, v10;
	v1 =	vsel vm9, $0x40800000, v1  }
0x21: {  	vm11 =	vge.f32 v4, v10;
	v1 =	vsel vm10, $0x40400000, v1  }
0x22: {  	v19 =	vmax.f32 v12, v13;
	vm12 =	vge.f32 v3, v10;
	v1 =	vsel vm11, $0x40000000, v1  }
0x23: {  	v24 =	vmax.f32 v32, v35;
	vm13 =	vge.f32 v2, v10;
	v1 =	vsel vm12, $0x3F800000, v1  }
0x24: {  	v19 =	vmax.f32 v19, v14;
	v24 =	vmax.f32 v24, v37;
	v1 =	vsel vm13, $0x0, v1  }
0x25: {  	v19 =	vmax.f32 v19, v15;
	v11 =	vsel vm13, $0xF149F2CA, v2;
	vm14 =	veq.f32 v1, $1.000000000e+00  }
0x26: {  	v16 =	vld [tilespmem:$0x210];
	v2 =	vmax.f32 v11, $-1.000000020e+30;
	vm15 =	veq.f32 v1, $2.000000000e+00;
	v3 =	vsel vm14, $0xF149F2CA, v3  }
0x27: {  	v39 =	vld [tilespmem:$0x1A0];
	vm4 =	veq.f32 v1, $3.000000000e+00;
	v4 =	vsel vm15, $0xF149F2CA, v4;
	v2 =	vmax.f32 v2, v3  }
0x28: {  	v41 =	vld [tilespmem:$0x220];
	vm5 =	veq.f32 v1, $4.000000000e+00;
	v5 =	vsel vm4, $0xF149F2CA, v5;
	v2 =	vmax.f32 v2, v4  }
0x29: {  	v17 =	vld [tilespmem:$0x290];
	vm6 =	veq.f32 v1, $5.000000000e+00;
	v6 =	vsel vm5, $0xF149F2CA, v6;
	v2 =	vmax.f32 v2, v5  }
0x2a: {  	vm7 =	veq.f32 v1, $6.000000000e+00;
	v7 =	vsel vm6, $0xF149F2CA, v7;
	v2 =	vmax.f32 v2, v6  }
0x2b: {  	v18 =	vld [tilespmem:$0x310];
	vm8 =	veq.f32 v1, $7.000000000e+00;
	v8 =	vsel vm7, $0xF149F2CA, v8;
	v2 =	vmax.f32 v2, v7  }
0x2c: {  	v20 =	vld [tilespmem:$0x390];
	v24 =	vmax.f32 v24, v39;
	v9 =	vsel vm8, $0xF149F2CA, v9;
	v2 =	vmax.f32 v2, v8  }
0x2d: {  	v43 =	vmax.f32 v24, v41;
	v21 =	vmax.f32 v2, v9;
	v2 =	vmax.f32 v19, v16  }
0x2e: {  	vm0 =	vge.f32 v9, v21;
	v2 =	vmax.f32 v2, v17;
	vm9 =	vge.f32 v8, v21  }
0x2f: {  	vm10 =	vge.f32 v7, v21;
	v27 =	vsub.f32 v21, v10;
	vm1 =	vge.f32 v6, v21  }
0x30: {  	vm4 =	vge.f32 v5, v21;
	vm7 =	vge.f32 v4, v21;
	v2 =	vmax.f32 v2, v18  }
0x31: {  	v9 =	vsel vm0, $0x40E00000, v0;
	vm0 =	vge.f32 v11, v21;
	v63 =	vmax.f32 v2, v20  }
0x32: {  	v54 =	vld [tilespmem:$0x30];
	v8 =	vsel vm9, $0x40C00000, v9;
	vm9 =	vge.f32 v3, v21;
	vm11 =	vge.f32 v20, v63  }
0x33: {  	v55 =	vld [tilespmem:$0xB0];
	v2 =	vsel vm10, $0x40A00000, v8;
	vm12 =	vge.f32 v18, v63;
	v28 =	vsel vm11, $0x40E00000, v0  }
0x34: {  	v57 =	vld [tilespmem:$0x130];
	v8 =	vmul.f32 $1.442695020e+00, v27;
	vm13 =	vge.f32 v17, v63;
	v6 =	vsel vm12, $0x40C00000, v28  }
0x35: {  	vm14 =	vge.f32 v16, v63;
	vm15 =	vge.f32 v15, v63;
	v6 =	vsel vm13, $0x40A00000, v6  }
0x36: {  	vm5 =	vge.f32 v14, v63;
	vm6 =	vge.f32 v13, v63;
	v6 =	vsel vm14, $0x40800000, v6  }
0x37: {  	vm8 =	vge.f32 v12, v63;
	(erf) = vpow2.f32 v8;
	v29 =	vsel vm15, $0x40400000, v6  }
0x38: {  	v27 =	vmax.f32 v54, v55;
	v2 =	vsel vm1, $0x40800000, v2;
	v5 =	vsel vm5, $0x40000000, v29  }
0x39: {  	v27 =	vmax.f32 v27, v57;
	v2 =	vsel vm4, $0x40400000, v2;
	v30 =	vsel vm6, $0x3F800000, v5  }
0x3a: {  	v31 =	vsel vm7, $0x40000000, v2;
	v6 =	vsel vm8, $0xF149F2CA, v12;
	v2 =	vsel vm8, $0x0, v30  }
0x3b: {  	v3 =	vsel vm9, $0x3F800000, v31;
	v33 =	vmax.f32 v6, $-1.000000020e+30;
	vm10 =	veq.f32 v2, $1.000000000e+00  }
0x3c: {  	vm11 =	veq.f32 v2, $2.000000000e+00;
	vm12 =	veq.f32 v2, $3.000000000e+00;
	v34 =	vsel vm10, $0xF149F2CA, v13  }
0x3d: {  	v59 =	vld [tilespmem:$0x1B0];
	vm13 =	veq.f32 v2, $4.000000000e+00;
	v36 =	vsel vm11, $0xF149F2CA, v14;
	v4 =	vmax.f32 v33, v34  }
0x3e: {  	v22 =	vld [tilespmem:$0x2A0];
	vm14 =	veq.f32 v2, $5.000000000e+00;
	v38 =	vsel vm12, $0xF149F2CA, v15;
	v4 =	vmax.f32 v4, v36  }
0x3f: {  	v23 =	vld [tilespmem:$0x320];
	vm15 =	veq.f32 v2, $6.000000000e+00;
	v16 =	vsel vm13, $0xF149F2CA, v16;
	v4 =	vmax.f32 v4, v38  }
0x40: {  	vm4 =	veq.f32 v2, $7.000000000e+00;
	v17 =	vsel vm14, $0xF149F2CA, v17;
	v40 =	vpop (erf);
	v4 =	vmax.f32 v4, v16  }
0x41: {  	v25 =	vld [tilespmem:$0x3A0];
	v18 =	vsel vm15, $0xF149F2CA, v18;
	v15 =	vadd.f32 $1.000000000e+00, v40;
	v4 =	vmax.f32 v4, v17  }
0x42: {  	v30 =	vmax.f32 v27, v59;
	v20 =	vsel vm4, $0xF149F2CA, v20;
	v4 =	vmax.f32 v4, v18  }
0x43: {  	(erf) = vrcp.f32 v15;
	v42 =	vmax.f32 v4, v20;
	v4 =	vmax.f32 v43, v22  }
0x44: {  	vm5 =	vge.f32 v20, v42;
	vm6 =	vge.f32 v18, v42;
	v4 =	vmax.f32 v4, v23  }
0x45: {  	vm7 =	vge.f32 v17, v42;
	vm8 =	vge.f32 v16, v42;
	v7 =	vsub.f32 v42, v63  }
0x46: {  	vm12 =	vge.f32 v38, v42;
	v44 =	vsel vm5, $0x40E00000, v0;
	v45 =	vmax.f32 v4, v25  }
0x47: {  	vm4 =	vge.f32 v36, v42;
	v15 =	vsel vm6, $0x40C00000, v44;
	vm2 =	vge.f32 v25, v45  }
0x48: {  	vm9 =	vge.f32 v23, v45;
	vm10 =	vge.f32 v22, v45;
	v7 =	vmul.f32 $1.442695020e+00, v7  }
0x49: {  	v62 =	vld [tilespmem:$0x230];
	vm11 =	vge.f32 v41, v45;
	vm13 =	vge.f32 v39, v45;
	vm14 =	vge.f32 v37, v45  }
0x4a: {  	v63 =	vld [tilespmem:$0x2B0];
	vm15 =	vge.f32 v35, v45;
	vm5 =	vge.f32 v32, v45;
	vm6 =	vge.f32 v34, v42  }
0x4b: {  	v26 =	vld [tilespmem:$0x330];
	v46 =	vsel vm7, $0x40A00000, v15;
	v47 =	vsel vm2, $0x40E00000, v0;
	v52 =	vsel vm5, $0xF149F2CA, v32  }
0x4c: {  	v28 =	vld [tilespmem:$0x3B0];
	v4 =	vsel vm8, $0x40800000, v46;
	v15 =	vsel vm9, $0x40C00000, v47;
	(erf) = vpow2.f32 v7  }
0x4d: {  	v15 =	vsel vm10, $0x40A00000, v15;
	v50 =	vsel vm12, $0x40400000, v4;
	v4 =	vsel vm0, $0x0, v3  }
0x4e: {  	vm0 =	vge.f32 v6, v42;
	v6 =	vmax.f32 v30, v62;
	v48 =	vsel vm11, $0x40800000, v15  }
0x4f: {  	v5 =	vmax.f32 v52, $-1.000000020e+30;
	v6 =	vmax.f32 v6, v63;
	v49 =	vsel vm13, $0x40400000, v48  }
0x50: {  	v10 =	vsel vm4, $0x40000000, v50;
	v6 =	vmax.f32 v6, v26;
	v51 =	vsel vm14, $0x40000000, v49  }
0x51: {  	v10 =	vsel vm6, $0x3F800000, v10;
	v32 =	vmax.f32 v6, v28;
	v7 =	vsel vm15, $0x3F800000, v51  }
0x52: {  	vm6 =	vge.f32 v28, v32;
	v3 =	vsel vm5, $0x0, v7;
	v7 =	vsel vm0, $0x0, v10  }
0x53: {  	vm7 =	veq.f32 v3, $1.000000000e+00;
	vm8 =	veq.f32 v3, $2.000000000e+00;
	vm9 =	veq.f32 v3, $3.000000000e+00  }
0x54: {  	vm10 =	veq.f32 v3, $4.000000000e+00;
	vm11 =	veq.f32 v3, $5.000000000e+00;
	v53 =	vsel vm7, $0xF149F2CA, v35  }
0x55: {  	vm12 =	veq.f32 v3, $6.000000000e+00;
	v12 =	vsel vm8, $0xF149F2CA, v37;
	v5 =	vmax.f32 v5, v53  }
0x56: {  	vm13 =	veq.f32 v3, $7.000000000e+00;
	v14 =	vsel vm9, $0xF149F2CA, v39;
	v56 =	vmax.f32 v5, v12  }
0x57: {  	v58 =	vsel vm10, $0xF149F2CA, v41;
	v61 =	vsel vm11, $0xF149F2CA, v22;
	v15 =	vmax.f32 v56, v14  }
0x58: {  	v23 =	vsel vm12, $0xF149F2CA, v23;
	v25 =	vsel vm13, $0xF149F2CA, v25;
	v5 =	vpop (erf);
	v15 =	vmax.f32 v15, v58  }
0x59: {  	v35 =	vsel vm6, $0x40E00000, v0;
	vm8 =	vge.f32 v26, v32;
	v60 =	vpop (erf);
	v15 =	vmax.f32 v15, v61  }
0x5a: {  	vm9 =	vge.f32 v63, v32;
	v20 =	vadd.f32 $1.000000000e+00, v60;
	v15 =	vmax.f32 v15, v23  }
0x5b: {  	vm10 =	vge.f32 v62, v32;
	vm11 =	vge.f32 v59, v32;
	v29 =	vmax.f32 v15, v25  }
0x5c: {  	vm13 =	vge.f32 v57, v32;
	(erf) = vrcp.f32 v20;
	vm14 =	vge.f32 v25, v29  }
0x5d: {  	vm15 =	vge.f32 v23, v29;
	vm4 =	vge.f32 v61, v29;
	vm5 =	vge.f32 v58, v29  }
0x5e: {  	v34 =	vsub.f32 v29, v45;
	vm7 =	vge.f32 v14, v29;
	v14 =	vsel vm8, $0x40C00000, v35  }
0x5f: {  	vm12 =	vge.f32 v12, v29;
	v31 =	vsel vm14, $0x40E00000, v0;
	v14 =	vsel vm9, $0x40A00000, v14  }
0x60: {  	v40 =	vld [tilespmem:$0xC0];
	vm14 =	vge.f32 v55, v32;
	v15 =	vsel vm15, $0x40C00000, v31;
	v14 =	vsel vm10, $0x40800000, v14  }
0x61: {  	v38 =	vld [tilespmem:$0x40];
	vm15 =	vge.f32 v53, v29;
	v15 =	vsel vm4, $0x40A00000, v15;
	v36 =	vsel vm11, $0x40400000, v14  }
0x62: {  	v43 =	vld [tilespmem:$0x140];
	vm4 =	vge.f32 v54, v32;
	v33 =	vsel vm5, $0x40800000, v15;
	v15 =	vmul.f32 $1.442695020e+00, v34  }
0x63: {  	v12 =	vsel vm13, $0x40000000, v36;
	vm5 =	vge.f32 v52, v29;
	v6 =	vsel vm7, $0x40400000, v33  }
0x64: {  	v8 =	vsel vm4, $0xF149F2CA, v54;
	v12 =	vsel vm14, $0x3F800000, v12;
	v6 =	vsel vm12, $0x40000000, v6  }
0x65: {  	(erf) = vpow2.f32 v15;
	v37 =	vsel vm15, $0x3F800000, v6;
	v6 =	vsel vm4, $0x0, v12  }
0x66: {  	v52 =	vmax.f32 v38, v40;
	v9 =	vmax.f32 v8, $-1.000000020e+30;
	vm6 =	veq.f32 v6, $1.000000000e+00  }
0x67: {  	v27 =	vmax.f32 v52, v43;
	vm7 =	veq.f32 v6, $2.000000000e+00;
	v39 =	vsel vm6, $0xF149F2CA, v55  }
0x68: {  	v45 =	vld [tilespmem:$0x1C0];
	vm8 =	veq.f32 v6, $3.000000000e+00;
	v42 =	vsel vm7, $0xF149F2CA, v57;
	v41 =	vmax.f32 v9, v39  }
0x69: {  	v48 =	vld [tilespmem:$0x240];
	vm9 =	veq.f32 v6, $4.000000000e+00;
	v44 =	vsel vm8, $0xF149F2CA, v59;
	v12 =	vmax.f32 v41, v42  }
0x6a: {  	v50 =	vld [tilespmem:$0x2C0];
	vm10 =	veq.f32 v6, $5.000000000e+00;
	v47 =	vsel vm9, $0xF149F2CA, v62;
	v12 =	vmax.f32 v12, v44  }
0x6b: {  	v51 =	vld [tilespmem:$0x340];
	vm11 =	veq.f32 v6, $6.000000000e+00;
	v49 =	vsel vm10, $0xF149F2CA, v63;
	v12 =	vmax.f32 v12, v47  }
0x6c: {  	v60 =	vld [tilespmem:$0x50];
	vm12 =	veq.f32 v6, $7.000000000e+00;
	v26 =	vsel vm11, $0xF149F2CA, v26;
	v12 =	vmax.f32 v12, v49  }
0x6d: {  	v61 =	vld [tilespmem:$0xD0];
	v27 =	vmax.f32 v27, v45;
	v28 =	vsel vm12, $0xF149F2CA, v28;
	v9 =	vpop (erf);
	v12 =	vmax.f32 v12, v26  }
0x6e: {  	v27 =	vmax.f32 v27, v48;
	v10 =	vsel vm5, $0x0, v37;
	v63 =	vld [tilespmem:$0x150];
	v46 =	vpop (erf);
	v12 =	vmax.f32 v12, v28  }
0x6f: {  	v29 =	vld [tilespmem:$0x3C0];
	v53 =	vmax.f32 v27, v50;
	v20 =	vadd.f32 $1.000000000e+00, v46;
	vm13 =	vge.f32 v28, v12  }
0x70: {  	v30 =	vld [tilespmem:$0x1D0];
	vm14 =	vge.f32 v26, v12;
	vm15 =	vge.f32 v49, v12;
	vm4 =	vge.f32 v47, v12  }
0x71: {  	vm7 =	vge.f32 v44, v12;
	vm10 =	vge.f32 v42, v12;
	v18 =	vsub.f32 v12, v32  }
0x72: {  	vm0 =	vge.f32 v39, v12;
	v42 =	vmax.f32 v60, v61;
	(erf) = vrcp.f32 v20  }
0x73: {  	v54 =	vsel vm13, $0x40E00000, v0;
	v20 =	vmax.f32 v53, v51;
	v15 =	vmax.f32 v42, v63  }
0x74: {  	v31 =	vld [tilespmem:$0x250];
	v26 =	vsel vm14, $0x40C00000, v54;
	v55 =	vmax.f32 v20, v29;
	v18 =	vmul.f32 $1.442695020e+00, v18  }
0x75: {  	v32 =	vld [tilespmem:$0x2D0];
	v15 =	vmax.f32 v15, v30;
	v56 =	vsel vm15, $0x40A00000, v26;
	vm5 =	vge.f32 v29, v55  }
0x76: {  	v33 =	vld [tilespmem:$0x350];
	vm6 =	vge.f32 v51, v55;
	vm8 =	vge.f32 v50, v55;
	vm9 =	vge.f32 v48, v55  }
0x77: {  	v36 =	vld [tilespmem:$0x3D0];
	vm11 =	vge.f32 v45, v55;
	vm12 =	vge.f32 v43, v55;
	v57 =	vsel vm5, $0x40E00000, v0  }
0x78: {  	vm13 =	vge.f32 v40, v55;
	vm14 =	vge.f32 v38, v55;
	v58 =	vsel vm6, $0x40C00000, v57  }
0x79: {  	v15 =	vmax.f32 v15, v31;
	v20 =	vsel vm4, $0x40800000, v56;
	v17 =	vsel vm8, $0x40A00000, v58  }
0x7a: {  	(erf) = vpow2.f32 v18;
	v15 =	vmax.f32 v15, v32;
	v59 =	vsel vm9, $0x40800000, v17  }
0x7b: {  	v20 =	vsel vm7, $0x40400000, v20;
	v15 =	vmax.f32 v15, v33;
	v13 =	vsel vm11, $0x40400000, v59  }
0x7c: {  	v62 =	vsel vm10, $0x40000000, v20;
	v37 =	vmax.f32 v15, v36;
	v13 =	vsel vm12, $0x40000000, v13  }
0x7d: {  	vm10 =	vge.f32 v36, v37;
	vm11 =	vge.f32 v33, v37;
	v13 =	vsel vm13, $0x3F800000, v13  }
0x7e: {  	vm12 =	vge.f32 v32, v37;
	v11 =	vsel vm14, $0x0, v13;
	v13 =	vsel vm14, $0xF149F2CA, v38  }
0x7f: {  	vm13 =	vge.f32 v31, v37;
	vm14 =	vge.f32 v30, v37;
	v41 =	vmax.f32 v13, $-1.000000020e+30  }
0x80: {  	vm15 =	veq.f32 v11, $1.000000000e+00;
	vm4 =	veq.f32 v11, $2.000000000e+00;
	vm5 =	veq.f32 v11, $3.000000000e+00  }
0x81: {  	vm6 =	veq.f32 v11, $4.000000000e+00;
	vm7 =	veq.f32 v11, $5.000000000e+00;
	vm8 =	veq.f32 v11, $6.000000000e+00  }
0x82: {  	vm9 =	veq.f32 v11, $7.000000000e+00;
	v14 =	vsel vm15, $0xF149F2CA, v40;
	v16 =	vsel vm4, $0xF149F2CA, v43  }
0x83: {  	v22 =	vsel vm6, $0xF149F2CA, v48;
	v23 =	vsel vm7, $0xF149F2CA, v50;
	v18 =	vmax.f32 v41, v14  }
0x84: {  	v43 =	vmax.f32 v18, v16;
	v18 =	vsel vm5, $0xF149F2CA, v45;
	v45 =	vsel vm10, $0x40E00000, v0  }
0x85: {  	v39 =	vld [tilespmem:$0xE0];
	v25 =	vsel vm8, $0xF149F2CA, v51;
	v44 =	vmax.f32 v43, v18;
	v19 =	vsel vm11, $0x40C00000, v45  }
0x86: {  	v38 =	vld [tilespmem:$0x60];
	v35 =	vsel vm9, $0xF149F2CA, v29;
	vm15 =	vge.f32 v63, v37;
	v15 =	vmax.f32 v44, v22  }
0x87: {  	vm4 =	vge.f32 v61, v37;
	v46 =	vsel vm12, $0x40A00000, v19;
	v15 =	vmax.f32 v15, v23  }
0x88: {  	vm5 =	vge.f32 v60, v37;
	v47 =	vsel vm13, $0x40800000, v46;
	v15 =	vmax.f32 v15, v25;
	v19 =	vpop (erf)  }
0x89: {  	v42 =	vld [tilespmem:$0x260];
	v17 =	vsel vm5, $0xF149F2CA, v60;
	v20 =	vmax.f32 v15, v35;
	v48 =	vpop (erf);
	v15 =	vsel vm14, $0x40400000, v47  }
0x8a: {  	v40 =	vld [tilespmem:$0x160];
	v27 =	vsub.f32 v20, v55;
	v24 =	vadd.f32 $1.000000000e+00, v48;
	v15 =	vsel vm15, $0x40000000, v15  }
0x8b: {  	v41 =	vld [tilespmem:$0x1E0];
	v50 =	vmax.f32 v38, v39;
	v49 =	vmax.f32 v17, $-1.000000020e+30;
	v15 =	vsel vm4, $0x3F800000, v15  }
0x8c: {  	v43 =	vld [tilespmem:$0x2E0];
	v27 =	vmul.f32 $1.442695020e+00, v27;
	(erf) = vrcp.f32 v24;
	v15 =	vsel vm5, $0x0, v15  }
0x8d: {  	v45 =	vld [tilespmem:$0x3E0];
	vm6 =	veq.f32 v15, $1.000000000e+00;
	vm7 =	veq.f32 v15, $2.000000000e+00;
	vm8 =	veq.f32 v15, $3.000000000e+00  }
0x8e: {  	v44 =	vld [tilespmem:$0x360];
	vm9 =	veq.f32 v15, $4.000000000e+00;
	vm10 =	veq.f32 v15, $5.000000000e+00;
	vm11 =	veq.f32 v15, $6.000000000e+00  }
0x8f: {  	v47 =	vld [tilespmem:$0x70];
	vm12 =	veq.f32 v15, $7.000000000e+00;
	(erf) = vpow2.f32 v27;
	v27 =	vmax.f32 v50, v40  }
0x90: {  	v48 =	vld [tilespmem:$0xF0];
	v21 =	vsel vm6, $0xF149F2CA, v61;
	v24 =	vsel vm7, $0xF149F2CA, v63;
	v52 =	vmax.f32 v27, v41  }
0x91: {  	v29 =	vsel vm9, $0xF149F2CA, v31;
	v31 =	vsel vm10, $0xF149F2CA, v32;
	v53 =	vmax.f32 v52, v42  }
0x92: {  	v51 =	vmax.f32 v49, v21;
	v27 =	vsel vm8, $0xF149F2CA, v30;
	v30 =	vmax.f32 v53, v43  }
0x93: {  	v34 =	vsel vm11, $0xF149F2CA, v33;
	v28 =	vmax.f32 v51, v24;
	v30 =	vmax.f32 v30, v44  }
0x94: {  	v36 =	vsel vm12, $0xF149F2CA, v36;
	v28 =	vmax.f32 v28, v27;
	v46 =	vmax.f32 v30, v45  }
0x95: {  	v59 =	vmax.f32 v47, v48;
	v28 =	vmax.f32 v28, v29;
	vm13 =	vge.f32 v45, v46  }
0x96: {  	v28 =	vmax.f32 v28, v31;
	vm14 =	vge.f32 v44, v46;
	v54 =	vsel vm13, $0x40E00000, v0  }
0x97: {  	vm15 =	vge.f32 v43, v46;
	v28 =	vmax.f32 v28, v34;
	v30 =	vsel vm14, $0x40C00000, v54  }
0x98: {  	vm4 =	vge.f32 v42, v46;
	v32 =	vpop (erf);
	v55 =	vsel vm15, $0x40A00000, v30;
	v30 =	vmax.f32 v28, v36  }
0x99: {  	v49 =	vld [tilespmem:$0x170];
	vm5 =	vge.f32 v41, v46;
	v57 =	vpop (erf);
	v56 =	vsel vm4, $0x40800000, v55;
	v37 =	vsub.f32 v30, v37  }
0x9a: {  	vm6 =	vge.f32 v40, v46;
	v33 =	vadd.f32 $1.000000000e+00, v57;
	v28 =	vsel vm5, $0x40400000, v56  }
0x9b: {  	v50 =	vld [tilespmem:$0x1F0];
	vm7 =	vge.f32 v39, v46;
	v28 =	vsel vm6, $0x40000000, v28;
	v37 =	vmul.f32 $1.442695020e+00, v37  }
0x9c: {  	vm8 =	vge.f32 v38, v46;
	(erf) = vrcp.f32 v33;
	v28 =	vsel vm7, $0x3F800000, v28  }
0x9d: {  	v51 =	vsel vm0, $0x3F800000, v62;
	v26 =	vsel vm8, $0x0, v28;
	(erf) = vpow2.f32 v37  }
0x9e: {  	v52 =	vld [tilespmem:$0x270];
	v28 =	vsel vm8, $0xF149F2CA, v38;
	v38 =	vmax.f32 v59, v49;
	v59 =	vsub.f32 $1.000000000e+00, v32  }
0x9f: {  	v53 =	vld [tilespmem:$0x2F0];
	vm9 =	veq.f32 v26, $1.000000000e+00;
	v58 =	vmax.f32 v28, $-1.000000020e+30;
	vm10 =	veq.f32 v26, $2.000000000e+00  }
0xa0: {  	v54 =	vld [tilespmem:$0x370];
	vm11 =	veq.f32 v26, $3.000000000e+00;
	v60 =	vmax.f32 v38, v50;
	vm12 =	veq.f32 v26, $4.000000000e+00  }
0xa1: {  	v55 =	vld [tilespmem:$0x3F0];
	vm13 =	veq.f32 v26, $5.000000000e+00;
	vm14 =	veq.f32 v26, $6.000000000e+00;
	vm6 =	veq.f32 v26, $7.000000000e+00  }
0xa2: {  	v33 =	vsel vm9, $0xF149F2CA, v39;
	v37 =	vsel vm10, $0xF149F2CA, v40;
	v38 =	vsel vm11, $0xF149F2CA, v41  }
0xa3: {  	v40 =	vmax.f32 v60, v52;
	v41 =	vsel vm12, $0xF149F2CA, v42;
	v42 =	vsel vm13, $0xF149F2CA, v43  }
0xa4: {  	v44 =	vsel vm14, $0xF149F2CA, v44;
	v39 =	vmax.f32 v58, v33;
	v40 =	vmax.f32 v40, v53  }
0xa5: {  	v45 =	vsel vm6, $0xF149F2CA, v45;
	v39 =	vmax.f32 v39, v37;
	v40 =	vmax.f32 v40, v54  }
0xa6: {  	vm12 =	vge.f32 v35, v20;
	v39 =	vmax.f32 v39, v38;
	v43 =	vmax.f32 v40, v55  }
0xa7: {  	v60 =	vsub.f32 $1.000000000e+00, v5;
	v39 =	vmax.f32 v39, v41;
	vm15 =	vge.f32 v55, v43  }
0xa8: {  	vm4 =	vge.f32 v54, v43;
	vm5 =	vge.f32 v53, v43;
	vm7 =	vge.f32 v52, v43  }
0xa9: {  	vm8 =	vge.f32 v50, v43;
	vm9 =	vge.f32 v49, v43;
	v61 =	vsel vm15, $0x40E00000, v0  }
0xaa: {  	vm10 =	vge.f32 v48, v43;
	v39 =	vmax.f32 v39, v42;
	v40 =	vsel vm4, $0x40C00000, v61  }
0xab: {  	vm11 =	vge.f32 v47, v43;
	v39 =	vmax.f32 v39, v44;
	v40 =	vsel vm5, $0x40A00000, v40  }
0xac: {  	v57 =	vpop (erf);
	v61 =	vsel vm12, $0x40E00000, v0;
	v56 =	vsel vm7, $0x40800000, v40;
	v40 =	vmax.f32 v39, v45  }
0xad: {  	vm12 =	vge.f32 v18, v20;
	v63 =	vpop (erf);
	v62 =	vsel vm8, $0x40400000, v56;
	v46 =	vsub.f32 v40, v46  }
0xae: {  	v56 =	vadd.f32 $1.000000000e+00, v63;
	vm8 =	vge.f32 v25, v20;
	v39 =	vsel vm9, $0x40000000, v62  }
0xaf: {  	[tilespmem:$0x480] =	vst v4;
	v4 =	vsel vm8, $0x40C00000, v61;
	v39 =	vsel vm10, $0x3F800000, v39;
	v46 =	vmul.f32 $1.442695020e+00, v46  }
0xb0: {  	vm9 =	vge.f32 v23, v20;
	(erf) = vrcp.f32 v56;
	v35 =	vsel vm11, $0x0, v39  }
0xb1: {  	v39 =	vsel vm11, $0xF149F2CA, v47;
	vm13 =	veq.f32 v35, $1.000000000e+00;
	(erf) = vpow2.f32 v46  }
0xb2: {  	vm14 =	veq.f32 v35, $2.000000000e+00;
	v47 =	vmax.f32 v39, $-1.000000020e+30;
	v46 =	vsel vm13, $0xF149F2CA, v48  }
0xb3: {  	vm15 =	veq.f32 v35, $3.000000000e+00;
	v48 =	vsel vm14, $0xF149F2CA, v49;
	v47 =	vmax.f32 v47, v46  }
0xb4: {  	vm4 =	veq.f32 v35, $4.000000000e+00;
	v49 =	vsel vm15, $0xF149F2CA, v50;
	v47 =	vmax.f32 v47, v48  }
0xb5: {  	vm5 =	veq.f32 v35, $5.000000000e+00;
	v50 =	vsel vm4, $0xF149F2CA, v52;
	v47 =	vmax.f32 v47, v49  }
0xb6: {  	vm6 =	veq.f32 v35, $6.000000000e+00;
	v52 =	vsel vm5, $0xF149F2CA, v53;
	v47 =	vmax.f32 v47, v50  }
0xb7: {  	vm7 =	veq.f32 v35, $7.000000000e+00;
	v53 =	vsel vm6, $0xF149F2CA, v54;
	v47 =	vmax.f32 v47, v52  }
0xb8: {  	[tilespmem:$0x400] =	vst v1;
	vm8 =	vge.f32 v27, v30;
	v1 =	vsel vm7, $0xF149F2CA, v55;
	v62 =	vmax.f32 v47, v53  }
0xb9: {  	[tilespmem:$0x500] =	vst v5;
	v4 =	vsel vm9, $0x40A00000, v4;
	vm10 =	vge.f32 v22, v20;
	v5 =	vpop (erf);
	v23 =	vmax.f32 v62, v1  }
0xba: {  	[tilespmem:$0x410] =	vst v2;
	vm9 =	vge.f32 v24, v30;
	vm11 =	vge.f32 v8, v12;
	v63 =	vpop (erf);
	v25 =	vsub.f32 v23, v43  }
0xbb: {  	[tilespmem:$0x490] =	vst v7;
	v2 =	vsel vm10, $0x40800000, v4;
	vm10 =	vge.f32 v45, v40;
	v43 =	vadd.f32 $1.000000000e+00, v63  }
0xbc: {  	[tilespmem:$0x420] =	vst v3;
	v2 =	vsel vm12, $0x40400000, v2;
	v3 =	vsel vm11, $0x0, v51;
	v54 =	vmul.f32 $1.442695020e+00, v25  }
0xbd: {  	[tilespmem:$0x580] =	vst v60;
	v60 =	vsel vm10, $0x40E00000, v0;
	vm11 =	vge.f32 v44, v40;
	(erf) = vrcp.f32 v43  }
0xbe: {  	[tilespmem:$0x430] =	vst v6;
	vm12 =	vge.f32 v21, v30;
	vm10 =	vge.f32 v28, v40;
	(erf) = vpow2.f32 v54  }
0xbf: {  	[tilespmem:$0x4A0] =	vst v10;
	vm13 =	vge.f32 v16, v20;
	vm14 =	vge.f32 v14, v20;
	vm15 =	vge.f32 v36, v30  }
0xc0: {  	[tilespmem:$0x510] =	vst v9;
	v55 =	vsub.f32 $1.000000000e+00, v19;
	vm4 =	vge.f32 v34, v30;
	vm5 =	vge.f32 v13, v20  }
0xc1: {  	[tilespmem:$0x440] =	vst v11;
	vm6 =	vge.f32 v31, v30;
	vm7 =	vge.f32 v29, v30;
	v56 =	vsel vm15, $0x40E00000, v0  }
0xc2: {  	[tilespmem:$0x520] =	vst v19;
	v2 =	vsel vm13, $0x40000000, v2;
	vm13 =	vge.f32 v42, v40;
	v7 =	vsel vm4, $0x40C00000, v56  }
0xc3: {  	[tilespmem:$0x450] =	vst v15;
	vm15 =	vge.f32 v41, v40;
	v2 =	vsel vm14, $0x3F800000, v2;
	v58 =	vsel vm6, $0x40A00000, v7  }
0xc4: {  	[tilespmem:$0x530] =	vst v32;
	vm14 =	vge.f32 v17, v30;
	vm4 =	vge.f32 v38, v40;
	v4 =	vsel vm7, $0x40800000, v58  }
0xc5: {  	[tilespmem:$0x4B0] =	vst v3;
	v2 =	vsel vm5, $0x0, v2;
	vm5 =	vge.f32 v37, v40;
	v3 =	vsel vm8, $0x40400000, v4  }
0xc6: {  	vm6 =	vge.f32 v33, v40;
	[tilespmem:$0x4C0] =	vst v2;
	v2 =	vsub.f32 $1.000000000e+00, v57;
	v3 =	vsel vm9, $0x40000000, v3;
	v61 =	vpop (erf)  }
0xc7: {  	[tilespmem:$0x460] =	vst v26;
	v47 =	vsub.f32 $1.000000000e+00, v9;
	v62 =	vsel vm11, $0x40C00000, v60;
	v3 =	vsel vm12, $0x3F800000, v3;
	v63 =	vpop (erf)  }
0xc8: {  	[tilespmem:$0x5B0] =	vst v59;
	v4 =	vsel vm13, $0x40A00000, v62;
	v3 =	vsel vm14, $0x0, v3;
	v6 =	vadd.f32 $1.000000000e+00, v63  }
0xc9: {  	[tilespmem:$0x540] =	vst v57;
	vm7 =	vge.f32 v1, v23;
	vm8 =	vge.f32 v53, v23;
	vm9 =	vge.f32 v52, v23  }
0xca: {  	[tilespmem:$0x470] =	vst v35;
	v4 =	vsel vm15, $0x40800000, v4;
	v1 =	vsel vm7, $0x40E00000, v0;
	(erf) = vrcp.f32 v6  }
0xcb: {  	[tilespmem:$0x5C0] =	vst v2;
	vm11 =	vge.f32 v50, v23;
	v2 =	vsel vm4, $0x40400000, v4;
	v1 =	vsel vm8, $0x40C00000, v1  }
0xcc: {  	[tilespmem:$0x5A0] =	vst v55;
	vm12 =	vge.f32 v49, v23;
	v2 =	vsel vm5, $0x40000000, v2;
	v1 =	vsel vm9, $0x40A00000, v1  }
0xcd: {  	[tilespmem:$0x550] =	vst v5;
	vm13 =	vge.f32 v48, v23;
	v2 =	vsel vm6, $0x3F800000, v2;
	v1 =	vsel vm11, $0x40800000, v1  }
0xce: {  	vm14 =	vge.f32 v46, v23;
	[tilespmem:$0x4D0] =	vst v3;
	v2 =	vsel vm10, $0x0, v2;
	v1 =	vsel vm12, $0x40400000, v1  }
0xcf: {  	v3 =	vsub.f32 $1.000000000e+00, v5;
	[tilespmem:$0x4E0] =	vst v2;
	v1 =	vsel vm13, $0x40000000, v1;
	v2 =	vsub.f32 $1.000000000e+00, v61  }
0xd0: {  	[tilespmem:$0x590] =	vst v47;
	vm15 =	vge.f32 v39, v23;
	v1 =	vsel vm14, $0x3F800000, v1  }
0xd1: {  	[tilespmem:$0x5D0] =	vst v3;
	v1 =	vsel vm15, $0x0, v1  }
0xd2: {  	[tilespmem:$0x4F0] =	vst v1  }
0xd3: {  	[tilespmem:$0x5E0] =	vst v2;
	v2 =	vpop (erf)  }
0xd4: {  	[tilespmem:$0x560] =	vst v61;
	v1 =	vsub.f32 $1.000000000e+00, v2  }
0xd5: {  	p0 =	sne.s32 s5, $0x1;
	[tilespmem:$0x570] =	vst v2  }
.Ltmp0:
0xd6: {  	[tilespmem:$0x5F0] =	vst v1;
	(pc) =	sbr.rel @p0 .LBB2_1-.Ltmp0, $4  }
0xd7: {  	[hbm4b:s4+s2] =	stream.linear.scatter [tilespmem:s7], [sflag:$0x1], $0x200, $0x38;
	[tilespmem:$0x600] =	vst v63  }
0xd8: {  	_ =	swait.ge [sflag:s6], $0x200  }
0xd9: {  	[sflag:s6] =	ssyncset.done $0x0  }
0xda: {  	s5 =	sadd.s32 $0xFFFFFFFF, s5;
	[sflag:s6] =	ssyncadd.s32 $0xFFFFFE00  }
0xdb: {  	_ =	sfence.sel $0x180000  }
0xdc: {  	[bflag:$0x0] =	sbarrier.arrive $0xFFFF  }
0xdd: {  	p0 =	sne.s32 s1, $0x0;
	_ =	strace $0x90000047  }
0xde: {  	s0 =	sadd.s32 @!p0 $0x100000, s0;
	[bflag:$0x2] =	sbarrier.arrive $0xFFFF  }
0xdf: {  	[sflag:s0] =	ssyncadd.tile.s32 @!p0 $0x1;
	_ =	shalt  }
.Lfunc_end2:
_tile_overlayer_lowered:
.L_overlay_start_2:
0xe0: {  	(tag) =	ssettag $0x2  }
0xe1: {  	s0 =	rddreg [dreg:$0x0];
	s2 =	stileid.u32  }
0xe2: {  	s1 =	rddreg [dreg:$0x1];
	p0 =	sne.s32 s2, $0x0  }
0xe3: {  	s3 =	rddreg [dreg:$0x2];
	[bflag:$0x3] =	sbarrier.arrive $0xFFFF;
	s2 =	simm.s32 @!p0 $0x1C01  }
0xe4: {  	[timem:s3], [sflag:s2] =	dma.local @!p0 [hbm:s0], s1  }
0xe5: {  	s0 =	simm.s32 @!p0 $0x1  }
0xe6: {  	_ =	swait.ge @!p0 [sflag:s0], s1  }
0xe7: {  	s1 =	ssub.s32 @!p0 $0x0, s1;
	[sflag:s0] =	ssyncset.done @!p0 $0x0  }
0xe8: {  	[sflag:s0] =	ssyncadd.s32 @!p0 s1  }
0xe9: {  	[bflag:$0x3] =	sbarrier.arrive $0xFFFF  }
0xea: {  	_ =	shalt  }

</sc_bundles>
